<compile_context>
chip_gen: v7x
topology: tpu7x:2x2x1
jax: 0.10.2.dev20260603
libtpu: 0.0.44.dev20260713+nightly
codegen_flags: <defaults>
</compile_context>

<pallas_src>
import functools

import jax
import jax.numpy as jnp
from jax import lax
from jax.experimental import pallas as pl
from jax.experimental.pallas import tpu as pltpu
from jax.experimental.pallas import tpu_sc as plsc

N_NODES = 10000
NP = 10240
NE = 320000
NC = 2
NS = 16
NW = NC * NS
CB = 128
TCH = (NE + CB - 1) // CB + 60
K0 = 80
K1 = 80
CH = TCH // NW
EP = TCH * CB
RPT = NP // NS
ZR = 32

assert NS * (K0 + K1) == TCH

_MESH = plsc.VectorSubcoreMesh(core_axis_name="c", subcore_axis_name="s")


def _fill_const(ref, n16, val):
  v = jnp.full((16,), val, jnp.float32)

  @pl.loop(0, n16)
  def _(t):
    if len(ref.shape) == 1:
      ref[pl.ds(t * 16, 16)] = v
    else:
      w16 = ref.shape[1] // 16
      i = t // w16
      j = t % w16
      ref[i, pl.ds(j * 16, 16)] = v


def _deg_body(srcd_hbm, dstd_hbm, dego_hbm, degi_hbm,
              srcv, dstv, ones_v, zb, dego, degi):
  c = lax.axis_index("c")
  s = lax.axis_index("s")
  wid = c * NS + s
  row0 = s * RPT

  _fill_const(ones_v, CB // 16, 1.0)
  _fill_const(zb, RPT // 16, 0.0)
  pltpu.sync_copy(zb, dego.at[pl.ds(row0, RPT)])
  pltpu.sync_copy(zb, degi.at[pl.ds(row0, RPT)])
  pltpu.sync_copy(srcd_hbm.at[pl.ds(wid * CH, CH)], srcv)
  pltpu.sync_copy(dstd_hbm.at[pl.ds(wid * CH, CH)], dstv)
  plsc.subcore_barrier()

  @pl.loop(0, CH)
  def _(k):
    pltpu.sync_copy(ones_v, dego.at[srcv.at[k]], add=True)
    pltpu.sync_copy(ones_v, degi.at[dstv.at[k]], add=True)

  plsc.subcore_barrier()
  pltpu.sync_copy(dego.at[pl.ds(row0, RPT)], dego_hbm.at[c, pl.ds(row0, RPT)])
  pltpu.sync_copy(degi.at[pl.ds(row0, RPT)], degi_hbm.at[c, pl.ds(row0, RPT)])


_deg_kernel = pl.kernel(
    _deg_body,
    out_type=(
        jax.ShapeDtypeStruct((NC, NP), jnp.float32),
        jax.ShapeDtypeStruct((NC, NP), jnp.float32),
    ),
    mesh=_MESH,
    scratch_types=(
        pltpu.VMEM((CH, CB), jnp.int32),
        pltpu.VMEM((CH, CB), jnp.int32),
        pltpu.VMEM((CB,), jnp.float32),
        pltpu.VMEM((RPT,), jnp.float32),
        pltpu.VMEM_SHARED((NP,), jnp.float32),
        pltpu.VMEM_SHARED((NP,), jnp.float32),
    ),
)


def _agg_body(xs_hbm, src_hbm, dst_hbm, out_hbm, srcv, dstv, rows0, zb, acc):
  c = lax.axis_index("c")
  s = lax.axis_index("s")
  row0 = s * RPT
  d = xs_hbm.shape[1]

  _fill_const(zb, ZR * d // 16, 0.0)

  @pl.loop(0, RPT // ZR)
  def _(j):
    pltpu.sync_copy(zb, acc.at[pl.ds(row0 + j * ZR, ZR)])

  plsc.subcore_barrier()

  def run(base, nk):
    pltpu.sync_copy(src_hbm.at[pl.ds(base, nk)], srcv.at[pl.ds(0, nk)])
    pltpu.sync_copy(dst_hbm.at[pl.ds(base, nk)], dstv.at[pl.ds(0, nk)])

    @pl.loop(0, nk)
    def _(k):
      pltpu.sync_copy(xs_hbm.at[srcv.at[k]], rows0)
      pltpu.sync_copy(rows0, acc.at[dstv.at[k]], add=True)

  @pl.when(c == 0)
  def _():
    run(s * K0, K0)

  @pl.when(c == 1)
  def _():
    run(NS * K0 + s * K1, K1)

  plsc.subcore_barrier()
  pltpu.sync_copy(acc.at[pl.ds(row0, RPT)], out_hbm.at[c, pl.ds(row0, RPT)])


@functools.cache
def _agg_kernel(d):
  return pl.kernel(
      _agg_body,
      out_type=jax.ShapeDtypeStruct((NC, NP, d), jnp.float32),
      mesh=_MESH,
      compiler_params=pltpu.CompilerParams(use_tc_tiling_on_sc=False),
      scratch_types=(
          pltpu.VMEM((K1, CB), jnp.int32),
          pltpu.VMEM((K1, CB), jnp.int32),
          pltpu.VMEM((CB, d), jnp.float32),
          pltpu.VMEM((ZR, d), jnp.float32),
          pltpu.VMEM_SHARED((NP, d), jnp.float32),
      ),
  )



RB = 1000
_G = N_NODES // RB


def _rows(w):
  return pl.BlockSpec((RB, w), lambda i: (i, 0))


def _full(a, b):
  return pl.BlockSpec((a, b), lambda i: (0, 0))


def _part(c, w):
  return pl.BlockSpec((1, RB, w), lambda i, c=c: (c, i, 0))


def _dot(a, w):
  return jnp.dot(a, w, precision=lax.Precision.HIGHEST,
                 preferred_element_type=jnp.float32)


def _bdot(a, w):
  return jnp.dot(a.astype(jnp.bfloat16), w.astype(jnp.bfloat16),
                 preferred_element_type=jnp.float32)


def _m0_body(x, do0, do1, di0, di1, xs1, ns, nd):
  nsv = lax.rsqrt(jnp.maximum(do0[...] + do1[...], 1.0))
  ndv = lax.rsqrt(jnp.maximum(di0[...] + di1[...], 1.0))
  ns[...] = nsv
  nd[...] = ndv
  xs1[...] = x[...] * nsv


def _m1_body(p0, p1, nd, ns, w1, b1, w2, xs2):
  a = (p0[0] + p1[0]) * nd[...]
  h = jnp.maximum(_bdot(a, w1[...]) + b1[...], 0.0)
  xs2[...] = _bdot(h * ns[...], w2[...])


def _m2_body(p0, p1, nd, ns, b2, w3, xs3):
  h = jnp.maximum((p0[0] + p1[0]) * nd[...] + b2[...], 0.0)
  xs3[...] = _dot(h * ns[...], w3[...])


def _m3_body(p0, p1, nd, ns, b3, xs4):
  xs4[...] = jnp.maximum((p0[0] + p1[0]) * nd[...] + b3[...], 0.0) * ns[...]


def _m4_body(p0, p1, nd, w4, b4, o):
  a = (p0[0] + p1[0]) * nd[...]
  o[...] = jnp.maximum(_dot(a, w4[...]) + b4[...], 0.0)


def _tc_call(body, in_specs, out_shapes, out_specs):
  return pl.pallas_call(
      body,
      grid=(_G,),
      in_specs=in_specs,
      out_specs=out_specs,
      out_shape=out_shapes,
  )


def kernel(x, edge_index, W1, b1, W2, b2, W3, b3, W4, b4):
  src = edge_index[0].astype(jnp.int32)
  dst = edge_index[1].astype(jnp.int32)
  pad = EP - NE
  pidx = jnp.arange(pad, dtype=jnp.int32)
  pad_src = pidx % N_NODES
  pad_dum = N_NODES + pidx % (NP - N_NODES)
  src2 = jnp.concatenate([src, pad_src]).reshape(TCH, CB)
  srcd2 = jnp.concatenate([src, pad_dum]).reshape(TCH, CB)
  dst2 = jnp.concatenate([dst, pad_dum]).reshape(TCH, CB)

  dego_p, degi_p = _deg_kernel(srcd2, dst2)
  do0 = dego_p[0, :N_NODES, None]
  do1 = dego_p[1, :N_NODES, None]
  di0 = degi_p[0, :N_NODES, None]
  di1 = degi_p[1, :N_NODES, None]

  xs1, ns, nd = _tc_call(
      _m0_body,
      [_rows(128), _rows(1), _rows(1), _rows(1), _rows(1)],
      (jax.ShapeDtypeStruct((N_NODES, 128), jnp.float32),
       jax.ShapeDtypeStruct((N_NODES, 1), jnp.float32),
       jax.ShapeDtypeStruct((N_NODES, 1), jnp.float32)),
      (_rows(128), _rows(1), _rows(1)),
  )(x, do0, do1, di0, di1)

  a1 = _agg_kernel(128)(xs1, src2, dst2)
  xs2 = _tc_call(
      _m1_body,
      [_part(0, 128), _part(1, 128), _rows(1), _rows(1),
       _full(128, 512), _full(1, 512), _full(512, 64)],
      jax.ShapeDtypeStruct((N_NODES, 64), jnp.float32),
      _rows(64),
  )(a1, a1, nd, ns, W1, b1[None, :], W2)

  a2 = _agg_kernel(64)(xs2, src2, dst2)
  xs3 = _tc_call(
      _m2_body,
      [_part(0, 64), _part(1, 64), _rows(1), _rows(1), _full(1, 64), _full(64, 16)],
      jax.ShapeDtypeStruct((N_NODES, 16), jnp.float32),
      _rows(16),
  )(a2, a2, nd, ns, b2[None, :], W3)

  a3 = _agg_kernel(16)(xs3, src2, dst2)
  xs4 = _tc_call(
      _m3_body,
      [_part(0, 16), _part(1, 16), _rows(1), _rows(1), _full(1, 16)],
      jax.ShapeDtypeStruct((N_NODES, 16), jnp.float32),
      _rows(16),
  )(a3, a3, nd, ns, b3[None, :])

  a4 = _agg_kernel(16)(xs4, src2, dst2)
  out = _tc_call(
      _m4_body,
      [_part(0, 16), _part(1, 16), _rows(1), _full(16, 128), _full(1, 128)],
      jax.ShapeDtypeStruct((N_NODES, 128), jnp.float32),
      _rows(128),
  )(a4, a4, nd, W4, b4[None, :])
  return out

# --- scband reference (transcript-rebuilt; emitter-appended) ---
"""Pipeline reference for scband-two-layer-gcn-2997887173231 (READ-ONLY COPY).

The authoritative reference and input builder live on the scoring server;
editing this copy changes nothing except your own understanding.
"""

import jax, jax.numpy as jnp
import numpy as np

N = 10000
E = 320000

def _glorot(key, shape):
    fan_in, fan_out = shape[0], shape[1]
    s = jnp.sqrt(6.0 / (fan_in + fan_out))
    return jax.random.uniform(key, shape, minval=-s, maxval=s, dtype=jnp.float32)

def setup_inputs(seed: int = 0) -> dict:
    key = jax.random.key(seed)
    ks = jax.random.split(key, 10)
    x = jax.random.normal(ks[0], (N, 128), dtype=jnp.float32)
    edge_index = jax.random.randint(ks[1], (2, E), 0, N, dtype=jnp.int64 if jax.config.jax_enable_x64 else jnp.int32).astype(jnp.int32)
    W1 = _glorot(ks[2], (128, 512)); b1 = jnp.zeros((512,), jnp.float32)
    W2 = _glorot(ks[3], (512, 64)); b2 = jnp.zeros((64,), jnp.float32)
    W3 = _glorot(ks[4], (64, 16));  b3 = jnp.zeros((16,), jnp.float32)
    W4 = _glorot(ks[5], (16, 128)); b4 = jnp.zeros((128,), jnp.float32)
    return {"x": x, "edge_index": edge_index, "W1": W1, "b1": b1, "W2": W2, "b2": b2, "W3": W3, "b3": b3, "W4": W4, "b4": b4}

def _graph_conv(x, W, b, src, dst, num_nodes):
    # dgl.nn.GraphConv with norm='both': D_dst^{-1/2} A^T D_src^{-1/2} X W + b
    ones = jnp.ones((src.shape[0],), jnp.float32)
    deg_out = jax.ops.segment_sum(ones, src, num_segments=num_nodes)
    deg_in = jax.ops.segment_sum(ones, dst, num_segments=num_nodes)
    norm_src = jax.lax.rsqrt(jnp.clip(deg_out, 1.0, None))
    norm_dst = jax.lax.rsqrt(jnp.clip(deg_in, 1.0, None))
    h = x * norm_src[:, None]
    h = h @ W  # linear, so commutes with aggregation (dgl applies W first when in>=out)
    msg = jnp.take(h, src, axis=0)
    agg = jax.ops.segment_sum(msg, dst, num_segments=num_nodes)
    return agg * norm_dst[:, None] + b

def reference(x, edge_index, W1, b1, W2, b2, W3, b3, W4, b4):
    src = edge_index[0]
    dst = edge_index[1]
    n = x.shape[0]
    h = jax.nn.relu(_graph_conv(x, W1, b1, src, dst, n))
    h = jax.nn.relu(_graph_conv(h, W2, b2, src, dst, n))  # dropout = identity in eval
    h = jax.nn.relu(_graph_conv(h, W3, b3, src, dst, n))
    h = jax.nn.relu(_graph_conv(h, W4, b4, src, dst, n))
    return h

if __name__ == "__main__":
    import jax
    _d = setup_inputs()
    print(jax.jit(kernel)(*tuple(_d.values())))

</pallas_src>

<mosaic_0001>
#map = affine_map<(d0, d1) -> (0, 0)>
module attributes {stable_mosaic.version = 14 : i64} {
  func.func @_deg_body(%arg0: i32, %arg1: i32, %arg2: memref<2560x128xi32, #tpu.memory_space<hbm>>, %arg3: memref<2560x128xi32, #tpu.memory_space<hbm>>, %arg4: memref<2x10240xf32, #tpu.memory_space<hbm>>, %arg5: memref<2x10240xf32, #tpu.memory_space<hbm>>, %arg6: memref<80x128xi32, #tpu.memory_space<vmem>>, %arg7: memref<80x128xi32, #tpu.memory_space<vmem>>, %arg8: memref<128xf32, #tpu.memory_space<vmem>>, %arg9: memref<640xf32, #tpu.memory_space<vmem>>, %arg10: memref<10240xf32, #tpu.memory_space<vmem_shared>>, %arg11: memref<10240xf32, #tpu.memory_space<vmem_shared>>) attributes {dimension_semantics = [#tpu.dimension_semantics<core_parallel>, #tpu.dimension_semantics<subcore_parallel>], iteration_bounds = array<i64: 2, 16>, scalar_prefetch = 0 : i64, scratch_operands = 6 : i64, tpu.core_type = #tpu.core_type<sc_vector_subcore>, window_params = [{transform_indices = #map}, {transform_indices = #map}, {transform_indices = #map}, {transform_indices = #map}]} {
    %mul3A = arith.constant 16 : i32
    %mul3A_0 = arith.muli %arg0, %mul3A : i32
    %add3A = arith.addi %mul3A_0, %arg1 : i32
    %mul3A_1 = arith.constant 640 : i32
    %mul3A_2 = arith.muli %arg1, %mul3A_1 : i32
    %broadcast_in_dim3A = arith.constant 1.000000e+00 : f32
    %broadcast_in_dim3A_3 = vector.broadcast %broadcast_in_dim3A : f32 to vector<16xf32>
    %scan3A = arith.constant 0 : i32
    %scan3A_4 = arith.constant 8 : i32
    %scan3A_5 = arith.addi %scan3A, %scan3A_4 : i32
    %scan3A_6 = arith.constant 1 : i32
    scf.for %scan3A_25 = %scan3A to %scan3A_5 step %scan3A_6  : i32 {
      %mul3A_26 = arith.constant 1 : i32
      %mul3A_27 = arith.muli %scan3A_25, %mul3A_26 : i32
      %add3A_28 = arith.constant 0 : i32
      %add3A_29 = arith.addi %add3A_28, %mul3A_27 : i32
      %mul3A_30 = arith.constant 16 : i32
      %mul3A_31 = arith.muli %add3A_29, %mul3A_30 : i32
      %swap3A = arith.index_cast %mul3A_31 : i32 to index
      %swap3A_32 = tpu.vector_load %arg8[%swap3A] {strides = array<i32>} : memref<128xf32, #tpu.memory_space<vmem>>, vector<16xf32>,
      %swap3A_33 = vector.shape_cast %swap3A_32 : vector<16xf32> to vector<16xf32>
      %swap3A_34 = vector.shape_cast %broadcast_in_dim3A_3 : vector<16xf32> to vector<16xf32>
      tpu.vector_store %arg8[%swap3A], %swap3A_34 {strides = array<i32>} : memref<128xf32, #tpu.memory_space<vmem>>, vector<16xf32>,
    }
    %scan3A_7 = arith.constant 8 : i32
    %broadcast_in_dim3A_8 = arith.constant 0.000000e+00 : f32
    %broadcast_in_dim3A_9 = vector.broadcast %broadcast_in_dim3A_8 : f32 to vector<16xf32>
    %scan3A_10 = arith.constant 0 : i32
    %scan3A_11 = arith.constant 40 : i32
    %scan3A_12 = arith.addi %scan3A_10, %scan3A_11 : i32
    %scan3A_13 = arith.constant 1 : i32
    scf.for %scan3A_25 = %scan3A_10 to %scan3A_12 step %scan3A_13  : i32 {
      %mul3A_26 = arith.constant 1 : i32
      %mul3A_27 = arith.muli %scan3A_25, %mul3A_26 : i32
      %add3A_28 = arith.constant 0 : i32
      %add3A_29 = arith.addi %add3A_28, %mul3A_27 : i32
      %mul3A_30 = arith.constant 16 : i32
      %mul3A_31 = arith.muli %add3A_29, %mul3A_30 : i32
      %swap3A = arith.index_cast %mul3A_31 : i32 to index
      %swap3A_32 = tpu.vector_load %arg9[%swap3A] {strides = array<i32>} : memref<640xf32, #tpu.memory_space<vmem>>, vector<16xf32>,
      %swap3A_33 = vector.shape_cast %swap3A_32 : vector<16xf32> to vector<16xf32>
      %swap3A_34 = vector.shape_cast %broadcast_in_dim3A_9 : vector<16xf32> to vector<16xf32>
      tpu.vector_store %arg9[%swap3A], %swap3A_34 {strides = array<i32>} : memref<640xf32, #tpu.memory_space<vmem>>, vector<16xf32>,
    }
    %scan3A_14 = arith.constant 40 : i32
    "tpu.region"() ({
      %run_scoped3A = tpu.sem_alloc : memref<!tpu.dma_semaphore, #tpu.memory_space<semaphore_mem>>
      %dma_start3A = tpu.memref_slice %arg10[%mul3A_2] : memref<10240xf32, #tpu.memory_space<vmem_shared>> -> memref<640xf32, #tpu.memory_space<vmem_shared>>
      %dma_start3A_25 = tpu.memref_slice %arg10[%mul3A_2] : memref<10240xf32, #tpu.memory_space<vmem_shared>> -> memref<640xf32, #tpu.memory_space<vmem_shared>>
      tpu.enqueue_dma source(%arg9 : memref<640xf32, #tpu.memory_space<vmem>>) target(%dma_start3A_25 : memref<640xf32, #tpu.memory_space<vmem_shared>>) target_semaphore(%run_scoped3A : memref<!tpu.dma_semaphore, #tpu.memory_space<semaphore_mem>>)
      %dma_wait3A = tpu.memref_slice %arg10[%mul3A_2] : memref<10240xf32, #tpu.memory_space<vmem_shared>> -> memref<640xf32, #tpu.memory_space<vmem_shared>>
      %dma_wait3A_26 = tpu.memref_slice %arg10[%mul3A_2] : memref<10240xf32, #tpu.memory_space<vmem_shared>> -> memref<640xf32, #tpu.memory_space<vmem_shared>>
      tpu.wait_dma2 semaphore(%run_scoped3A : memref<!tpu.dma_semaphore, #tpu.memory_space<semaphore_mem>>) src(%arg9 : memref<640xf32, #tpu.memory_space<vmem>>) dst(%dma_wait3A_26 : memref<640xf32, #tpu.memory_space<vmem_shared>>)
      tpu.yield
    }) : () -> ()
    "tpu.region"() ({
      %run_scoped3A = tpu.sem_alloc : memref<!tpu.dma_semaphore, #tpu.memory_space<semaphore_mem>>
      %dma_start3A = tpu.memref_slice %arg11[%mul3A_2] : memref<10240xf32, #tpu.memory_space<vmem_shared>> -> memref<640xf32, #tpu.memory_space<vmem_shared>>
      %dma_start3A_25 = tpu.memref_slice %arg11[%mul3A_2] : memref<10240xf32, #tpu.memory_space<vmem_shared>> -> memref<640xf32, #tpu.memory_space<vmem_shared>>
      tpu.enqueue_dma source(%arg9 : memref<640xf32, #tpu.memory_space<vmem>>) target(%dma_start3A_25 : memref<640xf32, #tpu.memory_space<vmem_shared>>) target_semaphore(%run_scoped3A : memref<!tpu.dma_semaphore, #tpu.memory_space<semaphore_mem>>)
      %dma_wait3A = tpu.memref_slice %arg11[%mul3A_2] : memref<10240xf32, #tpu.memory_space<vmem_shared>> -> memref<640xf32, #tpu.memory_space<vmem_shared>>
      %dma_wait3A_26 = tpu.memref_slice %arg11[%mul3A_2] : memref<10240xf32, #tpu.memory_space<vmem_shared>> -> memref<640xf32, #tpu.memory_space<vmem_shared>>
      tpu.wait_dma2 semaphore(%run_scoped3A : memref<!tpu.dma_semaphore, #tpu.memory_space<semaphore_mem>>) src(%arg9 : memref<640xf32, #tpu.memory_space<vmem>>) dst(%dma_wait3A_26 : memref<640xf32, #tpu.memory_space<vmem_shared>>)
      tpu.yield
    }) : () -> ()
    %mul3A_15 = arith.constant 80 : i32
    %mul3A_16 = arith.muli %add3A, %mul3A_15 : i32
    "tpu.region"() ({
      %run_scoped3A = tpu.sem_alloc : memref<!tpu.dma_semaphore, #tpu.memory_space<semaphore_mem>>
      %dma_start3A = arith.constant 0 : i32
      %dma_start3A_25 = tpu.memref_slice %arg2[%mul3A_16, %dma_start3A] : memref<2560x128xi32, #tpu.memory_space<hbm>> -> memref<80x128xi32, #tpu.memory_space<hbm>>
      %dma_start3A_26 = arith.constant 0 : i32
      %dma_start3A_27 = tpu.memref_slice %arg2[%mul3A_16, %dma_start3A_26] : memref<2560x128xi32, #tpu.memory_space<hbm>> -> memref<80x128xi32, #tpu.memory_space<hbm>>
      tpu.enqueue_dma source(%dma_start3A_27 : memref<80x128xi32, #tpu.memory_space<hbm>>) target(%arg6 : memref<80x128xi32, #tpu.memory_space<vmem>>) target_semaphore(%run_scoped3A : memref<!tpu.dma_semaphore, #tpu.memory_space<semaphore_mem>>)
      %dma_wait3A = arith.constant 0 : i32
      %dma_wait3A_28 = tpu.memref_slice %arg2[%mul3A_16, %dma_wait3A] : memref<2560x128xi32, #tpu.memory_space<hbm>> -> memref<80x128xi32, #tpu.memory_space<hbm>>
      %dma_wait3A_29 = arith.constant 0 : i32
      %dma_wait3A_30 = tpu.memref_slice %arg2[%mul3A_16, %dma_wait3A_29] : memref<2560x128xi32, #tpu.memory_space<hbm>> -> memref<80x128xi32, #tpu.memory_space<hbm>>
      tpu.wait_dma2 semaphore(%run_scoped3A : memref<!tpu.dma_semaphore, #tpu.memory_space<semaphore_mem>>) src(%dma_wait3A_30 : memref<80x128xi32, #tpu.memory_space<hbm>>) dst(%arg6 : memref<80x128xi32, #tpu.memory_space<vmem>>)
      tpu.yield
    }) : () -> ()
    %mul3A_17 = arith.constant 80 : i32
    %mul3A_18 = arith.muli %add3A, %mul3A_17 : i32
    "tpu.region"() ({
      %run_scoped3A = tpu.sem_alloc : memref<!tpu.dma_semaphore, #tpu.memory_space<semaphore_mem>>
      %dma_start3A = arith.constant 0 : i32
      %dma_start3A_25 = tpu.memref_slice %arg3[%mul3A_18, %dma_start3A] : memref<2560x128xi32, #tpu.memory_space<hbm>> -> memref<80x128xi32, #tpu.memory_space<hbm>>
      %dma_start3A_26 = arith.constant 0 : i32
      %dma_start3A_27 = tpu.memref_slice %arg3[%mul3A_18, %dma_start3A_26] : memref<2560x128xi32, #tpu.memory_space<hbm>> -> memref<80x128xi32, #tpu.memory_space<hbm>>
      tpu.enqueue_dma source(%dma_start3A_27 : memref<80x128xi32, #tpu.memory_space<hbm>>) target(%arg7 : memref<80x128xi32, #tpu.memory_space<vmem>>) target_semaphore(%run_scoped3A : memref<!tpu.dma_semaphore, #tpu.memory_space<semaphore_mem>>)
      %dma_wait3A = arith.constant 0 : i32
      %dma_wait3A_28 = tpu.memref_slice %arg3[%mul3A_18, %dma_wait3A] : memref<2560x128xi32, #tpu.memory_space<hbm>> -> memref<80x128xi32, #tpu.memory_space<hbm>>
      %dma_wait3A_29 = arith.constant 0 : i32
      %dma_wait3A_30 = tpu.memref_slice %arg3[%mul3A_18, %dma_wait3A_29] : memref<2560x128xi32, #tpu.memory_space<hbm>> -> memref<80x128xi32, #tpu.memory_space<hbm>>
      tpu.wait_dma2 semaphore(%run_scoped3A : memref<!tpu.dma_semaphore, #tpu.memory_space<semaphore_mem>>) src(%dma_wait3A_30 : memref<80x128xi32, #tpu.memory_space<hbm>>) dst(%arg7 : memref<80x128xi32, #tpu.memory_space<vmem>>)
      tpu.yield
    }) : () -> ()
    %barrier3A = arith.constant 0 : index
    tpu.barrier barrier_id(%barrier3A)
    %scan3A_19 = arith.constant 0 : i32
    %scan3A_20 = arith.constant 80 : i32
    %scan3A_21 = arith.addi %scan3A_19, %scan3A_20 : i32
    %scan3A_22 = arith.constant 1 : i32
    scf.for %scan3A_25 = %scan3A_19 to %scan3A_21 step %scan3A_22  : i32 {
      %mul3A_26 = arith.constant 1 : i32
      %mul3A_27 = arith.muli %scan3A_25, %mul3A_26 : i32
      %add3A_28 = arith.constant 0 : i32
      %add3A_29 = arith.addi %add3A_28, %mul3A_27 : i32
      "tpu.region"() ({
        %run_scoped3A = tpu.sem_alloc : memref<!tpu.dma_semaphore, #tpu.memory_space<semaphore_mem>>
        %dma_start3A = arith.constant 0 : i32
        %dma_start3A_30 = tpu.memref_slice %arg6[%add3A_29, %dma_start3A] : memref<80x128xi32, #tpu.memory_space<vmem>> -> memref<1x128xi32, #tpu.memory_space<vmem>>
        %dma_start3A_31 = tpu.memref_squeeze %dma_start3A_30 : memref<1x128xi32, #tpu.memory_space<vmem>> -> memref<128xi32, #tpu.memory_space<vmem>>
        %dma_start3A_32 = arith.constant 0 : i32
        %dma_start3A_33 = tpu.memref_slice %arg10[%dma_start3A_32] : memref<10240xf32, #tpu.memory_space<vmem_shared>> -> memref<10240xf32, #tpu.memory_space<vmem_shared>>
        tpu.enqueue_indirect_dma source(%arg8 : memref<128xf32, #tpu.memory_space<vmem>>) target(%dma_start3A_33 : memref<10240xf32, #tpu.memory_space<vmem_shared>>) offsets(%dma_start3A_31 : memref<128xi32, #tpu.memory_space<vmem>>) semaphore(%run_scoped3A : memref<!tpu.dma_semaphore, #tpu.memory_space<semaphore_mem>>) {add = true}
        %dma_wait3A = arith.constant 0 : i32
        %dma_wait3A_34 = tpu.memref_slice %arg6[%add3A_29, %dma_wait3A] : memref<80x128xi32, #tpu.memory_space<vmem>> -> memref<1x128xi32, #tpu.memory_space<vmem>>
        %dma_wait3A_35 = tpu.memref_squeeze %dma_wait3A_34 : memref<1x128xi32, #tpu.memory_space<vmem>> -> memref<128xi32, #tpu.memory_space<vmem>>
        %dma_wait3A_36 = arith.constant 0 : i32
        %dma_wait3A_37 = tpu.memref_slice %arg10[%dma_wait3A_36] : memref<10240xf32, #tpu.memory_space<vmem_shared>> -> memref<10240xf32, #tpu.memory_space<vmem_shared>>
        tpu.wait_indirect_dma semaphore(%run_scoped3A : memref<!tpu.dma_semaphore, #tpu.memory_space<semaphore_mem>>) src(%arg8 : memref<128xf32, #tpu.memory_space<vmem>>) dst(%dma_wait3A_37 : memref<10240xf32, #tpu.memory_space<vmem_shared>>)
        tpu.yield
      }) : () -> ()
      "tpu.region"() ({
        %run_scoped3A = tpu.sem_alloc : memref<!tpu.dma_semaphore, #tpu.memory_space<semaphore_mem>>
        %dma_start3A = arith.constant 0 : i32
        %dma_start3A_30 = tpu.memref_slice %arg7[%add3A_29, %dma_start3A] : memref<80x128xi32, #tpu.memory_space<vmem>> -> memref<1x128xi32, #tpu.memory_space<vmem>>
        %dma_start3A_31 = tpu.memref_squeeze %dma_start3A_30 : memref<1x128xi32, #tpu.memory_space<vmem>> -> memref<128xi32, #tpu.memory_space<vmem>>
        %dma_start3A_32 = arith.constant 0 : i32
        %dma_start3A_33 = tpu.memref_slice %arg11[%dma_start3A_32] : memref<10240xf32, #tpu.memory_space<vmem_shared>> -> memref<10240xf32, #tpu.memory_space<vmem_shared>>
        tpu.enqueue_indirect_dma source(%arg8 : memref<128xf32, #tpu.memory_space<vmem>>) target(%dma_start3A_33 : memref<10240xf32, #tpu.memory_space<vmem_shared>>) offsets(%dma_start3A_31 : memref<128xi32, #tpu.memory_space<vmem>>) semaphore(%run_scoped3A : memref<!tpu.dma_semaphore, #tpu.memory_space<semaphore_mem>>) {add = true}
        %dma_wait3A = arith.constant 0 : i32
        %dma_wait3A_34 = tpu.memref_slice %arg7[%add3A_29, %dma_wait3A] : memref<80x128xi32, #tpu.memory_space<vmem>> -> memref<1x128xi32, #tpu.memory_space<vmem>>
        %dma_wait3A_35 = tpu.memref_squeeze %dma_wait3A_34 : memref<1x128xi32, #tpu.memory_space<vmem>> -> memref<128xi32, #tpu.memory_space<vmem>>
        %dma_wait3A_36 = arith.constant 0 : i32
        %dma_wait3A_37 = tpu.memref_slice %arg11[%dma_wait3A_36] : memref<10240xf32, #tpu.memory_space<vmem_shared>> -> memref<10240xf32, #tpu.memory_space<vmem_shared>>
        tpu.wait_indirect_dma semaphore(%run_scoped3A : memref<!tpu.dma_semaphore, #tpu.memory_space<semaphore_mem>>) src(%arg8 : memref<128xf32, #tpu.memory_space<vmem>>) dst(%dma_wait3A_37 : memref<10240xf32, #tpu.memory_space<vmem_shared>>)
        tpu.yield
      }) : () -> ()
    }
    %scan3A_23 = arith.constant 80 : i32
    %barrier3A_24 = arith.constant 0 : index
    tpu.barrier barrier_id(%barrier3A_24)
    "tpu.region"() ({
      %run_scoped3A = tpu.sem_alloc : memref<!tpu.dma_semaphore, #tpu.memory_space<semaphore_mem>>
      %dma_start3A = tpu.memref_slice %arg4[%arg0, %mul3A_2] : memref<2x10240xf32, #tpu.memory_space<hbm>> -> memref<1x640xf32, #tpu.memory_space<hbm>>
      %dma_start3A_25 = tpu.memref_squeeze %dma_start3A : memref<1x640xf32, #tpu.memory_space<hbm>> -> memref<640xf32, #tpu.memory_space<hbm>>
      %dma_start3A_26 = tpu.memref_slice %arg10[%mul3A_2] : memref<10240xf32, #tpu.memory_space<vmem_shared>> -> memref<640xf32, #tpu.memory_space<vmem_shared>>
      tpu.enqueue_dma source(%dma_start3A_26 : memref<640xf32, #tpu.memory_space<vmem_shared>>) target(%dma_start3A_25 : memref<640xf32, #tpu.memory_space<hbm>>) target_semaphore(%run_scoped3A : memref<!tpu.dma_semaphore, #tpu.memory_space<semaphore_mem>>)
      %dma_wait3A = tpu.memref_slice %arg4[%arg0, %mul3A_2] : memref<2x10240xf32, #tpu.memory_space<hbm>> -> memref<1x640xf32, #tpu.memory_space<hbm>>
      %dma_wait3A_27 = tpu.memref_squeeze %dma_wait3A : memref<1x640xf32, #tpu.memory_space<hbm>> -> memref<640xf32, #tpu.memory_space<hbm>>
      %dma_wait3A_28 = tpu.memref_slice %arg10[%mul3A_2] : memref<10240xf32, #tpu.memory_space<vmem_shared>> -> memref<640xf32, #tpu.memory_space<vmem_shared>>
      tpu.wait_dma2 semaphore(%run_scoped3A : memref<!tpu.dma_semaphore, #tpu.memory_space<semaphore_mem>>) src(%dma_wait3A_28 : memref<640xf32, #tpu.memory_space<vmem_shared>>) dst(%dma_wait3A_27 : memref<640xf32, #tpu.memory_space<hbm>>)
      tpu.yield
    }) : () -> ()
    "tpu.region"() ({
      %run_scoped3A = tpu.sem_alloc : memref<!tpu.dma_semaphore, #tpu.memory_space<semaphore_mem>>
      %dma_start3A = tpu.memref_slice %arg5[%arg0, %mul3A_2] : memref<2x10240xf32, #tpu.memory_space<hbm>> -> memref<1x640xf32, #tpu.memory_space<hbm>>
      %dma_start3A_25 = tpu.memref_squeeze %dma_start3A : memref<1x640xf32, #tpu.memory_space<hbm>> -> memref<640xf32, #tpu.memory_space<hbm>>
      %dma_start3A_26 = tpu.memref_slice %arg11[%mul3A_2] : memref<10240xf32, #tpu.memory_space<vmem_shared>> -> memref<640xf32, #tpu.memory_space<vmem_shared>>
      tpu.enqueue_dma source(%dma_start3A_26 : memref<640xf32, #tpu.memory_space<vmem_shared>>) target(%dma_start3A_25 : memref<640xf32, #tpu.memory_space<hbm>>) target_semaphore(%run_scoped3A : memref<!tpu.dma_semaphore, #tpu.memory_space<semaphore_mem>>)
      %dma_wait3A = tpu.memref_slice %arg5[%arg0, %mul3A_2] : memref<2x10240xf32, #tpu.memory_space<hbm>> -> memref<1x640xf32, #tpu.memory_space<hbm>>
      %dma_wait3A_27 = tpu.memref_squeeze %dma_wait3A : memref<1x640xf32, #tpu.memory_space<hbm>> -> memref<640xf32, #tpu.memory_space<hbm>>
      %dma_wait3A_28 = tpu.memref_slice %arg11[%mul3A_2] : memref<10240xf32, #tpu.memory_space<vmem_shared>> -> memref<640xf32, #tpu.memory_space<vmem_shared>>
      tpu.wait_dma2 semaphore(%run_scoped3A : memref<!tpu.dma_semaphore, #tpu.memory_space<semaphore_mem>>) src(%dma_wait3A_28 : memref<640xf32, #tpu.memory_space<vmem_shared>>) dst(%dma_wait3A_27 : memref<640xf32, #tpu.memory_space<hbm>>)
      tpu.yield
    }) : () -> ()
    return
  }
}

#map = affine_map<(d0, d1) -> (0, 0)>
#map1 = affine_map<(d0, d1) -> (0, 0, 0)>
module attributes {stable_mosaic.version = 14 : i64} {
  func.func @_agg_body(%arg0: i32, %arg1: i32, %arg2: memref<10000x128xf32, #tpu.memory_space<hbm>>, %arg3: memref<2560x128xi32, #tpu.memory_space<hbm>>, %arg4: memref<2560x128xi32, #tpu.memory_space<hbm>>, %arg5: memref<2x10240x128xf32, #tpu.memory_space<hbm>>, %arg6: memref<80x128xi32, #tpu.memory_space<vmem>>, %arg7: memref<80x128xi32, #tpu.memory_space<vmem>>, %arg8: memref<128x128xf32, #tpu.memory_space<vmem>>, %arg9: memref<32x128xf32, #tpu.memory_space<vmem>>, %arg10: memref<10240x128xf32, #tpu.memory_space<vmem_shared>>) attributes {dimension_semantics = [#tpu.dimension_semantics<core_parallel>, #tpu.dimension_semantics<subcore_parallel>], iteration_bounds = array<i64: 2, 16>, scalar_prefetch = 0 : i64, scratch_operands = 5 : i64, tpu.core_type = #tpu.core_type<sc_vector_subcore>, window_params = [{transform_indices = #map}, {transform_indices = #map}, {transform_indices = #map}, {transform_indices = #map1}]} {
    %mul3A = arith.constant 640 : i32
    %mul3A_0 = arith.muli %arg1, %mul3A : i32
    %broadcast_in_dim3A = arith.constant 0.000000e+00 : f32
    %broadcast_in_dim3A_1 = vector.broadcast %broadcast_in_dim3A : f32 to vector<16xf32>
    %scan3A = arith.constant 0 : i32
    %scan3A_2 = arith.constant 256 : i32
    %scan3A_3 = arith.addi %scan3A, %scan3A_2 : i32
    %scan3A_4 = arith.constant 1 : i32
    scf.for %scan3A_19 = %scan3A to %scan3A_3 step %scan3A_4  : i32 {
      %mul3A_20 = arith.constant 1 : i32
      %mul3A_21 = arith.muli %scan3A_19, %mul3A_20 : i32
      %add3A = arith.constant 0 : i32
      %add3A_22 = arith.addi %add3A, %mul3A_21 : i32
      %jit3A = arith.constant 8 : i32
      %div3A = arith.divsi %add3A_22, %jit3A : i32
      %sign3A = arith.constant 0 : i32
      %sign3A_23 = arith.cmpi sgt, %add3A_22, %sign3A : i32
      %sign3A_24 = arith.extui %sign3A_23 : i1 to i32
      %sign3A_25 = arith.constant 0 : i32
      %sign3A_26 = arith.cmpi slt, %add3A_22, %sign3A_25 : i32
      %sign3A_27 = arith.extui %sign3A_26 : i1 to i32
      %sign3A_28 = arith.subi %sign3A_24, %sign3A_27 : i32
      %sign3A_29 = arith.constant 0 : i32
      %sign3A_30 = arith.cmpi sgt, %jit3A, %sign3A_29 : i32
      %sign3A_31 = arith.extui %sign3A_30 : i1 to i32
      %sign3A_32 = arith.constant 0 : i32
      %sign3A_33 = arith.cmpi slt, %jit3A, %sign3A_32 : i32
      %sign3A_34 = arith.extui %sign3A_33 : i1 to i32
      %sign3A_35 = arith.subi %sign3A_31, %sign3A_34 : i32
      %ne3A = arith.cmpi ne, %sign3A_28, %sign3A_35 : i32
      %rem3A = arith.remsi %add3A_22, %jit3A : i32
      %ne3A_36 = arith.constant 0 : i32
      %ne3A_37 = arith.cmpi ne, %rem3A, %ne3A_36 : i32
      %and3A = arith.andi %ne3A, %ne3A_37 : i1
      %sub3A = arith.constant 1 : i32
      %sub3A_38 = arith.subi %div3A, %sub3A : i32
      %select_n3A = arith.select %and3A, %sub3A_38, %div3A : i32
      %jit3A_39 = arith.constant 8 : i32
      %eq3A_40 = arith.constant 0 : i32
      %eq3A_41 = arith.cmpi eq, %jit3A_39, %eq3A_40 : i32
      %jit3A_42 = arith.constant 1 : i32
      %select_n3A_43 = arith.select %eq3A_41, %jit3A_42, %jit3A_39 : i32
      %rem3A_44 = arith.remsi %add3A_22, %select_n3A_43 : i32
      %ne3A_45 = arith.constant 0 : i32
      %ne3A_46 = arith.cmpi ne, %rem3A_44, %ne3A_45 : i32
      %lt3A = arith.constant 0 : i32
      %lt3A_47 = arith.cmpi slt, %rem3A_44, %lt3A : i32
      %lt3A_48 = arith.constant 0 : i32
      %lt3A_49 = arith.cmpi slt, %select_n3A_43, %lt3A_48 : i32
      %ne3A_50 = arith.xori %lt3A_47, %lt3A_49 : i1
      %and3A_51 = arith.andi %ne3A_50, %ne3A_46 : i1
      %add3A_52 = arith.addi %rem3A_44, %select_n3A_43 : i32
      %select_n3A_53 = arith.select %and3A_51, %add3A_52, %rem3A_44 : i32
      %mul3A_54 = arith.constant 16 : i32
      %mul3A_55 = arith.muli %select_n3A_53, %mul3A_54 : i32
      %swap3A = arith.index_cast %select_n3A : i32 to index
      %swap3A_56 = arith.index_cast %mul3A_55 : i32 to index
      %swap3A_57 = tpu.vector_load %arg9[%swap3A, %swap3A_56] {strides = array<i32>} : memref<32x128xf32, #tpu.memory_space<vmem>>, vector<1x16xf32>,
      %swap3A_58 = vector.shape_cast %swap3A_57 : vector<1x16xf32> to vector<16xf32>
      %swap3A_59 = vector.shape_cast %broadcast_in_dim3A_1 : vector<16xf32> to vector<1x16xf32>
      tpu.vector_store %arg9[%swap3A, %swap3A_56], %swap3A_59 {strides = array<i32>} : memref<32x128xf32, #tpu.memory_space<vmem>>, vector<1x16xf32>,
    }
    %scan3A_5 = arith.constant 256 : i32
    %scan3A_6 = arith.constant 0 : i32
    %scan3A_7 = arith.constant 20 : i32
    %scan3A_8 = arith.addi %scan3A_6, %scan3A_7 : i32
    %scan3A_9 = arith.constant 1 : i32
    scf.for %scan3A_19 = %scan3A_6 to %scan3A_8 step %scan3A_9  : i32 {
      %mul3A_20 = arith.constant 1 : i32
      %mul3A_21 = arith.muli %scan3A_19, %mul3A_20 : i32
      %add3A = arith.constant 0 : i32
      %add3A_22 = arith.addi %add3A, %mul3A_21 : i32
      %mul3A_23 = arith.constant 32 : i32
      %mul3A_24 = arith.muli %add3A_22, %mul3A_23 : i32
      %add3A_25 = arith.addi %mul3A_0, %mul3A_24 : i32
      "tpu.region"() ({
        %run_scoped3A = tpu.sem_alloc : memref<!tpu.dma_semaphore, #tpu.memory_space<semaphore_mem>>
        %dma_start3A = arith.constant 0 : i32
        %dma_start3A_26 = tpu.memref_slice %arg10[%add3A_25, %dma_start3A] : memref<10240x128xf32, #tpu.memory_space<vmem_shared>> -> memref<32x128xf32, #tpu.memory_space<vmem_shared>>
        %dma_start3A_27 = arith.constant 0 : i32
        %dma_start3A_28 = tpu.memref_slice %arg10[%add3A_25, %dma_start3A_27] : memref<10240x128xf32, #tpu.memory_space<vmem_shared>> -> memref<32x128xf32, #tpu.memory_space<vmem_shared>>
        tpu.enqueue_dma source(%arg9 : memref<32x128xf32, #tpu.memory_space<vmem>>) target(%dma_start3A_28 : memref<32x128xf32, #tpu.memory_space<vmem_shared>>) target_semaphore(%run_scoped3A : memref<!tpu.dma_semaphore, #tpu.memory_space<semaphore_mem>>)
        %dma_wait3A = arith.constant 0 : i32
        %dma_wait3A_29 = tpu.memref_slice %arg10[%add3A_25, %dma_wait3A] : memref<10240x128xf32, #tpu.memory_space<vmem_shared>> -> memref<32x128xf32, #tpu.memory_space<vmem_shared>>
        %dma_wait3A_30 = arith.constant 0 : i32
        %dma_wait3A_31 = tpu.memref_slice %arg10[%add3A_25, %dma_wait3A_30] : memref<10240x128xf32, #tpu.memory_space<vmem_shared>> -> memref<32x128xf32, #tpu.memory_space<vmem_shared>>
        tpu.wait_dma2 semaphore(%run_scoped3A : memref<!tpu.dma_semaphore, #tpu.memory_space<semaphore_mem>>) src(%arg9 : memref<32x128xf32, #tpu.memory_space<vmem>>) dst(%dma_wait3A_31 : memref<32x128xf32, #tpu.memory_space<vmem_shared>>)
        tpu.yield
      }) : () -> ()
    }
    %scan3A_10 = arith.constant 20 : i32
    %barrier3A = arith.constant 0 : index
    tpu.barrier barrier_id(%barrier3A)
    %eq3A = arith.constant 0 : i32
    %eq3A_11 = arith.cmpi eq, %arg0, %eq3A : i32
    %convert_element_type3A = arith.extui %eq3A_11 : i1 to i32
    %cond3A = arith.constant 0 : i32
    %cond3A_12 = arith.cmpi ne, %convert_element_type3A, %cond3A : i32
    scf.if %cond3A_12 {
      %mul3A_19 = arith.constant 80 : i32
      %mul3A_20 = arith.muli %arg1, %mul3A_19 : i32
      "tpu.region"() ({
        %run_scoped3A = tpu.sem_alloc : memref<!tpu.dma_semaphore, #tpu.memory_space<semaphore_mem>>
        %dma_start3A = arith.constant 0 : i32
        %dma_start3A_26 = arith.constant 0 : i32
        %dma_start3A_27 = tpu.memref_slice %arg6[%dma_start3A, %dma_start3A_26] : memref<80x128xi32, #tpu.memory_space<vmem>> -> memref<80x128xi32, #tpu.memory_space<vmem>>
        %dma_start3A_28 = arith.constant 0 : i32
        %dma_start3A_29 = tpu.memref_slice %arg3[%mul3A_20, %dma_start3A_28] : memref<2560x128xi32, #tpu.memory_space<hbm>> -> memref<80x128xi32, #tpu.memory_space<hbm>>
        %dma_start3A_30 = arith.constant 0 : i32
        %dma_start3A_31 = arith.constant 0 : i32
        %dma_start3A_32 = tpu.memref_slice %arg6[%dma_start3A_30, %dma_start3A_31] : memref<80x128xi32, #tpu.memory_space<vmem>> -> memref<80x128xi32, #tpu.memory_space<vmem>>
        %dma_start3A_33 = arith.constant 0 : i32
        %dma_start3A_34 = tpu.memref_slice %arg3[%mul3A_20, %dma_start3A_33] : memref<2560x128xi32, #tpu.memory_space<hbm>> -> memref<80x128xi32, #tpu.memory_space<hbm>>
        tpu.enqueue_dma source(%dma_start3A_34 : memref<80x128xi32, #tpu.memory_space<hbm>>) target(%dma_start3A_32 : memref<80x128xi32, #tpu.memory_space<vmem>>) target_semaphore(%run_scoped3A : memref<!tpu.dma_semaphore, #tpu.memory_space<semaphore_mem>>)
        %dma_wait3A = arith.constant 0 : i32
        %dma_wait3A_35 = arith.constant 0 : i32
        %dma_wait3A_36 = tpu.memref_slice %arg6[%dma_wait3A, %dma_wait3A_35] : memref<80x128xi32, #tpu.memory_space<vmem>> -> memref<80x128xi32, #tpu.memory_space<vmem>>
        %dma_wait3A_37 = arith.constant 0 : i32
        %dma_wait3A_38 = tpu.memref_slice %arg3[%mul3A_20, %dma_wait3A_37] : memref<2560x128xi32, #tpu.memory_space<hbm>> -> memref<80x128xi32, #tpu.memory_space<hbm>>
        %dma_wait3A_39 = arith.constant 0 : i32
        %dma_wait3A_40 = arith.constant 0 : i32
        %dma_wait3A_41 = tpu.memref_slice %arg6[%dma_wait3A_39, %dma_wait3A_40] : memref<80x128xi32, #tpu.memory_space<vmem>> -> memref<80x128xi32, #tpu.memory_space<vmem>>
        %dma_wait3A_42 = arith.constant 0 : i32
        %dma_wait3A_43 = tpu.memref_slice %arg3[%mul3A_20, %dma_wait3A_42] : memref<2560x128xi32, #tpu.memory_space<hbm>> -> memref<80x128xi32, #tpu.memory_space<hbm>>
        tpu.wait_dma2 semaphore(%run_scoped3A : memref<!tpu.dma_semaphore, #tpu.memory_space<semaphore_mem>>) src(%dma_wait3A_43 : memref<80x128xi32, #tpu.memory_space<hbm>>) dst(%dma_wait3A_41 : memref<80x128xi32, #tpu.memory_space<vmem>>)
        tpu.yield
      }) : () -> ()
      "tpu.region"() ({
        %run_scoped3A = tpu.sem_alloc : memref<!tpu.dma_semaphore, #tpu.memory_space<semaphore_mem>>
        %dma_start3A = arith.constant 0 : i32
        %dma_start3A_26 = arith.constant 0 : i32
        %dma_start3A_27 = tpu.memref_slice %arg7[%dma_start3A, %dma_start3A_26] : memref<80x128xi32, #tpu.memory_space<vmem>> -> memref<80x128xi32, #tpu.memory_space<vmem>>
        %dma_start3A_28 = arith.constant 0 : i32
        %dma_start3A_29 = tpu.memref_slice %arg4[%mul3A_20, %dma_start3A_28] : memref<2560x128xi32, #tpu.memory_space<hbm>> -> memref<80x128xi32, #tpu.memory_space<hbm>>
        %dma_start3A_30 = arith.constant 0 : i32
        %dma_start3A_31 = arith.constant 0 : i32
        %dma_start3A_32 = tpu.memref_slice %arg7[%dma_start3A_30, %dma_start3A_31] : memref<80x128xi32, #tpu.memory_space<vmem>> -> memref<80x128xi32, #tpu.memory_space<vmem>>
        %dma_start3A_33 = arith.constant 0 : i32
        %dma_start3A_34 = tpu.memref_slice %arg4[%mul3A_20, %dma_start3A_33] : memref<2560x128xi32, #tpu.memory_space<hbm>> -> memref<80x128xi32, #tpu.memory_space<hbm>>
        tpu.enqueue_dma source(%dma_start3A_34 : memref<80x128xi32, #tpu.memory_space<hbm>>) target(%dma_start3A_32 : memref<80x128xi32, #tpu.memory_space<vmem>>) target_semaphore(%run_scoped3A : memref<!tpu.dma_semaphore, #tpu.memory_space<semaphore_mem>>)
        %dma_wait3A = arith.constant 0 : i32
        %dma_wait3A_35 = arith.constant 0 : i32
        %dma_wait3A_36 = tpu.memref_slice %arg7[%dma_wait3A, %dma_wait3A_35] : memref<80x128xi32, #tpu.memory_space<vmem>> -> memref<80x128xi32, #tpu.memory_space<vmem>>
        %dma_wait3A_37 = arith.constant 0 : i32
        %dma_wait3A_38 = tpu.memref_slice %arg4[%mul3A_20, %dma_wait3A_37] : memref<2560x128xi32, #tpu.memory_space<hbm>> -> memref<80x128xi32, #tpu.memory_space<hbm>>
        %dma_wait3A_39 = arith.constant 0 : i32
        %dma_wait3A_40 = arith.constant 0 : i32
        %dma_wait3A_41 = tpu.memref_slice %arg7[%dma_wait3A_39, %dma_wait3A_40] : memref<80x128xi32, #tpu.memory_space<vmem>> -> memref<80x128xi32, #tpu.memory_space<vmem>>
        %dma_wait3A_42 = arith.constant 0 : i32
        %dma_wait3A_43 = tpu.memref_slice %arg4[%mul3A_20, %dma_wait3A_42] : memref<2560x128xi32, #tpu.memory_space<hbm>> -> memref<80x128xi32, #tpu.memory_space<hbm>>
        tpu.wait_dma2 semaphore(%run_scoped3A : memref<!tpu.dma_semaphore, #tpu.memory_space<semaphore_mem>>) src(%dma_wait3A_43 : memref<80x128xi32, #tpu.memory_space<hbm>>) dst(%dma_wait3A_41 : memref<80x128xi32, #tpu.memory_space<vmem>>)
        tpu.yield
      }) : () -> ()
      %scan3A_21 = arith.constant 0 : i32
      %scan3A_22 = arith.constant 80 : i32
      %scan3A_23 = arith.addi %scan3A_21, %scan3A_22 : i32
      %scan3A_24 = arith.constant 1 : i32
      scf.for %scan3A_26 = %scan3A_21 to %scan3A_23 step %scan3A_24  : i32 {
        %mul3A_27 = arith.constant 1 : i32
        %mul3A_28 = arith.muli %scan3A_26, %mul3A_27 : i32
        %add3A = arith.constant 0 : i32
        %add3A_29 = arith.addi %add3A, %mul3A_28 : i32
        "tpu.region"() ({
          %run_scoped3A = tpu.sem_alloc : memref<!tpu.dma_semaphore, #tpu.memory_space<semaphore_mem>>
          %dma_start3A = arith.constant 0 : i32
          %dma_start3A_30 = tpu.memref_slice %arg6[%add3A_29, %dma_start3A] : memref<80x128xi32, #tpu.memory_space<vmem>> -> memref<1x128xi32, #tpu.memory_space<vmem>>
          %dma_start3A_31 = tpu.memref_squeeze %dma_start3A_30 : memref<1x128xi32, #tpu.memory_space<vmem>> -> memref<128xi32, #tpu.memory_space<vmem>>
          %dma_start3A_32 = arith.constant 0 : i32
          %dma_start3A_33 = arith.constant 0 : i32
          %dma_start3A_34 = tpu.memref_slice %arg2[%dma_start3A_32, %dma_start3A_33] : memref<10000x128xf32, #tpu.memory_space<hbm>> -> memref<10000x128xf32, #tpu.memory_space<hbm>>
          tpu.enqueue_indirect_dma source(%dma_start3A_34 : memref<10000x128xf32, #tpu.memory_space<hbm>>) target(%arg8 : memref<128x128xf32, #tpu.memory_space<vmem>>) offsets(%dma_start3A_31 : memref<128xi32, #tpu.memory_space<vmem>>) semaphore(%run_scoped3A : memref<!tpu.dma_semaphore, #tpu.memory_space<semaphore_mem>>)
          %dma_wait3A = arith.constant 0 : i32
          %dma_wait3A_35 = tpu.memref_slice %arg6[%add3A_29, %dma_wait3A] : memref<80x128xi32, #tpu.memory_space<vmem>> -> memref<1x128xi32, #tpu.memory_space<vmem>>
          %dma_wait3A_36 = tpu.memref_squeeze %dma_wait3A_35 : memref<1x128xi32, #tpu.memory_space<vmem>> -> memref<128xi32, #tpu.memory_space<vmem>>
          %dma_wait3A_37 = arith.constant 0 : i32
          %dma_wait3A_38 = arith.constant 0 : i32
          %dma_wait3A_39 = tpu.memref_slice %arg2[%dma_wait3A_37, %dma_wait3A_38] : memref<10000x128xf32, #tpu.memory_space<hbm>> -> memref<10000x128xf32, #tpu.memory_space<hbm>>
          tpu.wait_indirect_dma semaphore(%run_scoped3A : memref<!tpu.dma_semaphore, #tpu.memory_space<semaphore_mem>>) src(%dma_wait3A_39 : memref<10000x128xf32, #tpu.memory_space<hbm>>) dst(%arg8 : memref<128x128xf32, #tpu.memory_space<vmem>>)
          tpu.yield
        }) : () -> ()
        "tpu.region"() ({
          %run_scoped3A = tpu.sem_alloc : memref<!tpu.dma_semaphore, #tpu.memory_space<semaphore_mem>>
          %dma_start3A = arith.constant 0 : i32
          %dma_start3A_30 = tpu.memref_slice %arg7[%add3A_29, %dma_start3A] : memref<80x128xi32, #tpu.memory_space<vmem>> -> memref<1x128xi32, #tpu.memory_space<vmem>>
          %dma_start3A_31 = tpu.memref_squeeze %dma_start3A_30 : memref<1x128xi32, #tpu.memory_space<vmem>> -> memref<128xi32, #tpu.memory_space<vmem>>
          %dma_start3A_32 = arith.constant 0 : i32
          %dma_start3A_33 = arith.constant 0 : i32
          %dma_start3A_34 = tpu.memref_slice %arg10[%dma_start3A_32, %dma_start3A_33] : memref<10240x128xf32, #tpu.memory_space<vmem_shared>> -> memref<10240x128xf32, #tpu.memory_space<vmem_shared>>
          tpu.enqueue_indirect_dma source(%arg8 : memref<128x128xf32, #tpu.memory_space<vmem>>) target(%dma_start3A_34 : memref<10240x128xf32, #tpu.memory_space<vmem_shared>>) offsets(%dma_start3A_31 : memref<128xi32, #tpu.memory_space<vmem>>) semaphore(%run_scoped3A : memref<!tpu.dma_semaphore, #tpu.memory_space<semaphore_mem>>) {add = true}
          %dma_wait3A = arith.constant 0 : i32
          %dma_wait3A_35 = tpu.memref_slice %arg7[%add3A_29, %dma_wait3A] : memref<80x128xi32, #tpu.memory_space<vmem>> -> memref<1x128xi32, #tpu.memory_space<vmem>>
          %dma_wait3A_36 = tpu.memref_squeeze %dma_wait3A_35 : memref<1x128xi32, #tpu.memory_space<vmem>> -> memref<128xi32, #tpu.memory_space<vmem>>
          %dma_wait3A_37 = arith.constant 0 : i32
          %dma_wait3A_38 = arith.constant 0 : i32
          %dma_wait3A_39 = tpu.memref_slice %arg10[%dma_wait3A_37, %dma_wait3A_38] : memref<10240x128xf32, #tpu.memory_space<vmem_shared>> -> memref<10240x128xf32, #tpu.memory_space<vmem_shared>>
          tpu.wait_indirect_dma semaphore(%run_scoped3A : memref<!tpu.dma_semaphore, #tpu.memory_space<semaphore_mem>>) src(%arg8 : memref<128x128xf32, #tpu.memory_space<vmem>>) dst(%dma_wait3A_39 : memref<10240x128xf32, #tpu.memory_space<vmem_shared>>)
          tpu.yield
        }) : () -> ()
      }
      %scan3A_25 = arith.constant 80 : i32
    } else {
    }
    %eq3A_13 = arith.constant 1 : i32
    %eq3A_14 = arith.cmpi eq, %arg0, %eq3A_13 : i32
    %convert_element_type3A_15 = arith.extui %eq3A_14 : i1 to i32
    %cond3A_16 = arith.constant 0 : i32
    %cond3A_17 = arith.cmpi ne, %convert_element_type3A_15, %cond3A_16 : i32
    scf.if %cond3A_17 {
      %mul3A_19 = arith.constant 80 : i32
      %mul3A_20 = arith.muli %arg1, %mul3A_19 : i32
      %add3A = arith.constant 1280 : i32
      %add3A_21 = arith.addi %add3A, %mul3A_20 : i32
      "tpu.region"() ({
        %run_scoped3A = tpu.sem_alloc : memref<!tpu.dma_semaphore, #tpu.memory_space<semaphore_mem>>
        %dma_start3A = arith.constant 0 : i32
        %dma_start3A_27 = arith.constant 0 : i32
        %dma_start3A_28 = tpu.memref_slice %arg6[%dma_start3A, %dma_start3A_27] : memref<80x128xi32, #tpu.memory_space<vmem>> -> memref<80x128xi32, #tpu.memory_space<vmem>>
        %dma_start3A_29 = arith.constant 0 : i32
        %dma_start3A_30 = tpu.memref_slice %arg3[%add3A_21, %dma_start3A_29] : memref<2560x128xi32, #tpu.memory_space<hbm>> -> memref<80x128xi32, #tpu.memory_space<hbm>>
        %dma_start3A_31 = arith.constant 0 : i32
        %dma_start3A_32 = arith.constant 0 : i32
        %dma_start3A_33 = tpu.memref_slice %arg6[%dma_start3A_31, %dma_start3A_32] : memref<80x128xi32, #tpu.memory_space<vmem>> -> memref<80x128xi32, #tpu.memory_space<vmem>>
        %dma_start3A_34 = arith.constant 0 : i32
        %dma_start3A_35 = tpu.memref_slice %arg3[%add3A_21, %dma_start3A_34] : memref<2560x128xi32, #tpu.memory_space<hbm>> -> memref<80x128xi32, #tpu.memory_space<hbm>>
        tpu.enqueue_dma source(%dma_start3A_35 : memref<80x128xi32, #tpu.memory_space<hbm>>) target(%dma_start3A_33 : memref<80x128xi32, #tpu.memory_space<vmem>>) target_semaphore(%run_scoped3A : memref<!tpu.dma_semaphore, #tpu.memory_space<semaphore_mem>>)
        %dma_wait3A = arith.constant 0 : i32
        %dma_wait3A_36 = arith.constant 0 : i32
        %dma_wait3A_37 = tpu.memref_slice %arg6[%dma_wait3A, %dma_wait3A_36] : memref<80x128xi32, #tpu.memory_space<vmem>> -> memref<80x128xi32, #tpu.memory_space<vmem>>
        %dma_wait3A_38 = arith.constant 0 : i32
        %dma_wait3A_39 = tpu.memref_slice %arg3[%add3A_21, %dma_wait3A_38] : memref<2560x128xi32, #tpu.memory_space<hbm>> -> memref<80x128xi32, #tpu.memory_space<hbm>>
        %dma_wait3A_40 = arith.constant 0 : i32
        %dma_wait3A_41 = arith.constant 0 : i32
        %dma_wait3A_42 = tpu.memref_slice %arg6[%dma_wait3A_40, %dma_wait3A_41] : memref<80x128xi32, #tpu.memory_space<vmem>> -> memref<80x128xi32, #tpu.memory_space<vmem>>
        %dma_wait3A_43 = arith.constant 0 : i32
        %dma_wait3A_44 = tpu.memref_slice %arg3[%add3A_21, %dma_wait3A_43] : memref<2560x128xi32, #tpu.memory_space<hbm>> -> memref<80x128xi32, #tpu.memory_space<hbm>>
        tpu.wait_dma2 semaphore(%run_scoped3A : memref<!tpu.dma_semaphore, #tpu.memory_space<semaphore_mem>>) src(%dma_wait3A_44 : memref<80x128xi32, #tpu.memory_space<hbm>>) dst(%dma_wait3A_42 : memref<80x128xi32, #tpu.memory_space<vmem>>)
        tpu.yield
      }) : () -> ()
      "tpu.region"() ({
        %run_scoped3A = tpu.sem_alloc : memref<!tpu.dma_semaphore, #tpu.memory_space<semaphore_mem>>
        %dma_start3A = arith.constant 0 : i32
        %dma_start3A_27 = arith.constant 0 : i32
        %dma_start3A_28 = tpu.memref_slice %arg7[%dma_start3A, %dma_start3A_27] : memref<80x128xi32, #tpu.memory_space<vmem>> -> memref<80x128xi32, #tpu.memory_space<vmem>>
        %dma_start3A_29 = arith.constant 0 : i32
        %dma_start3A_30 = tpu.memref_slice %arg4[%add3A_21, %dma_start3A_29] : memref<2560x128xi32, #tpu.memory_space<hbm>> -> memref<80x128xi32, #tpu.memory_space<hbm>>
        %dma_start3A_31 = arith.constant 0 : i32
        %dma_start3A_32 = arith.constant 0 : i32
        %dma_start3A_33 = tpu.memref_slice %arg7[%dma_start3A_31, %dma_start3A_32] : memref<80x128xi32, #tpu.memory_space<vmem>> -> memref<80x128xi32, #tpu.memory_space<vmem>>
        %dma_start3A_34 = arith.constant 0 : i32
        %dma_start3A_35 = tpu.memref_slice %arg4[%add3A_21, %dma_start3A_34] : memref<2560x128xi32, #tpu.memory_space<hbm>> -> memref<80x128xi32, #tpu.memory_space<hbm>>
        tpu.enqueue_dma source(%dma_start3A_35 : memref<80x128xi32, #tpu.memory_space<hbm>>) target(%dma_start3A_33 : memref<80x128xi32, #tpu.memory_space<vmem>>) target_semaphore(%run_scoped3A : memref<!tpu.dma_semaphore, #tpu.memory_space<semaphore_mem>>)
        %dma_wait3A = arith.constant 0 : i32
        %dma_wait3A_36 = arith.constant 0 : i32
        %dma_wait3A_37 = tpu.memref_slice %arg7[%dma_wait3A, %dma_wait3A_36] : memref<80x128xi32, #tpu.memory_space<vmem>> -> memref<80x128xi32, #tpu.memory_space<vmem>>
        %dma_wait3A_38 = arith.constant 0 : i32
        %dma_wait3A_39 = tpu.memref_slice %arg4[%add3A_21, %dma_wait3A_38] : memref<2560x128xi32, #tpu.memory_space<hbm>> -> memref<80x128xi32, #tpu.memory_space<hbm>>
        %dma_wait3A_40 = arith.constant 0 : i32
        %dma_wait3A_41 = arith.constant 0 : i32
        %dma_wait3A_42 = tpu.memref_slice %arg7[%dma_wait3A_40, %dma_wait3A_41] : memref<80x128xi32, #tpu.memory_space<vmem>> -> memref<80x128xi32, #tpu.memory_space<vmem>>
        %dma_wait3A_43 = arith.constant 0 : i32
        %dma_wait3A_44 = tpu.memref_slice %arg4[%add3A_21, %dma_wait3A_43] : memref<2560x128xi32, #tpu.memory_space<hbm>> -> memref<80x128xi32, #tpu.memory_space<hbm>>
        tpu.wait_dma2 semaphore(%run_scoped3A : memref<!tpu.dma_semaphore, #tpu.memory_space<semaphore_mem>>) src(%dma_wait3A_44 : memref<80x128xi32, #tpu.memory_space<hbm>>) dst(%dma_wait3A_42 : memref<80x128xi32, #tpu.memory_space<vmem>>)
        tpu.yield
      }) : () -> ()
      %scan3A_22 = arith.constant 0 : i32
      %scan3A_23 = arith.constant 80 : i32
      %scan3A_24 = arith.addi %scan3A_22, %scan3A_23 : i32
      %scan3A_25 = arith.constant 1 : i32
      scf.for %scan3A_27 = %scan3A_22 to %scan3A_24 step %scan3A_25  : i32 {
        %mul3A_28 = arith.constant 1 : i32
        %mul3A_29 = arith.muli %scan3A_27, %mul3A_28 : i32
        %add3A_30 = arith.constant 0 : i32
        %add3A_31 = arith.addi %add3A_30, %mul3A_29 : i32
        "tpu.region"() ({
          %run_scoped3A = tpu.sem_alloc : memref<!tpu.dma_semaphore, #tpu.memory_space<semaphore_mem>>
          %dma_start3A = arith.constant 0 : i32
          %dma_start3A_32 = tpu.memref_slice %arg6[%add3A_31, %dma_start3A] : memref<80x128xi32, #tpu.memory_space<vmem>> -> memref<1x128xi32, #tpu.memory_space<vmem>>
          %dma_start3A_33 = tpu.memref_squeeze %dma_start3A_32 : memref<1x128xi32, #tpu.memory_space<vmem>> -> memref<128xi32, #tpu.memory_space<vmem>>
          %dma_start3A_34 = arith.constant 0 : i32
          %dma_start3A_35 = arith.constant 0 : i32
          %dma_start3A_36 = tpu.memref_slice %arg2[%dma_start3A_34, %dma_start3A_35] : memref<10000x128xf32, #tpu.memory_space<hbm>> -> memref<10000x128xf32, #tpu.memory_space<hbm>>
          tpu.enqueue_indirect_dma source(%dma_start3A_36 : memref<10000x128xf32, #tpu.memory_space<hbm>>) target(%arg8 : memref<128x128xf32, #tpu.memory_space<vmem>>) offsets(%dma_start3A_33 : memref<128xi32, #tpu.memory_space<vmem>>) semaphore(%run_scoped3A : memref<!tpu.dma_semaphore, #tpu.memory_space<semaphore_mem>>)
          %dma_wait3A = arith.constant 0 : i32
          %dma_wait3A_37 = tpu.memref_slice %arg6[%add3A_31, %dma_wait3A] : memref<80x128xi32, #tpu.memory_space<vmem>> -> memref<1x128xi32, #tpu.memory_space<vmem>>
          %dma_wait3A_38 = tpu.memref_squeeze %dma_wait3A_37 : memref<1x128xi32, #tpu.memory_space<vmem>> -> memref<128xi32, #tpu.memory_space<vmem>>
          %dma_wait3A_39 = arith.constant 0 : i32
          %dma_wait3A_40 = arith.constant 0 : i32
          %dma_wait3A_41 = tpu.memref_slice %arg2[%dma_wait3A_39, %dma_wait3A_40] : memref<10000x128xf32, #tpu.memory_space<hbm>> -> memref<10000x128xf32, #tpu.memory_space<hbm>>
          tpu.wait_indirect_dma semaphore(%run_scoped3A : memref<!tpu.dma_semaphore, #tpu.memory_space<semaphore_mem>>) src(%dma_wait3A_41 : memref<10000x128xf32, #tpu.memory_space<hbm>>) dst(%arg8 : memref<128x128xf32, #tpu.memory_space<vmem>>)
          tpu.yield
        }) : () -> ()
        "tpu.region"() ({
          %run_scoped3A = tpu.sem_alloc : memref<!tpu.dma_semaphore, #tpu.memory_space<semaphore_mem>>
          %dma_start3A = arith.constant 0 : i32
          %dma_start3A_32 = tpu.memref_slice %arg7[%add3A_31, %dma_start3A] : memref<80x128xi32, #tpu.memory_space<vmem>> -> memref<1x128xi32, #tpu.memory_space<vmem>>
          %dma_start3A_33 = tpu.memref_squeeze %dma_start3A_32 : memref<1x128xi32, #tpu.memory_space<vmem>> -> memref<128xi32, #tpu.memory_space<vmem>>
          %dma_start3A_34 = arith.constant 0 : i32
          %dma_start3A_35 = arith.constant 0 : i32
          %dma_start3A_36 = tpu.memref_slice %arg10[%dma_start3A_34, %dma_start3A_35] : memref<10240x128xf32, #tpu.memory_space<vmem_shared>> -> memref<10240x128xf32, #tpu.memory_space<vmem_shared>>
          tpu.enqueue_indirect_dma source(%arg8 : memref<128x128xf32, #tpu.memory_space<vmem>>) target(%dma_start3A_36 : memref<10240x128xf32, #tpu.memory_space<vmem_shared>>) offsets(%dma_start3A_33 : memref<128xi32, #tpu.memory_space<vmem>>) semaphore(%run_scoped3A : memref<!tpu.dma_semaphore, #tpu.memory_space<semaphore_mem>>) {add = true}
          %dma_wait3A = arith.constant 0 : i32
          %dma_wait3A_37 = tpu.memref_slice %arg7[%add3A_31, %dma_wait3A] : memref<80x128xi32, #tpu.memory_space<vmem>> -> memref<1x128xi32, #tpu.memory_space<vmem>>
          %dma_wait3A_38 = tpu.memref_squeeze %dma_wait3A_37 : memref<1x128xi32, #tpu.memory_space<vmem>> -> memref<128xi32, #tpu.memory_space<vmem>>
          %dma_wait3A_39 = arith.constant 0 : i32
          %dma_wait3A_40 = arith.constant 0 : i32
          %dma_wait3A_41 = tpu.memref_slice %arg10[%dma_wait3A_39, %dma_wait3A_40] : memref<10240x128xf32, #tpu.memory_space<vmem_shared>> -> memref<10240x128xf32, #tpu.memory_space<vmem_shared>>
          tpu.wait_indirect_dma semaphore(%run_scoped3A : memref<!tpu.dma_semaphore, #tpu.memory_space<semaphore_mem>>) src(%arg8 : memref<128x128xf32, #tpu.memory_space<vmem>>) dst(%dma_wait3A_41 : memref<10240x128xf32, #tpu.memory_space<vmem_shared>>)
          tpu.yield
        }) : () -> ()
      }
      %scan3A_26 = arith.constant 80 : i32
    } else {
    }
    %barrier3A_18 = arith.constant 0 : index
    tpu.barrier barrier_id(%barrier3A_18)
    "tpu.region"() ({
      %run_scoped3A = tpu.sem_alloc : memref<!tpu.dma_semaphore, #tpu.memory_space<semaphore_mem>>
      %dma_start3A = arith.constant 0 : i32
      %dma_start3A_19 = tpu.memref_slice %arg5[%arg0, %mul3A_0, %dma_start3A] : memref<2x10240x128xf32, #tpu.memory_space<hbm>> -> memref<1x640x128xf32, #tpu.memory_space<hbm>>
      %dma_start3A_20 = tpu.memref_squeeze %dma_start3A_19 : memref<1x640x128xf32, #tpu.memory_space<hbm>> -> memref<640x128xf32, #tpu.memory_space<hbm>>
      %dma_start3A_21 = arith.constant 0 : i32
      %dma_start3A_22 = tpu.memref_slice %arg10[%mul3A_0, %dma_start3A_21] : memref<10240x128xf32, #tpu.memory_space<vmem_shared>> -> memref<640x128xf32, #tpu.memory_space<vmem_shared>>
      tpu.enqueue_dma source(%dma_start3A_22 : memref<640x128xf32, #tpu.memory_space<vmem_shared>>) target(%dma_start3A_20 : memref<640x128xf32, #tpu.memory_space<hbm>>) target_semaphore(%run_scoped3A : memref<!tpu.dma_semaphore, #tpu.memory_space<semaphore_mem>>)
      %dma_wait3A = arith.constant 0 : i32
      %dma_wait3A_23 = tpu.memref_slice %arg5[%arg0, %mul3A_0, %dma_wait3A] : memref<2x10240x128xf32, #tpu.memory_space<hbm>> -> memref<1x640x128xf32, #tpu.memory_space<hbm>>
      %dma_wait3A_24 = tpu.memref_squeeze %dma_wait3A_23 : memref<1x640x128xf32, #tpu.memory_space<hbm>> -> memref<640x128xf32, #tpu.memory_space<hbm>>
      %dma_wait3A_25 = arith.constant 0 : i32
      %dma_wait3A_26 = tpu.memref_slice %arg10[%mul3A_0, %dma_wait3A_25] : memref<10240x128xf32, #tpu.memory_space<vmem_shared>> -> memref<640x128xf32, #tpu.memory_space<vmem_shared>>
      tpu.wait_dma2 semaphore(%run_scoped3A : memref<!tpu.dma_semaphore, #tpu.memory_space<semaphore_mem>>) src(%dma_wait3A_26 : memref<640x128xf32, #tpu.memory_space<vmem_shared>>) dst(%dma_wait3A_24 : memref<640x128xf32, #tpu.memory_space<hbm>>)
      tpu.yield
    }) : () -> ()
    return
  }
}

#map = affine_map<(d0, d1) -> (0, 0)>
#map1 = affine_map<(d0, d1) -> (0, 0, 0)>
module attributes {stable_mosaic.version = 14 : i64} {
  func.func @_agg_body(%arg0: i32, %arg1: i32, %arg2: memref<10000x64xf32, #tpu.memory_space<hbm>>, %arg3: memref<2560x128xi32, #tpu.memory_space<hbm>>, %arg4: memref<2560x128xi32, #tpu.memory_space<hbm>>, %arg5: memref<2x10240x64xf32, #tpu.memory_space<hbm>>, %arg6: memref<80x128xi32, #tpu.memory_space<vmem>>, %arg7: memref<80x128xi32, #tpu.memory_space<vmem>>, %arg8: memref<128x64xf32, #tpu.memory_space<vmem>>, %arg9: memref<32x64xf32, #tpu.memory_space<vmem>>, %arg10: memref<10240x64xf32, #tpu.memory_space<vmem_shared>>) attributes {dimension_semantics = [#tpu.dimension_semantics<core_parallel>, #tpu.dimension_semantics<subcore_parallel>], iteration_bounds = array<i64: 2, 16>, scalar_prefetch = 0 : i64, scratch_operands = 5 : i64, tpu.core_type = #tpu.core_type<sc_vector_subcore>, window_params = [{transform_indices = #map}, {transform_indices = #map}, {transform_indices = #map}, {transform_indices = #map1}]} {
    %mul3A = arith.constant 640 : i32
    %mul3A_0 = arith.muli %arg1, %mul3A : i32
    %broadcast_in_dim3A = arith.constant 0.000000e+00 : f32
    %broadcast_in_dim3A_1 = vector.broadcast %broadcast_in_dim3A : f32 to vector<16xf32>
    %scan3A = arith.constant 0 : i32
    %scan3A_2 = arith.constant 128 : i32
    %scan3A_3 = arith.addi %scan3A, %scan3A_2 : i32
    %scan3A_4 = arith.constant 1 : i32
    scf.for %scan3A_19 = %scan3A to %scan3A_3 step %scan3A_4  : i32 {
      %mul3A_20 = arith.constant 1 : i32
      %mul3A_21 = arith.muli %scan3A_19, %mul3A_20 : i32
      %add3A = arith.constant 0 : i32
      %add3A_22 = arith.addi %add3A, %mul3A_21 : i32
      %jit3A = arith.constant 4 : i32
      %div3A = arith.divsi %add3A_22, %jit3A : i32
      %sign3A = arith.constant 0 : i32
      %sign3A_23 = arith.cmpi sgt, %add3A_22, %sign3A : i32
      %sign3A_24 = arith.extui %sign3A_23 : i1 to i32
      %sign3A_25 = arith.constant 0 : i32
      %sign3A_26 = arith.cmpi slt, %add3A_22, %sign3A_25 : i32
      %sign3A_27 = arith.extui %sign3A_26 : i1 to i32
      %sign3A_28 = arith.subi %sign3A_24, %sign3A_27 : i32
      %sign3A_29 = arith.constant 0 : i32
      %sign3A_30 = arith.cmpi sgt, %jit3A, %sign3A_29 : i32
      %sign3A_31 = arith.extui %sign3A_30 : i1 to i32
      %sign3A_32 = arith.constant 0 : i32
      %sign3A_33 = arith.cmpi slt, %jit3A, %sign3A_32 : i32
      %sign3A_34 = arith.extui %sign3A_33 : i1 to i32
      %sign3A_35 = arith.subi %sign3A_31, %sign3A_34 : i32
      %ne3A = arith.cmpi ne, %sign3A_28, %sign3A_35 : i32
      %rem3A = arith.remsi %add3A_22, %jit3A : i32
      %ne3A_36 = arith.constant 0 : i32
      %ne3A_37 = arith.cmpi ne, %rem3A, %ne3A_36 : i32
      %and3A = arith.andi %ne3A, %ne3A_37 : i1
      %sub3A = arith.constant 1 : i32
      %sub3A_38 = arith.subi %div3A, %sub3A : i32
      %select_n3A = arith.select %and3A, %sub3A_38, %div3A : i32
      %jit3A_39 = arith.constant 4 : i32
      %eq3A_40 = arith.constant 0 : i32
      %eq3A_41 = arith.cmpi eq, %jit3A_39, %eq3A_40 : i32
      %jit3A_42 = arith.constant 1 : i32
      %select_n3A_43 = arith.select %eq3A_41, %jit3A_42, %jit3A_39 : i32
      %rem3A_44 = arith.remsi %add3A_22, %select_n3A_43 : i32
      %ne3A_45 = arith.constant 0 : i32
      %ne3A_46 = arith.cmpi ne, %rem3A_44, %ne3A_45 : i32
      %lt3A = arith.constant 0 : i32
      %lt3A_47 = arith.cmpi slt, %rem3A_44, %lt3A : i32
      %lt3A_48 = arith.constant 0 : i32
      %lt3A_49 = arith.cmpi slt, %select_n3A_43, %lt3A_48 : i32
      %ne3A_50 = arith.xori %lt3A_47, %lt3A_49 : i1
      %and3A_51 = arith.andi %ne3A_50, %ne3A_46 : i1
      %add3A_52 = arith.addi %rem3A_44, %select_n3A_43 : i32
      %select_n3A_53 = arith.select %and3A_51, %add3A_52, %rem3A_44 : i32
      %mul3A_54 = arith.constant 16 : i32
      %mul3A_55 = arith.muli %select_n3A_53, %mul3A_54 : i32
      %swap3A = arith.index_cast %select_n3A : i32 to index
      %swap3A_56 = arith.index_cast %mul3A_55 : i32 to index
      %swap3A_57 = tpu.vector_load %arg9[%swap3A, %swap3A_56] {strides = array<i32>} : memref<32x64xf32, #tpu.memory_space<vmem>>, vector<1x16xf32>,
      %swap3A_58 = vector.shape_cast %swap3A_57 : vector<1x16xf32> to vector<16xf32>
      %swap3A_59 = vector.shape_cast %broadcast_in_dim3A_1 : vector<16xf32> to vector<1x16xf32>
      tpu.vector_store %arg9[%swap3A, %swap3A_56], %swap3A_59 {strides = array<i32>} : memref<32x64xf32, #tpu.memory_space<vmem>>, vector<1x16xf32>,
    }
    %scan3A_5 = arith.constant 128 : i32
    %scan3A_6 = arith.constant 0 : i32
    %scan3A_7 = arith.constant 20 : i32
    %scan3A_8 = arith.addi %scan3A_6, %scan3A_7 : i32
    %scan3A_9 = arith.constant 1 : i32
    scf.for %scan3A_19 = %scan3A_6 to %scan3A_8 step %scan3A_9  : i32 {
      %mul3A_20 = arith.constant 1 : i32
      %mul3A_21 = arith.muli %scan3A_19, %mul3A_20 : i32
      %add3A = arith.constant 0 : i32
      %add3A_22 = arith.addi %add3A, %mul3A_21 : i32
      %mul3A_23 = arith.constant 32 : i32
      %mul3A_24 = arith.muli %add3A_22, %mul3A_23 : i32
      %add3A_25 = arith.addi %mul3A_0, %mul3A_24 : i32
      "tpu.region"() ({
        %run_scoped3A = tpu.sem_alloc : memref<!tpu.dma_semaphore, #tpu.memory_space<semaphore_mem>>
        %dma_start3A = arith.constant 0 : i32
        %dma_start3A_26 = tpu.memref_slice %arg10[%add3A_25, %dma_start3A] : memref<10240x64xf32, #tpu.memory_space<vmem_shared>> -> memref<32x64xf32, #tpu.memory_space<vmem_shared>>
        %dma_start3A_27 = arith.constant 0 : i32
        %dma_start3A_28 = tpu.memref_slice %arg10[%add3A_25, %dma_start3A_27] : memref<10240x64xf32, #tpu.memory_space<vmem_shared>> -> memref<32x64xf32, #tpu.memory_space<vmem_shared>>
        tpu.enqueue_dma source(%arg9 : memref<32x64xf32, #tpu.memory_space<vmem>>) target(%dma_start3A_28 : memref<32x64xf32, #tpu.memory_space<vmem_shared>>) target_semaphore(%run_scoped3A : memref<!tpu.dma_semaphore, #tpu.memory_space<semaphore_mem>>)
        %dma_wait3A = arith.constant 0 : i32
        %dma_wait3A_29 = tpu.memref_slice %arg10[%add3A_25, %dma_wait3A] : memref<10240x64xf32, #tpu.memory_space<vmem_shared>> -> memref<32x64xf32, #tpu.memory_space<vmem_shared>>
        %dma_wait3A_30 = arith.constant 0 : i32
        %dma_wait3A_31 = tpu.memref_slice %arg10[%add3A_25, %dma_wait3A_30] : memref<10240x64xf32, #tpu.memory_space<vmem_shared>> -> memref<32x64xf32, #tpu.memory_space<vmem_shared>>
        tpu.wait_dma2 semaphore(%run_scoped3A : memref<!tpu.dma_semaphore, #tpu.memory_space<semaphore_mem>>) src(%arg9 : memref<32x64xf32, #tpu.memory_space<vmem>>) dst(%dma_wait3A_31 : memref<32x64xf32, #tpu.memory_space<vmem_shared>>)
        tpu.yield
      }) : () -> ()
    }
    %scan3A_10 = arith.constant 20 : i32
    %barrier3A = arith.constant 0 : index
    tpu.barrier barrier_id(%barrier3A)
    %eq3A = arith.constant 0 : i32
    %eq3A_11 = arith.cmpi eq, %arg0, %eq3A : i32
    %convert_element_type3A = arith.extui %eq3A_11 : i1 to i32
    %cond3A = arith.constant 0 : i32
    %cond3A_12 = arith.cmpi ne, %convert_element_type3A, %cond3A : i32
    scf.if %cond3A_12 {
      %mul3A_19 = arith.constant 80 : i32
      %mul3A_20 = arith.muli %arg1, %mul3A_19 : i32
      "tpu.region"() ({
        %run_scoped3A = tpu.sem_alloc : memref<!tpu.dma_semaphore, #tpu.memory_space<semaphore_mem>>
        %dma_start3A = arith.constant 0 : i32
        %dma_start3A_26 = arith.constant 0 : i32
        %dma_start3A_27 = tpu.memref_slice %arg6[%dma_start3A, %dma_start3A_26] : memref<80x128xi32, #tpu.memory_space<vmem>> -> memref<80x128xi32, #tpu.memory_space<vmem>>
        %dma_start3A_28 = arith.constant 0 : i32
        %dma_start3A_29 = tpu.memref_slice %arg3[%mul3A_20, %dma_start3A_28] : memref<2560x128xi32, #tpu.memory_space<hbm>> -> memref<80x128xi32, #tpu.memory_space<hbm>>
        %dma_start3A_30 = arith.constant 0 : i32
        %dma_start3A_31 = arith.constant 0 : i32
        %dma_start3A_32 = tpu.memref_slice %arg6[%dma_start3A_30, %dma_start3A_31] : memref<80x128xi32, #tpu.memory_space<vmem>> -> memref<80x128xi32, #tpu.memory_space<vmem>>
        %dma_start3A_33 = arith.constant 0 : i32
        %dma_start3A_34 = tpu.memref_slice %arg3[%mul3A_20, %dma_start3A_33] : memref<2560x128xi32, #tpu.memory_space<hbm>> -> memref<80x128xi32, #tpu.memory_space<hbm>>
        tpu.enqueue_dma source(%dma_start3A_34 : memref<80x128xi32, #tpu.memory_space<hbm>>) target(%dma_start3A_32 : memref<80x128xi32, #tpu.memory_space<vmem>>) target_semaphore(%run_scoped3A : memref<!tpu.dma_semaphore, #tpu.memory_space<semaphore_mem>>)
        %dma_wait3A = arith.constant 0 : i32
        %dma_wait3A_35 = arith.constant 0 : i32
        %dma_wait3A_36 = tpu.memref_slice %arg6[%dma_wait3A, %dma_wait3A_35] : memref<80x128xi32, #tpu.memory_space<vmem>> -> memref<80x128xi32, #tpu.memory_space<vmem>>
        %dma_wait3A_37 = arith.constant 0 : i32
        %dma_wait3A_38 = tpu.memref_slice %arg3[%mul3A_20, %dma_wait3A_37] : memref<2560x128xi32, #tpu.memory_space<hbm>> -> memref<80x128xi32, #tpu.memory_space<hbm>>
        %dma_wait3A_39 = arith.constant 0 : i32
        %dma_wait3A_40 = arith.constant 0 : i32
        %dma_wait3A_41 = tpu.memref_slice %arg6[%dma_wait3A_39, %dma_wait3A_40] : memref<80x128xi32, #tpu.memory_space<vmem>> -> memref<80x128xi32, #tpu.memory_space<vmem>>
        %dma_wait3A_42 = arith.constant 0 : i32
        %dma_wait3A_43 = tpu.memref_slice %arg3[%mul3A_20, %dma_wait3A_42] : memref<2560x128xi32, #tpu.memory_space<hbm>> -> memref<80x128xi32, #tpu.memory_space<hbm>>
        tpu.wait_dma2 semaphore(%run_scoped3A : memref<!tpu.dma_semaphore, #tpu.memory_space<semaphore_mem>>) src(%dma_wait3A_43 : memref<80x128xi32, #tpu.memory_space<hbm>>) dst(%dma_wait3A_41 : memref<80x128xi32, #tpu.memory_space<vmem>>)
        tpu.yield
      }) : () -> ()
      "tpu.region"() ({
        %run_scoped3A = tpu.sem_alloc : memref<!tpu.dma_semaphore, #tpu.memory_space<semaphore_mem>>
        %dma_start3A = arith.constant 0 : i32
        %dma_start3A_26 = arith.constant 0 : i32
        %dma_start3A_27 = tpu.memref_slice %arg7[%dma_start3A, %dma_start3A_26] : memref<80x128xi32, #tpu.memory_space<vmem>> -> memref<80x128xi32, #tpu.memory_space<vmem>>
        %dma_start3A_28 = arith.constant 0 : i32
        %dma_start3A_29 = tpu.memref_slice %arg4[%mul3A_20, %dma_start3A_28] : memref<2560x128xi32, #tpu.memory_space<hbm>> -> memref<80x128xi32, #tpu.memory_space<hbm>>
        %dma_start3A_30 = arith.constant 0 : i32
        %dma_start3A_31 = arith.constant 0 : i32
        %dma_start3A_32 = tpu.memref_slice %arg7[%dma_start3A_30, %dma_start3A_31] : memref<80x128xi32, #tpu.memory_space<vmem>> -> memref<80x128xi32, #tpu.memory_space<vmem>>
        %dma_start3A_33 = arith.constant 0 : i32
        %dma_start3A_34 = tpu.memref_slice %arg4[%mul3A_20, %dma_start3A_33] : memref<2560x128xi32, #tpu.memory_space<hbm>> -> memref<80x128xi32, #tpu.memory_space<hbm>>
        tpu.enqueue_dma source(%dma_start3A_34 : memref<80x128xi32, #tpu.memory_space<hbm>>) target(%dma_start3A_32 : memref<80x128xi32, #tpu.memory_space<vmem>>) target_semaphore(%run_scoped3A : memref<!tpu.dma_semaphore, #tpu.memory_space<semaphore_mem>>)
        %dma_wait3A = arith.constant 0 : i32
        %dma_wait3A_35 = arith.constant 0 : i32
        %dma_wait3A_36 = tpu.memref_slice %arg7[%dma_wait3A, %dma_wait3A_35] : memref<80x128xi32, #tpu.memory_space<vmem>> -> memref<80x128xi32, #tpu.memory_space<vmem>>
        %dma_wait3A_37 = arith.constant 0 : i32
        %dma_wait3A_38 = tpu.memref_slice %arg4[%mul3A_20, %dma_wait3A_37] : memref<2560x128xi32, #tpu.memory_space<hbm>> -> memref<80x128xi32, #tpu.memory_space<hbm>>
        %dma_wait3A_39 = arith.constant 0 : i32
        %dma_wait3A_40 = arith.constant 0 : i32
        %dma_wait3A_41 = tpu.memref_slice %arg7[%dma_wait3A_39, %dma_wait3A_40] : memref<80x128xi32, #tpu.memory_space<vmem>> -> memref<80x128xi32, #tpu.memory_space<vmem>>
        %dma_wait3A_42 = arith.constant 0 : i32
        %dma_wait3A_43 = tpu.memref_slice %arg4[%mul3A_20, %dma_wait3A_42] : memref<2560x128xi32, #tpu.memory_space<hbm>> -> memref<80x128xi32, #tpu.memory_space<hbm>>
        tpu.wait_dma2 semaphore(%run_scoped3A : memref<!tpu.dma_semaphore, #tpu.memory_space<semaphore_mem>>) src(%dma_wait3A_43 : memref<80x128xi32, #tpu.memory_space<hbm>>) dst(%dma_wait3A_41 : memref<80x128xi32, #tpu.memory_space<vmem>>)
        tpu.yield
      }) : () -> ()
      %scan3A_21 = arith.constant 0 : i32
      %scan3A_22 = arith.constant 80 : i32
      %scan3A_23 = arith.addi %scan3A_21, %scan3A_22 : i32
      %scan3A_24 = arith.constant 1 : i32
      scf.for %scan3A_26 = %scan3A_21 to %scan3A_23 step %scan3A_24  : i32 {
        %mul3A_27 = arith.constant 1 : i32
        %mul3A_28 = arith.muli %scan3A_26, %mul3A_27 : i32
        %add3A = arith.constant 0 : i32
        %add3A_29 = arith.addi %add3A, %mul3A_28 : i32
        "tpu.region"() ({
          %run_scoped3A = tpu.sem_alloc : memref<!tpu.dma_semaphore, #tpu.memory_space<semaphore_mem>>
          %dma_start3A = arith.constant 0 : i32
          %dma_start3A_30 = tpu.memref_slice %arg6[%add3A_29, %dma_start3A] : memref<80x128xi32, #tpu.memory_space<vmem>> -> memref<1x128xi32, #tpu.memory_space<vmem>>
          %dma_start3A_31 = tpu.memref_squeeze %dma_start3A_30 : memref<1x128xi32, #tpu.memory_space<vmem>> -> memref<128xi32, #tpu.memory_space<vmem>>
          %dma_start3A_32 = arith.constant 0 : i32
          %dma_start3A_33 = arith.constant 0 : i32
          %dma_start3A_34 = tpu.memref_slice %arg2[%dma_start3A_32, %dma_start3A_33] : memref<10000x64xf32, #tpu.memory_space<hbm>> -> memref<10000x64xf32, #tpu.memory_space<hbm>>
          tpu.enqueue_indirect_dma source(%dma_start3A_34 : memref<10000x64xf32, #tpu.memory_space<hbm>>) target(%arg8 : memref<128x64xf32, #tpu.memory_space<vmem>>) offsets(%dma_start3A_31 : memref<128xi32, #tpu.memory_space<vmem>>) semaphore(%run_scoped3A : memref<!tpu.dma_semaphore, #tpu.memory_space<semaphore_mem>>)
          %dma_wait3A = arith.constant 0 : i32
          %dma_wait3A_35 = tpu.memref_slice %arg6[%add3A_29, %dma_wait3A] : memref<80x128xi32, #tpu.memory_space<vmem>> -> memref<1x128xi32, #tpu.memory_space<vmem>>
          %dma_wait3A_36 = tpu.memref_squeeze %dma_wait3A_35 : memref<1x128xi32, #tpu.memory_space<vmem>> -> memref<128xi32, #tpu.memory_space<vmem>>
          %dma_wait3A_37 = arith.constant 0 : i32
          %dma_wait3A_38 = arith.constant 0 : i32
          %dma_wait3A_39 = tpu.memref_slice %arg2[%dma_wait3A_37, %dma_wait3A_38] : memref<10000x64xf32, #tpu.memory_space<hbm>> -> memref<10000x64xf32, #tpu.memory_space<hbm>>
          tpu.wait_indirect_dma semaphore(%run_scoped3A : memref<!tpu.dma_semaphore, #tpu.memory_space<semaphore_mem>>) src(%dma_wait3A_39 : memref<10000x64xf32, #tpu.memory_space<hbm>>) dst(%arg8 : memref<128x64xf32, #tpu.memory_space<vmem>>)
          tpu.yield
        }) : () -> ()
        "tpu.region"() ({
          %run_scoped3A = tpu.sem_alloc : memref<!tpu.dma_semaphore, #tpu.memory_space<semaphore_mem>>
          %dma_start3A = arith.constant 0 : i32
          %dma_start3A_30 = tpu.memref_slice %arg7[%add3A_29, %dma_start3A] : memref<80x128xi32, #tpu.memory_space<vmem>> -> memref<1x128xi32, #tpu.memory_space<vmem>>
          %dma_start3A_31 = tpu.memref_squeeze %dma_start3A_30 : memref<1x128xi32, #tpu.memory_space<vmem>> -> memref<128xi32, #tpu.memory_space<vmem>>
          %dma_start3A_32 = arith.constant 0 : i32
          %dma_start3A_33 = arith.constant 0 : i32
          %dma_start3A_34 = tpu.memref_slice %arg10[%dma_start3A_32, %dma_start3A_33] : memref<10240x64xf32, #tpu.memory_space<vmem_shared>> -> memref<10240x64xf32, #tpu.memory_space<vmem_shared>>
          tpu.enqueue_indirect_dma source(%arg8 : memref<128x64xf32, #tpu.memory_space<vmem>>) target(%dma_start3A_34 : memref<10240x64xf32, #tpu.memory_space<vmem_shared>>) offsets(%dma_start3A_31 : memref<128xi32, #tpu.memory_space<vmem>>) semaphore(%run_scoped3A : memref<!tpu.dma_semaphore, #tpu.memory_space<semaphore_mem>>) {add = true}
          %dma_wait3A = arith.constant 0 : i32
          %dma_wait3A_35 = tpu.memref_slice %arg7[%add3A_29, %dma_wait3A] : memref<80x128xi32, #tpu.memory_space<vmem>> -> memref<1x128xi32, #tpu.memory_space<vmem>>
          %dma_wait3A_36 = tpu.memref_squeeze %dma_wait3A_35 : memref<1x128xi32, #tpu.memory_space<vmem>> -> memref<128xi32, #tpu.memory_space<vmem>>
          %dma_wait3A_37 = arith.constant 0 : i32
          %dma_wait3A_38 = arith.constant 0 : i32
          %dma_wait3A_39 = tpu.memref_slice %arg10[%dma_wait3A_37, %dma_wait3A_38] : memref<10240x64xf32, #tpu.memory_space<vmem_shared>> -> memref<10240x64xf32, #tpu.memory_space<vmem_shared>>
          tpu.wait_indirect_dma semaphore(%run_scoped3A : memref<!tpu.dma_semaphore, #tpu.memory_space<semaphore_mem>>) src(%arg8 : memref<128x64xf32, #tpu.memory_space<vmem>>) dst(%dma_wait3A_39 : memref<10240x64xf32, #tpu.memory_space<vmem_shared>>)
          tpu.yield
        }) : () -> ()
      }
      %scan3A_25 = arith.constant 80 : i32
    } else {
    }
    %eq3A_13 = arith.constant 1 : i32
    %eq3A_14 = arith.cmpi eq, %arg0, %eq3A_13 : i32
    %convert_element_type3A_15 = arith.extui %eq3A_14 : i1 to i32
    %cond3A_16 = arith.constant 0 : i32
    %cond3A_17 = arith.cmpi ne, %convert_element_type3A_15, %cond3A_16 : i32
    scf.if %cond3A_17 {
      %mul3A_19 = arith.constant 80 : i32
      %mul3A_20 = arith.muli %arg1, %mul3A_19 : i32
      %add3A = arith.constant 1280 : i32
      %add3A_21 = arith.addi %add3A, %mul3A_20 : i32
      "tpu.region"() ({
        %run_scoped3A = tpu.sem_alloc : memref<!tpu.dma_semaphore, #tpu.memory_space<semaphore_mem>>
        %dma_start3A = arith.constant 0 : i32
        %dma_start3A_27 = arith.constant 0 : i32
        %dma_start3A_28 = tpu.memref_slice %arg6[%dma_start3A, %dma_start3A_27] : memref<80x128xi32, #tpu.memory_space<vmem>> -> memref<80x128xi32, #tpu.memory_space<vmem>>
        %dma_start3A_29 = arith.constant 0 : i32
        %dma_start3A_30 = tpu.memref_slice %arg3[%add3A_21, %dma_start3A_29] : memref<2560x128xi32, #tpu.memory_space<hbm>> -> memref<80x128xi32, #tpu.memory_space<hbm>>
        %dma_start3A_31 = arith.constant 0 : i32
        %dma_start3A_32 = arith.constant 0 : i32
        %dma_start3A_33 = tpu.memref_slice %arg6[%dma_start3A_31, %dma_start3A_32] : memref<80x128xi32, #tpu.memory_space<vmem>> -> memref<80x128xi32, #tpu.memory_space<vmem>>
        %dma_start3A_34 = arith.constant 0 : i32
        %dma_start3A_35 = tpu.memref_slice %arg3[%add3A_21, %dma_start3A_34] : memref<2560x128xi32, #tpu.memory_space<hbm>> -> memref<80x128xi32, #tpu.memory_space<hbm>>
        tpu.enqueue_dma source(%dma_start3A_35 : memref<80x128xi32, #tpu.memory_space<hbm>>) target(%dma_start3A_33 : memref<80x128xi32, #tpu.memory_space<vmem>>) target_semaphore(%run_scoped3A : memref<!tpu.dma_semaphore, #tpu.memory_space<semaphore_mem>>)
        %dma_wait3A = arith.constant 0 : i32
        %dma_wait3A_36 = arith.constant 0 : i32
        %dma_wait3A_37 = tpu.memref_slice %arg6[%dma_wait3A, %dma_wait3A_36] : memref<80x128xi32, #tpu.memory_space<vmem>> -> memref<80x128xi32, #tpu.memory_space<vmem>>
        %dma_wait3A_38 = arith.constant 0 : i32
        %dma_wait3A_39 = tpu.memref_slice %arg3[%add3A_21, %dma_wait3A_38] : memref<2560x128xi32, #tpu.memory_space<hbm>> -> memref<80x128xi32, #tpu.memory_space<hbm>>
        %dma_wait3A_40 = arith.constant 0 : i32
        %dma_wait3A_41 = arith.constant 0 : i32
        %dma_wait3A_42 = tpu.memref_slice %arg6[%dma_wait3A_40, %dma_wait3A_41] : memref<80x128xi32, #tpu.memory_space<vmem>> -> memref<80x128xi32, #tpu.memory_space<vmem>>
        %dma_wait3A_43 = arith.constant 0 : i32
        %dma_wait3A_44 = tpu.memref_slice %arg3[%add3A_21, %dma_wait3A_43] : memref<2560x128xi32, #tpu.memory_space<hbm>> -> memref<80x128xi32, #tpu.memory_space<hbm>>
        tpu.wait_dma2 semaphore(%run_scoped3A : memref<!tpu.dma_semaphore, #tpu.memory_space<semaphore_mem>>) src(%dma_wait3A_44 : memref<80x128xi32, #tpu.memory_space<hbm>>) dst(%dma_wait3A_42 : memref<80x128xi32, #tpu.memory_space<vmem>>)
        tpu.yield
      }) : () -> ()
      "tpu.region"() ({
        %run_scoped3A = tpu.sem_alloc : memref<!tpu.dma_semaphore, #tpu.memory_space<semaphore_mem>>
        %dma_start3A = arith.constant 0 : i32
        %dma_start3A_27 = arith.constant 0 : i32
        %dma_start3A_28 = tpu.memref_slice %arg7[%dma_start3A, %dma_start3A_27] : memref<80x128xi32, #tpu.memory_space<vmem>> -> memref<80x128xi32, #tpu.memory_space<vmem>>
        %dma_start3A_29 = arith.constant 0 : i32
        %dma_start3A_30 = tpu.memref_slice %arg4[%add3A_21, %dma_start3A_29] : memref<2560x128xi32, #tpu.memory_space<hbm>> -> memref<80x128xi32, #tpu.memory_space<hbm>>
        %dma_start3A_31 = arith.constant 0 : i32
        %dma_start3A_32 = arith.constant 0 : i32
        %dma_start3A_33 = tpu.memref_slice %arg7[%dma_start3A_31, %dma_start3A_32] : memref<80x128xi32, #tpu.memory_space<vmem>> -> memref<80x128xi32, #tpu.memory_space<vmem>>
        %dma_start3A_34 = arith.constant 0 : i32
        %dma_start3A_35 = tpu.memref_slice %arg4[%add3A_21, %dma_start3A_34] : memref<2560x128xi32, #tpu.memory_space<hbm>> -> memref<80x128xi32, #tpu.memory_space<hbm>>
        tpu.enqueue_dma source(%dma_start3A_35 : memref<80x128xi32, #tpu.memory_space<hbm>>) target(%dma_start3A_33 : memref<80x128xi32, #tpu.memory_space<vmem>>) target_semaphore(%run_scoped3A : memref<!tpu.dma_semaphore, #tpu.memory_space<semaphore_mem>>)
        %dma_wait3A = arith.constant 0 : i32
        %dma_wait3A_36 = arith.constant 0 : i32
        %dma_wait3A_37 = tpu.memref_slice %arg7[%dma_wait3A, %dma_wait3A_36] : memref<80x128xi32, #tpu.memory_space<vmem>> -> memref<80x128xi32, #tpu.memory_space<vmem>>
        %dma_wait3A_38 = arith.constant 0 : i32
        %dma_wait3A_39 = tpu.memref_slice %arg4[%add3A_21, %dma_wait3A_38] : memref<2560x128xi32, #tpu.memory_space<hbm>> -> memref<80x128xi32, #tpu.memory_space<hbm>>
        %dma_wait3A_40 = arith.constant 0 : i32
        %dma_wait3A_41 = arith.constant 0 : i32
        %dma_wait3A_42 = tpu.memref_slice %arg7[%dma_wait3A_40, %dma_wait3A_41] : memref<80x128xi32, #tpu.memory_space<vmem>> -> memref<80x128xi32, #tpu.memory_space<vmem>>
        %dma_wait3A_43 = arith.constant 0 : i32
        %dma_wait3A_44 = tpu.memref_slice %arg4[%add3A_21, %dma_wait3A_43] : memref<2560x128xi32, #tpu.memory_space<hbm>> -> memref<80x128xi32, #tpu.memory_space<hbm>>
        tpu.wait_dma2 semaphore(%run_scoped3A : memref<!tpu.dma_semaphore, #tpu.memory_space<semaphore_mem>>) src(%dma_wait3A_44 : memref<80x128xi32, #tpu.memory_space<hbm>>) dst(%dma_wait3A_42 : memref<80x128xi32, #tpu.memory_space<vmem>>)
        tpu.yield
      }) : () -> ()
      %scan3A_22 = arith.constant 0 : i32
      %scan3A_23 = arith.constant 80 : i32
      %scan3A_24 = arith.addi %scan3A_22, %scan3A_23 : i32
      %scan3A_25 = arith.constant 1 : i32
      scf.for %scan3A_27 = %scan3A_22 to %scan3A_24 step %scan3A_25  : i32 {
        %mul3A_28 = arith.constant 1 : i32
        %mul3A_29 = arith.muli %scan3A_27, %mul3A_28 : i32
        %add3A_30 = arith.constant 0 : i32
        %add3A_31 = arith.addi %add3A_30, %mul3A_29 : i32
        "tpu.region"() ({
          %run_scoped3A = tpu.sem_alloc : memref<!tpu.dma_semaphore, #tpu.memory_space<semaphore_mem>>
          %dma_start3A = arith.constant 0 : i32
          %dma_start3A_32 = tpu.memref_slice %arg6[%add3A_31, %dma_start3A] : memref<80x128xi32, #tpu.memory_space<vmem>> -> memref<1x128xi32, #tpu.memory_space<vmem>>
          %dma_start3A_33 = tpu.memref_squeeze %dma_start3A_32 : memref<1x128xi32, #tpu.memory_space<vmem>> -> memref<128xi32, #tpu.memory_space<vmem>>
          %dma_start3A_34 = arith.constant 0 : i32
          %dma_start3A_35 = arith.constant 0 : i32
          %dma_start3A_36 = tpu.memref_slice %arg2[%dma_start3A_34, %dma_start3A_35] : memref<10000x64xf32, #tpu.memory_space<hbm>> -> memref<10000x64xf32, #tpu.memory_space<hbm>>
          tpu.enqueue_indirect_dma source(%dma_start3A_36 : memref<10000x64xf32, #tpu.memory_space<hbm>>) target(%arg8 : memref<128x64xf32, #tpu.memory_space<vmem>>) offsets(%dma_start3A_33 : memref<128xi32, #tpu.memory_space<vmem>>) semaphore(%run_scoped3A : memref<!tpu.dma_semaphore, #tpu.memory_space<semaphore_mem>>)
          %dma_wait3A = arith.constant 0 : i32
          %dma_wait3A_37 = tpu.memref_slice %arg6[%add3A_31, %dma_wait3A] : memref<80x128xi32, #tpu.memory_space<vmem>> -> memref<1x128xi32, #tpu.memory_space<vmem>>
          %dma_wait3A_38 = tpu.memref_squeeze %dma_wait3A_37 : memref<1x128xi32, #tpu.memory_space<vmem>> -> memref<128xi32, #tpu.memory_space<vmem>>
          %dma_wait3A_39 = arith.constant 0 : i32
          %dma_wait3A_40 = arith.constant 0 : i32
          %dma_wait3A_41 = tpu.memref_slice %arg2[%dma_wait3A_39, %dma_wait3A_40] : memref<10000x64xf32, #tpu.memory_space<hbm>> -> memref<10000x64xf32, #tpu.memory_space<hbm>>
          tpu.wait_indirect_dma semaphore(%run_scoped3A : memref<!tpu.dma_semaphore, #tpu.memory_space<semaphore_mem>>) src(%dma_wait3A_41 : memref<10000x64xf32, #tpu.memory_space<hbm>>) dst(%arg8 : memref<128x64xf32, #tpu.memory_space<vmem>>)
          tpu.yield
        }) : () -> ()
        "tpu.region"() ({
          %run_scoped3A = tpu.sem_alloc : memref<!tpu.dma_semaphore, #tpu.memory_space<semaphore_mem>>
          %dma_start3A = arith.constant 0 : i32
          %dma_start3A_32 = tpu.memref_slice %arg7[%add3A_31, %dma_start3A] : memref<80x128xi32, #tpu.memory_space<vmem>> -> memref<1x128xi32, #tpu.memory_space<vmem>>
          %dma_start3A_33 = tpu.memref_squeeze %dma_start3A_32 : memref<1x128xi32, #tpu.memory_space<vmem>> -> memref<128xi32, #tpu.memory_space<vmem>>
          %dma_start3A_34 = arith.constant 0 : i32
          %dma_start3A_35 = arith.constant 0 : i32
          %dma_start3A_36 = tpu.memref_slice %arg10[%dma_start3A_34, %dma_start3A_35] : memref<10240x64xf32, #tpu.memory_space<vmem_shared>> -> memref<10240x64xf32, #tpu.memory_space<vmem_shared>>
          tpu.enqueue_indirect_dma source(%arg8 : memref<128x64xf32, #tpu.memory_space<vmem>>) target(%dma_start3A_36 : memref<10240x64xf32, #tpu.memory_space<vmem_shared>>) offsets(%dma_start3A_33 : memref<128xi32, #tpu.memory_space<vmem>>) semaphore(%run_scoped3A : memref<!tpu.dma_semaphore, #tpu.memory_space<semaphore_mem>>) {add = true}
          %dma_wait3A = arith.constant 0 : i32
          %dma_wait3A_37 = tpu.memref_slice %arg7[%add3A_31, %dma_wait3A] : memref<80x128xi32, #tpu.memory_space<vmem>> -> memref<1x128xi32, #tpu.memory_space<vmem>>
          %dma_wait3A_38 = tpu.memref_squeeze %dma_wait3A_37 : memref<1x128xi32, #tpu.memory_space<vmem>> -> memref<128xi32, #tpu.memory_space<vmem>>
          %dma_wait3A_39 = arith.constant 0 : i32
          %dma_wait3A_40 = arith.constant 0 : i32
          %dma_wait3A_41 = tpu.memref_slice %arg10[%dma_wait3A_39, %dma_wait3A_40] : memref<10240x64xf32, #tpu.memory_space<vmem_shared>> -> memref<10240x64xf32, #tpu.memory_space<vmem_shared>>
          tpu.wait_indirect_dma semaphore(%run_scoped3A : memref<!tpu.dma_semaphore, #tpu.memory_space<semaphore_mem>>) src(%arg8 : memref<128x64xf32, #tpu.memory_space<vmem>>) dst(%dma_wait3A_41 : memref<10240x64xf32, #tpu.memory_space<vmem_shared>>)
          tpu.yield
        }) : () -> ()
      }
      %scan3A_26 = arith.constant 80 : i32
    } else {
    }
    %barrier3A_18 = arith.constant 0 : index
    tpu.barrier barrier_id(%barrier3A_18)
    "tpu.region"() ({
      %run_scoped3A = tpu.sem_alloc : memref<!tpu.dma_semaphore, #tpu.memory_space<semaphore_mem>>
      %dma_start3A = arith.constant 0 : i32
      %dma_start3A_19 = tpu.memref_slice %arg5[%arg0, %mul3A_0, %dma_start3A] : memref<2x10240x64xf32, #tpu.memory_space<hbm>> -> memref<1x640x64xf32, #tpu.memory_space<hbm>>
      %dma_start3A_20 = tpu.memref_squeeze %dma_start3A_19 : memref<1x640x64xf32, #tpu.memory_space<hbm>> -> memref<640x64xf32, #tpu.memory_space<hbm>>
      %dma_start3A_21 = arith.constant 0 : i32
      %dma_start3A_22 = tpu.memref_slice %arg10[%mul3A_0, %dma_start3A_21] : memref<10240x64xf32, #tpu.memory_space<vmem_shared>> -> memref<640x64xf32, #tpu.memory_space<vmem_shared>>
      tpu.enqueue_dma source(%dma_start3A_22 : memref<640x64xf32, #tpu.memory_space<vmem_shared>>) target(%dma_start3A_20 : memref<640x64xf32, #tpu.memory_space<hbm>>) target_semaphore(%run_scoped3A : memref<!tpu.dma_semaphore, #tpu.memory_space<semaphore_mem>>)
      %dma_wait3A = arith.constant 0 : i32
      %dma_wait3A_23 = tpu.memref_slice %arg5[%arg0, %mul3A_0, %dma_wait3A] : memref<2x10240x64xf32, #tpu.memory_space<hbm>> -> memref<1x640x64xf32, #tpu.memory_space<hbm>>
      %dma_wait3A_24 = tpu.memref_squeeze %dma_wait3A_23 : memref<1x640x64xf32, #tpu.memory_space<hbm>> -> memref<640x64xf32, #tpu.memory_space<hbm>>
      %dma_wait3A_25 = arith.constant 0 : i32
      %dma_wait3A_26 = tpu.memref_slice %arg10[%mul3A_0, %dma_wait3A_25] : memref<10240x64xf32, #tpu.memory_space<vmem_shared>> -> memref<640x64xf32, #tpu.memory_space<vmem_shared>>
      tpu.wait_dma2 semaphore(%run_scoped3A : memref<!tpu.dma_semaphore, #tpu.memory_space<semaphore_mem>>) src(%dma_wait3A_26 : memref<640x64xf32, #tpu.memory_space<vmem_shared>>) dst(%dma_wait3A_24 : memref<640x64xf32, #tpu.memory_space<hbm>>)
      tpu.yield
    }) : () -> ()
    return
  }
}

#map = affine_map<(d0, d1) -> (0, 0)>
#map1 = affine_map<(d0, d1) -> (0, 0, 0)>
module attributes {stable_mosaic.version = 14 : i64} {
  func.func @_agg_body(%arg0: i32, %arg1: i32, %arg2: memref<10000x16xf32, #tpu.memory_space<hbm>>, %arg3: memref<2560x128xi32, #tpu.memory_space<hbm>>, %arg4: memref<2560x128xi32, #tpu.memory_space<hbm>>, %arg5: memref<2x10240x16xf32, #tpu.memory_space<hbm>>, %arg6: memref<80x128xi32, #tpu.memory_space<vmem>>, %arg7: memref<80x128xi32, #tpu.memory_space<vmem>>, %arg8: memref<128x16xf32, #tpu.memory_space<vmem>>, %arg9: memref<32x16xf32, #tpu.memory_space<vmem>>, %arg10: memref<10240x16xf32, #tpu.memory_space<vmem_shared>>) attributes {dimension_semantics = [#tpu.dimension_semantics<core_parallel>, #tpu.dimension_semantics<subcore_parallel>], iteration_bounds = array<i64: 2, 16>, scalar_prefetch = 0 : i64, scratch_operands = 5 : i64, tpu.core_type = #tpu.core_type<sc_vector_subcore>, window_params = [{transform_indices = #map}, {transform_indices = #map}, {transform_indices = #map}, {transform_indices = #map1}]} {
    %mul3A = arith.constant 640 : i32
    %mul3A_0 = arith.muli %arg1, %mul3A : i32
    %broadcast_in_dim3A = arith.constant 0.000000e+00 : f32
    %broadcast_in_dim3A_1 = vector.broadcast %broadcast_in_dim3A : f32 to vector<16xf32>
    %scan3A = arith.constant 0 : i32
    %scan3A_2 = arith.constant 32 : i32
    %scan3A_3 = arith.addi %scan3A, %scan3A_2 : i32
    %scan3A_4 = arith.constant 1 : i32
    scf.for %scan3A_19 = %scan3A to %scan3A_3 step %scan3A_4  : i32 {
      %mul3A_20 = arith.constant 1 : i32
      %mul3A_21 = arith.muli %scan3A_19, %mul3A_20 : i32
      %add3A = arith.constant 0 : i32
      %add3A_22 = arith.addi %add3A, %mul3A_21 : i32
      %jit3A = arith.constant 1 : i32
      %div3A = arith.divsi %add3A_22, %jit3A : i32
      %sign3A = arith.constant 0 : i32
      %sign3A_23 = arith.cmpi sgt, %add3A_22, %sign3A : i32
      %sign3A_24 = arith.extui %sign3A_23 : i1 to i32
      %sign3A_25 = arith.constant 0 : i32
      %sign3A_26 = arith.cmpi slt, %add3A_22, %sign3A_25 : i32
      %sign3A_27 = arith.extui %sign3A_26 : i1 to i32
      %sign3A_28 = arith.subi %sign3A_24, %sign3A_27 : i32
      %sign3A_29 = arith.constant 0 : i32
      %sign3A_30 = arith.cmpi sgt, %jit3A, %sign3A_29 : i32
      %sign3A_31 = arith.extui %sign3A_30 : i1 to i32
      %sign3A_32 = arith.constant 0 : i32
      %sign3A_33 = arith.cmpi slt, %jit3A, %sign3A_32 : i32
      %sign3A_34 = arith.extui %sign3A_33 : i1 to i32
      %sign3A_35 = arith.subi %sign3A_31, %sign3A_34 : i32
      %ne3A = arith.cmpi ne, %sign3A_28, %sign3A_35 : i32
      %rem3A = arith.remsi %add3A_22, %jit3A : i32
      %ne3A_36 = arith.constant 0 : i32
      %ne3A_37 = arith.cmpi ne, %rem3A, %ne3A_36 : i32
      %and3A = arith.andi %ne3A, %ne3A_37 : i1
      %sub3A = arith.constant 1 : i32
      %sub3A_38 = arith.subi %div3A, %sub3A : i32
      %select_n3A = arith.select %and3A, %sub3A_38, %div3A : i32
      %jit3A_39 = arith.constant 1 : i32
      %eq3A_40 = arith.constant 0 : i32
      %eq3A_41 = arith.cmpi eq, %jit3A_39, %eq3A_40 : i32
      %jit3A_42 = arith.constant 1 : i32
      %select_n3A_43 = arith.select %eq3A_41, %jit3A_42, %jit3A_39 : i32
      %rem3A_44 = arith.remsi %add3A_22, %select_n3A_43 : i32
      %ne3A_45 = arith.constant 0 : i32
      %ne3A_46 = arith.cmpi ne, %rem3A_44, %ne3A_45 : i32
      %lt3A = arith.constant 0 : i32
      %lt3A_47 = arith.cmpi slt, %rem3A_44, %lt3A : i32
      %lt3A_48 = arith.constant 0 : i32
      %lt3A_49 = arith.cmpi slt, %select_n3A_43, %lt3A_48 : i32
      %ne3A_50 = arith.xori %lt3A_47, %lt3A_49 : i1
      %and3A_51 = arith.andi %ne3A_50, %ne3A_46 : i1
      %add3A_52 = arith.addi %rem3A_44, %select_n3A_43 : i32
      %select_n3A_53 = arith.select %and3A_51, %add3A_52, %rem3A_44 : i32
      %mul3A_54 = arith.constant 16 : i32
      %mul3A_55 = arith.muli %select_n3A_53, %mul3A_54 : i32
      %swap3A = arith.index_cast %select_n3A : i32 to index
      %swap3A_56 = arith.index_cast %mul3A_55 : i32 to index
      %swap3A_57 = tpu.vector_load %arg9[%swap3A, %swap3A_56] {strides = array<i32>} : memref<32x16xf32, #tpu.memory_space<vmem>>, vector<1x16xf32>,
      %swap3A_58 = vector.shape_cast %swap3A_57 : vector<1x16xf32> to vector<16xf32>
      %swap3A_59 = vector.shape_cast %broadcast_in_dim3A_1 : vector<16xf32> to vector<1x16xf32>
      tpu.vector_store %arg9[%swap3A, %swap3A_56], %swap3A_59 {strides = array<i32>} : memref<32x16xf32, #tpu.memory_space<vmem>>, vector<1x16xf32>,
    }
    %scan3A_5 = arith.constant 32 : i32
    %scan3A_6 = arith.constant 0 : i32
    %scan3A_7 = arith.constant 20 : i32
    %scan3A_8 = arith.addi %scan3A_6, %scan3A_7 : i32
    %scan3A_9 = arith.constant 1 : i32
    scf.for %scan3A_19 = %scan3A_6 to %scan3A_8 step %scan3A_9  : i32 {
      %mul3A_20 = arith.constant 1 : i32
      %mul3A_21 = arith.muli %scan3A_19, %mul3A_20 : i32
      %add3A = arith.constant 0 : i32
      %add3A_22 = arith.addi %add3A, %mul3A_21 : i32
      %mul3A_23 = arith.constant 32 : i32
      %mul3A_24 = arith.muli %add3A_22, %mul3A_23 : i32
      %add3A_25 = arith.addi %mul3A_0, %mul3A_24 : i32
      "tpu.region"() ({
        %run_scoped3A = tpu.sem_alloc : memref<!tpu.dma_semaphore, #tpu.memory_space<semaphore_mem>>
        %dma_start3A = arith.constant 0 : i32
        %dma_start3A_26 = tpu.memref_slice %arg10[%add3A_25, %dma_start3A] : memref<10240x16xf32, #tpu.memory_space<vmem_shared>> -> memref<32x16xf32, #tpu.memory_space<vmem_shared>>
        %dma_start3A_27 = arith.constant 0 : i32
        %dma_start3A_28 = tpu.memref_slice %arg10[%add3A_25, %dma_start3A_27] : memref<10240x16xf32, #tpu.memory_space<vmem_shared>> -> memref<32x16xf32, #tpu.memory_space<vmem_shared>>
        tpu.enqueue_dma source(%arg9 : memref<32x16xf32, #tpu.memory_space<vmem>>) target(%dma_start3A_28 : memref<32x16xf32, #tpu.memory_space<vmem_shared>>) target_semaphore(%run_scoped3A : memref<!tpu.dma_semaphore, #tpu.memory_space<semaphore_mem>>)
        %dma_wait3A = arith.constant 0 : i32
        %dma_wait3A_29 = tpu.memref_slice %arg10[%add3A_25, %dma_wait3A] : memref<10240x16xf32, #tpu.memory_space<vmem_shared>> -> memref<32x16xf32, #tpu.memory_space<vmem_shared>>
        %dma_wait3A_30 = arith.constant 0 : i32
        %dma_wait3A_31 = tpu.memref_slice %arg10[%add3A_25, %dma_wait3A_30] : memref<10240x16xf32, #tpu.memory_space<vmem_shared>> -> memref<32x16xf32, #tpu.memory_space<vmem_shared>>
        tpu.wait_dma2 semaphore(%run_scoped3A : memref<!tpu.dma_semaphore, #tpu.memory_space<semaphore_mem>>) src(%arg9 : memref<32x16xf32, #tpu.memory_space<vmem>>) dst(%dma_wait3A_31 : memref<32x16xf32, #tpu.memory_space<vmem_shared>>)
        tpu.yield
      }) : () -> ()
    }
    %scan3A_10 = arith.constant 20 : i32
    %barrier3A = arith.constant 0 : index
    tpu.barrier barrier_id(%barrier3A)
    %eq3A = arith.constant 0 : i32
    %eq3A_11 = arith.cmpi eq, %arg0, %eq3A : i32
    %convert_element_type3A = arith.extui %eq3A_11 : i1 to i32
    %cond3A = arith.constant 0 : i32
    %cond3A_12 = arith.cmpi ne, %convert_element_type3A, %cond3A : i32
    scf.if %cond3A_12 {
      %mul3A_19 = arith.constant 80 : i32
      %mul3A_20 = arith.muli %arg1, %mul3A_19 : i32
      "tpu.region"() ({
        %run_scoped3A = tpu.sem_alloc : memref<!tpu.dma_semaphore, #tpu.memory_space<semaphore_mem>>
        %dma_start3A = arith.constant 0 : i32
        %dma_start3A_26 = arith.constant 0 : i32
        %dma_start3A_27 = tpu.memref_slice %arg6[%dma_start3A, %dma_start3A_26] : memref<80x128xi32, #tpu.memory_space<vmem>> -> memref<80x128xi32, #tpu.memory_space<vmem>>
        %dma_start3A_28 = arith.constant 0 : i32
        %dma_start3A_29 = tpu.memref_slice %arg3[%mul3A_20, %dma_start3A_28] : memref<2560x128xi32, #tpu.memory_space<hbm>> -> memref<80x128xi32, #tpu.memory_space<hbm>>
        %dma_start3A_30 = arith.constant 0 : i32
        %dma_start3A_31 = arith.constant 0 : i32
        %dma_start3A_32 = tpu.memref_slice %arg6[%dma_start3A_30, %dma_start3A_31] : memref<80x128xi32, #tpu.memory_space<vmem>> -> memref<80x128xi32, #tpu.memory_space<vmem>>
        %dma_start3A_33 = arith.constant 0 : i32
        %dma_start3A_34 = tpu.memref_slice %arg3[%mul3A_20, %dma_start3A_33] : memref<2560x128xi32, #tpu.memory_space<hbm>> -> memref<80x128xi32, #tpu.memory_space<hbm>>
        tpu.enqueue_dma source(%dma_start3A_34 : memref<80x128xi32, #tpu.memory_space<hbm>>) target(%dma_start3A_32 : memref<80x128xi32, #tpu.memory_space<vmem>>) target_semaphore(%run_scoped3A : memref<!tpu.dma_semaphore, #tpu.memory_space<semaphore_mem>>)
        %dma_wait3A = arith.constant 0 : i32
        %dma_wait3A_35 = arith.constant 0 : i32
        %dma_wait3A_36 = tpu.memref_slice %arg6[%dma_wait3A, %dma_wait3A_35] : memref<80x128xi32, #tpu.memory_space<vmem>> -> memref<80x128xi32, #tpu.memory_space<vmem>>
        %dma_wait3A_37 = arith.constant 0 : i32
        %dma_wait3A_38 = tpu.memref_slice %arg3[%mul3A_20, %dma_wait3A_37] : memref<2560x128xi32, #tpu.memory_space<hbm>> -> memref<80x128xi32, #tpu.memory_space<hbm>>
        %dma_wait3A_39 = arith.constant 0 : i32
        %dma_wait3A_40 = arith.constant 0 : i32
        %dma_wait3A_41 = tpu.memref_slice %arg6[%dma_wait3A_39, %dma_wait3A_40] : memref<80x128xi32, #tpu.memory_space<vmem>> -> memref<80x128xi32, #tpu.memory_space<vmem>>
        %dma_wait3A_42 = arith.constant 0 : i32
        %dma_wait3A_43 = tpu.memref_slice %arg3[%mul3A_20, %dma_wait3A_42] : memref<2560x128xi32, #tpu.memory_space<hbm>> -> memref<80x128xi32, #tpu.memory_space<hbm>>
        tpu.wait_dma2 semaphore(%run_scoped3A : memref<!tpu.dma_semaphore, #tpu.memory_space<semaphore_mem>>) src(%dma_wait3A_43 : memref<80x128xi32, #tpu.memory_space<hbm>>) dst(%dma_wait3A_41 : memref<80x128xi32, #tpu.memory_space<vmem>>)
        tpu.yield
      }) : () -> ()
      "tpu.region"() ({
        %run_scoped3A = tpu.sem_alloc : memref<!tpu.dma_semaphore, #tpu.memory_space<semaphore_mem>>
        %dma_start3A = arith.constant 0 : i32
        %dma_start3A_26 = arith.constant 0 : i32
        %dma_start3A_27 = tpu.memref_slice %arg7[%dma_start3A, %dma_start3A_26] : memref<80x128xi32, #tpu.memory_space<vmem>> -> memref<80x128xi32, #tpu.memory_space<vmem>>
        %dma_start3A_28 = arith.constant 0 : i32
        %dma_start3A_29 = tpu.memref_slice %arg4[%mul3A_20, %dma_start3A_28] : memref<2560x128xi32, #tpu.memory_space<hbm>> -> memref<80x128xi32, #tpu.memory_space<hbm>>
        %dma_start3A_30 = arith.constant 0 : i32
        %dma_start3A_31 = arith.constant 0 : i32
        %dma_start3A_32 = tpu.memref_slice %arg7[%dma_start3A_30, %dma_start3A_31] : memref<80x128xi32, #tpu.memory_space<vmem>> -> memref<80x128xi32, #tpu.memory_space<vmem>>
        %dma_start3A_33 = arith.constant 0 : i32
        %dma_start3A_34 = tpu.memref_slice %arg4[%mul3A_20, %dma_start3A_33] : memref<2560x128xi32, #tpu.memory_space<hbm>> -> memref<80x128xi32, #tpu.memory_space<hbm>>
        tpu.enqueue_dma source(%dma_start3A_34 : memref<80x128xi32, #tpu.memory_space<hbm>>) target(%dma_start3A_32 : memref<80x128xi32, #tpu.memory_space<vmem>>) target_semaphore(%run_scoped3A : memref<!tpu.dma_semaphore, #tpu.memory_space<semaphore_mem>>)
        %dma_wait3A = arith.constant 0 : i32
        %dma_wait3A_35 = arith.constant 0 : i32
        %dma_wait3A_36 = tpu.memref_slice %arg7[%dma_wait3A, %dma_wait3A_35] : memref<80x128xi32, #tpu.memory_space<vmem>> -> memref<80x128xi32, #tpu.memory_space<vmem>>
        %dma_wait3A_37 = arith.constant 0 : i32
        %dma_wait3A_38 = tpu.memref_slice %arg4[%mul3A_20, %dma_wait3A_37] : memref<2560x128xi32, #tpu.memory_space<hbm>> -> memref<80x128xi32, #tpu.memory_space<hbm>>
        %dma_wait3A_39 = arith.constant 0 : i32
        %dma_wait3A_40 = arith.constant 0 : i32
        %dma_wait3A_41 = tpu.memref_slice %arg7[%dma_wait3A_39, %dma_wait3A_40] : memref<80x128xi32, #tpu.memory_space<vmem>> -> memref<80x128xi32, #tpu.memory_space<vmem>>
        %dma_wait3A_42 = arith.constant 0 : i32
        %dma_wait3A_43 = tpu.memref_slice %arg4[%mul3A_20, %dma_wait3A_42] : memref<2560x128xi32, #tpu.memory_space<hbm>> -> memref<80x128xi32, #tpu.memory_space<hbm>>
        tpu.wait_dma2 semaphore(%run_scoped3A : memref<!tpu.dma_semaphore, #tpu.memory_space<semaphore_mem>>) src(%dma_wait3A_43 : memref<80x128xi32, #tpu.memory_space<hbm>>) dst(%dma_wait3A_41 : memref<80x128xi32, #tpu.memory_space<vmem>>)
        tpu.yield
      }) : () -> ()
      %scan3A_21 = arith.constant 0 : i32
      %scan3A_22 = arith.constant 80 : i32
      %scan3A_23 = arith.addi %scan3A_21, %scan3A_22 : i32
      %scan3A_24 = arith.constant 1 : i32
      scf.for %scan3A_26 = %scan3A_21 to %scan3A_23 step %scan3A_24  : i32 {
        %mul3A_27 = arith.constant 1 : i32
        %mul3A_28 = arith.muli %scan3A_26, %mul3A_27 : i32
        %add3A = arith.constant 0 : i32
        %add3A_29 = arith.addi %add3A, %mul3A_28 : i32
        "tpu.region"() ({
          %run_scoped3A = tpu.sem_alloc : memref<!tpu.dma_semaphore, #tpu.memory_space<semaphore_mem>>
          %dma_start3A = arith.constant 0 : i32
          %dma_start3A_30 = tpu.memref_slice %arg6[%add3A_29, %dma_start3A] : memref<80x128xi32, #tpu.memory_space<vmem>> -> memref<1x128xi32, #tpu.memory_space<vmem>>
          %dma_start3A_31 = tpu.memref_squeeze %dma_start3A_30 : memref<1x128xi32, #tpu.memory_space<vmem>> -> memref<128xi32, #tpu.memory_space<vmem>>
          %dma_start3A_32 = arith.constant 0 : i32
          %dma_start3A_33 = arith.constant 0 : i32
          %dma_start3A_34 = tpu.memref_slice %arg2[%dma_start3A_32, %dma_start3A_33] : memref<10000x16xf32, #tpu.memory_space<hbm>> -> memref<10000x16xf32, #tpu.memory_space<hbm>>
          tpu.enqueue_indirect_dma source(%dma_start3A_34 : memref<10000x16xf32, #tpu.memory_space<hbm>>) target(%arg8 : memref<128x16xf32, #tpu.memory_space<vmem>>) offsets(%dma_start3A_31 : memref<128xi32, #tpu.memory_space<vmem>>) semaphore(%run_scoped3A : memref<!tpu.dma_semaphore, #tpu.memory_space<semaphore_mem>>)
          %dma_wait3A = arith.constant 0 : i32
          %dma_wait3A_35 = tpu.memref_slice %arg6[%add3A_29, %dma_wait3A] : memref<80x128xi32, #tpu.memory_space<vmem>> -> memref<1x128xi32, #tpu.memory_space<vmem>>
          %dma_wait3A_36 = tpu.memref_squeeze %dma_wait3A_35 : memref<1x128xi32, #tpu.memory_space<vmem>> -> memref<128xi32, #tpu.memory_space<vmem>>
          %dma_wait3A_37 = arith.constant 0 : i32
          %dma_wait3A_38 = arith.constant 0 : i32
          %dma_wait3A_39 = tpu.memref_slice %arg2[%dma_wait3A_37, %dma_wait3A_38] : memref<10000x16xf32, #tpu.memory_space<hbm>> -> memref<10000x16xf32, #tpu.memory_space<hbm>>
          tpu.wait_indirect_dma semaphore(%run_scoped3A : memref<!tpu.dma_semaphore, #tpu.memory_space<semaphore_mem>>) src(%dma_wait3A_39 : memref<10000x16xf32, #tpu.memory_space<hbm>>) dst(%arg8 : memref<128x16xf32, #tpu.memory_space<vmem>>)
          tpu.yield
        }) : () -> ()
        "tpu.region"() ({
          %run_scoped3A = tpu.sem_alloc : memref<!tpu.dma_semaphore, #tpu.memory_space<semaphore_mem>>
          %dma_start3A = arith.constant 0 : i32
          %dma_start3A_30 = tpu.memref_slice %arg7[%add3A_29, %dma_start3A] : memref<80x128xi32, #tpu.memory_space<vmem>> -> memref<1x128xi32, #tpu.memory_space<vmem>>
          %dma_start3A_31 = tpu.memref_squeeze %dma_start3A_30 : memref<1x128xi32, #tpu.memory_space<vmem>> -> memref<128xi32, #tpu.memory_space<vmem>>
          %dma_start3A_32 = arith.constant 0 : i32
          %dma_start3A_33 = arith.constant 0 : i32
          %dma_start3A_34 = tpu.memref_slice %arg10[%dma_start3A_32, %dma_start3A_33] : memref<10240x16xf32, #tpu.memory_space<vmem_shared>> -> memref<10240x16xf32, #tpu.memory_space<vmem_shared>>
          tpu.enqueue_indirect_dma source(%arg8 : memref<128x16xf32, #tpu.memory_space<vmem>>) target(%dma_start3A_34 : memref<10240x16xf32, #tpu.memory_space<vmem_shared>>) offsets(%dma_start3A_31 : memref<128xi32, #tpu.memory_space<vmem>>) semaphore(%run_scoped3A : memref<!tpu.dma_semaphore, #tpu.memory_space<semaphore_mem>>) {add = true}
          %dma_wait3A = arith.constant 0 : i32
          %dma_wait3A_35 = tpu.memref_slice %arg7[%add3A_29, %dma_wait3A] : memref<80x128xi32, #tpu.memory_space<vmem>> -> memref<1x128xi32, #tpu.memory_space<vmem>>
          %dma_wait3A_36 = tpu.memref_squeeze %dma_wait3A_35 : memref<1x128xi32, #tpu.memory_space<vmem>> -> memref<128xi32, #tpu.memory_space<vmem>>
          %dma_wait3A_37 = arith.constant 0 : i32
          %dma_wait3A_38 = arith.constant 0 : i32
          %dma_wait3A_39 = tpu.memref_slice %arg10[%dma_wait3A_37, %dma_wait3A_38] : memref<10240x16xf32, #tpu.memory_space<vmem_shared>> -> memref<10240x16xf32, #tpu.memory_space<vmem_shared>>
          tpu.wait_indirect_dma semaphore(%run_scoped3A : memref<!tpu.dma_semaphore, #tpu.memory_space<semaphore_mem>>) src(%arg8 : memref<128x16xf32, #tpu.memory_space<vmem>>) dst(%dma_wait3A_39 : memref<10240x16xf32, #tpu.memory_space<vmem_shared>>)
          tpu.yield
        }) : () -> ()
      }
      %scan3A_25 = arith.constant 80 : i32
    } else {
    }
    %eq3A_13 = arith.constant 1 : i32
    %eq3A_14 = arith.cmpi eq, %arg0, %eq3A_13 : i32
    %convert_element_type3A_15 = arith.extui %eq3A_14 : i1 to i32
    %cond3A_16 = arith.constant 0 : i32
    %cond3A_17 = arith.cmpi ne, %convert_element_type3A_15, %cond3A_16 : i32
    scf.if %cond3A_17 {
      %mul3A_19 = arith.constant 80 : i32
      %mul3A_20 = arith.muli %arg1, %mul3A_19 : i32
      %add3A = arith.constant 1280 : i32
      %add3A_21 = arith.addi %add3A, %mul3A_20 : i32
      "tpu.region"() ({
        %run_scoped3A = tpu.sem_alloc : memref<!tpu.dma_semaphore, #tpu.memory_space<semaphore_mem>>
        %dma_start3A = arith.constant 0 : i32
        %dma_start3A_27 = arith.constant 0 : i32
        %dma_start3A_28 = tpu.memref_slice %arg6[%dma_start3A, %dma_start3A_27] : memref<80x128xi32, #tpu.memory_space<vmem>> -> memref<80x128xi32, #tpu.memory_space<vmem>>
        %dma_start3A_29 = arith.constant 0 : i32
        %dma_start3A_30 = tpu.memref_slice %arg3[%add3A_21, %dma_start3A_29] : memref<2560x128xi32, #tpu.memory_space<hbm>> -> memref<80x128xi32, #tpu.memory_space<hbm>>
        %dma_start3A_31 = arith.constant 0 : i32
        %dma_start3A_32 = arith.constant 0 : i32
        %dma_start3A_33 = tpu.memref_slice %arg6[%dma_start3A_31, %dma_start3A_32] : memref<80x128xi32, #tpu.memory_space<vmem>> -> memref<80x128xi32, #tpu.memory_space<vmem>>
        %dma_start3A_34 = arith.constant 0 : i32
        %dma_start3A_35 = tpu.memref_slice %arg3[%add3A_21, %dma_start3A_34] : memref<2560x128xi32, #tpu.memory_space<hbm>> -> memref<80x128xi32, #tpu.memory_space<hbm>>
        tpu.enqueue_dma source(%dma_start3A_35 : memref<80x128xi32, #tpu.memory_space<hbm>>) target(%dma_start3A_33 : memref<80x128xi32, #tpu.memory_space<vmem>>) target_semaphore(%run_scoped3A : memref<!tpu.dma_semaphore, #tpu.memory_space<semaphore_mem>>)
        %dma_wait3A = arith.constant 0 : i32
        %dma_wait3A_36 = arith.constant 0 : i32
        %dma_wait3A_37 = tpu.memref_slice %arg6[%dma_wait3A, %dma_wait3A_36] : memref<80x128xi32, #tpu.memory_space<vmem>> -> memref<80x128xi32, #tpu.memory_space<vmem>>
        %dma_wait3A_38 = arith.constant 0 : i32
        %dma_wait3A_39 = tpu.memref_slice %arg3[%add3A_21, %dma_wait3A_38] : memref<2560x128xi32, #tpu.memory_space<hbm>> -> memref<80x128xi32, #tpu.memory_space<hbm>>
        %dma_wait3A_40 = arith.constant 0 : i32
        %dma_wait3A_41 = arith.constant 0 : i32
        %dma_wait3A_42 = tpu.memref_slice %arg6[%dma_wait3A_40, %dma_wait3A_41] : memref<80x128xi32, #tpu.memory_space<vmem>> -> memref<80x128xi32, #tpu.memory_space<vmem>>
        %dma_wait3A_43 = arith.constant 0 : i32
        %dma_wait3A_44 = tpu.memref_slice %arg3[%add3A_21, %dma_wait3A_43] : memref<2560x128xi32, #tpu.memory_space<hbm>> -> memref<80x128xi32, #tpu.memory_space<hbm>>
        tpu.wait_dma2 semaphore(%run_scoped3A : memref<!tpu.dma_semaphore, #tpu.memory_space<semaphore_mem>>) src(%dma_wait3A_44 : memref<80x128xi32, #tpu.memory_space<hbm>>) dst(%dma_wait3A_42 : memref<80x128xi32, #tpu.memory_space<vmem>>)
        tpu.yield
      }) : () -> ()
      "tpu.region"() ({
        %run_scoped3A = tpu.sem_alloc : memref<!tpu.dma_semaphore, #tpu.memory_space<semaphore_mem>>
        %dma_start3A = arith.constant 0 : i32
        %dma_start3A_27 = arith.constant 0 : i32
        %dma_start3A_28 = tpu.memref_slice %arg7[%dma_start3A, %dma_start3A_27] : memref<80x128xi32, #tpu.memory_space<vmem>> -> memref<80x128xi32, #tpu.memory_space<vmem>>
        %dma_start3A_29 = arith.constant 0 : i32
        %dma_start3A_30 = tpu.memref_slice %arg4[%add3A_21, %dma_start3A_29] : memref<2560x128xi32, #tpu.memory_space<hbm>> -> memref<80x128xi32, #tpu.memory_space<hbm>>
        %dma_start3A_31 = arith.constant 0 : i32
        %dma_start3A_32 = arith.constant 0 : i32
        %dma_start3A_33 = tpu.memref_slice %arg7[%dma_start3A_31, %dma_start3A_32] : memref<80x128xi32, #tpu.memory_space<vmem>> -> memref<80x128xi32, #tpu.memory_space<vmem>>
        %dma_start3A_34 = arith.constant 0 : i32
        %dma_start3A_35 = tpu.memref_slice %arg4[%add3A_21, %dma_start3A_34] : memref<2560x128xi32, #tpu.memory_space<hbm>> -> memref<80x128xi32, #tpu.memory_space<hbm>>
        tpu.enqueue_dma source(%dma_start3A_35 : memref<80x128xi32, #tpu.memory_space<hbm>>) target(%dma_start3A_33 : memref<80x128xi32, #tpu.memory_space<vmem>>) target_semaphore(%run_scoped3A : memref<!tpu.dma_semaphore, #tpu.memory_space<semaphore_mem>>)
        %dma_wait3A = arith.constant 0 : i32
        %dma_wait3A_36 = arith.constant 0 : i32
        %dma_wait3A_37 = tpu.memref_slice %arg7[%dma_wait3A, %dma_wait3A_36] : memref<80x128xi32, #tpu.memory_space<vmem>> -> memref<80x128xi32, #tpu.memory_space<vmem>>
        %dma_wait3A_38 = arith.constant 0 : i32
        %dma_wait3A_39 = tpu.memref_slice %arg4[%add3A_21, %dma_wait3A_38] : memref<2560x128xi32, #tpu.memory_space<hbm>> -> memref<80x128xi32, #tpu.memory_space<hbm>>
        %dma_wait3A_40 = arith.constant 0 : i32
        %dma_wait3A_41 = arith.constant 0 : i32
        %dma_wait3A_42 = tpu.memref_slice %arg7[%dma_wait3A_40, %dma_wait3A_41] : memref<80x128xi32, #tpu.memory_space<vmem>> -> memref<80x128xi32, #tpu.memory_space<vmem>>
        %dma_wait3A_43 = arith.constant 0 : i32
        %dma_wait3A_44 = tpu.memref_slice %arg4[%add3A_21, %dma_wait3A_43] : memref<2560x128xi32, #tpu.memory_space<hbm>> -> memref<80x128xi32, #tpu.memory_space<hbm>>
        tpu.wait_dma2 semaphore(%run_scoped3A : memref<!tpu.dma_semaphore, #tpu.memory_space<semaphore_mem>>) src(%dma_wait3A_44 : memref<80x128xi32, #tpu.memory_space<hbm>>) dst(%dma_wait3A_42 : memref<80x128xi32, #tpu.memory_space<vmem>>)
        tpu.yield
      }) : () -> ()
      %scan3A_22 = arith.constant 0 : i32
      %scan3A_23 = arith.constant 80 : i32
      %scan3A_24 = arith.addi %scan3A_22, %scan3A_23 : i32
      %scan3A_25 = arith.constant 1 : i32
      scf.for %scan3A_27 = %scan3A_22 to %scan3A_24 step %scan3A_25  : i32 {
        %mul3A_28 = arith.constant 1 : i32
        %mul3A_29 = arith.muli %scan3A_27, %mul3A_28 : i32
        %add3A_30 = arith.constant 0 : i32
        %add3A_31 = arith.addi %add3A_30, %mul3A_29 : i32
        "tpu.region"() ({
          %run_scoped3A = tpu.sem_alloc : memref<!tpu.dma_semaphore, #tpu.memory_space<semaphore_mem>>
          %dma_start3A = arith.constant 0 : i32
          %dma_start3A_32 = tpu.memref_slice %arg6[%add3A_31, %dma_start3A] : memref<80x128xi32, #tpu.memory_space<vmem>> -> memref<1x128xi32, #tpu.memory_space<vmem>>
          %dma_start3A_33 = tpu.memref_squeeze %dma_start3A_32 : memref<1x128xi32, #tpu.memory_space<vmem>> -> memref<128xi32, #tpu.memory_space<vmem>>
          %dma_start3A_34 = arith.constant 0 : i32
          %dma_start3A_35 = arith.constant 0 : i32
          %dma_start3A_36 = tpu.memref_slice %arg2[%dma_start3A_34, %dma_start3A_35] : memref<10000x16xf32, #tpu.memory_space<hbm>> -> memref<10000x16xf32, #tpu.memory_space<hbm>>
          tpu.enqueue_indirect_dma source(%dma_start3A_36 : memref<10000x16xf32, #tpu.memory_space<hbm>>) target(%arg8 : memref<128x16xf32, #tpu.memory_space<vmem>>) offsets(%dma_start3A_33 : memref<128xi32, #tpu.memory_space<vmem>>) semaphore(%run_scoped3A : memref<!tpu.dma_semaphore, #tpu.memory_space<semaphore_mem>>)
          %dma_wait3A = arith.constant 0 : i32
          %dma_wait3A_37 = tpu.memref_slice %arg6[%add3A_31, %dma_wait3A] : memref<80x128xi32, #tpu.memory_space<vmem>> -> memref<1x128xi32, #tpu.memory_space<vmem>>
          %dma_wait3A_38 = tpu.memref_squeeze %dma_wait3A_37 : memref<1x128xi32, #tpu.memory_space<vmem>> -> memref<128xi32, #tpu.memory_space<vmem>>
          %dma_wait3A_39 = arith.constant 0 : i32
          %dma_wait3A_40 = arith.constant 0 : i32
          %dma_wait3A_41 = tpu.memref_slice %arg2[%dma_wait3A_39, %dma_wait3A_40] : memref<10000x16xf32, #tpu.memory_space<hbm>> -> memref<10000x16xf32, #tpu.memory_space<hbm>>
          tpu.wait_indirect_dma semaphore(%run_scoped3A : memref<!tpu.dma_semaphore, #tpu.memory_space<semaphore_mem>>) src(%dma_wait3A_41 : memref<10000x16xf32, #tpu.memory_space<hbm>>) dst(%arg8 : memref<128x16xf32, #tpu.memory_space<vmem>>)
          tpu.yield
        }) : () -> ()
        "tpu.region"() ({
          %run_scoped3A = tpu.sem_alloc : memref<!tpu.dma_semaphore, #tpu.memory_space<semaphore_mem>>
          %dma_start3A = arith.constant 0 : i32
          %dma_start3A_32 = tpu.memref_slice %arg7[%add3A_31, %dma_start3A] : memref<80x128xi32, #tpu.memory_space<vmem>> -> memref<1x128xi32, #tpu.memory_space<vmem>>
          %dma_start3A_33 = tpu.memref_squeeze %dma_start3A_32 : memref<1x128xi32, #tpu.memory_space<vmem>> -> memref<128xi32, #tpu.memory_space<vmem>>
          %dma_start3A_34 = arith.constant 0 : i32
          %dma_start3A_35 = arith.constant 0 : i32
          %dma_start3A_36 = tpu.memref_slice %arg10[%dma_start3A_34, %dma_start3A_35] : memref<10240x16xf32, #tpu.memory_space<vmem_shared>> -> memref<10240x16xf32, #tpu.memory_space<vmem_shared>>
          tpu.enqueue_indirect_dma source(%arg8 : memref<128x16xf32, #tpu.memory_space<vmem>>) target(%dma_start3A_36 : memref<10240x16xf32, #tpu.memory_space<vmem_shared>>) offsets(%dma_start3A_33 : memref<128xi32, #tpu.memory_space<vmem>>) semaphore(%run_scoped3A : memref<!tpu.dma_semaphore, #tpu.memory_space<semaphore_mem>>) {add = true}
          %dma_wait3A = arith.constant 0 : i32
          %dma_wait3A_37 = tpu.memref_slice %arg7[%add3A_31, %dma_wait3A] : memref<80x128xi32, #tpu.memory_space<vmem>> -> memref<1x128xi32, #tpu.memory_space<vmem>>
          %dma_wait3A_38 = tpu.memref_squeeze %dma_wait3A_37 : memref<1x128xi32, #tpu.memory_space<vmem>> -> memref<128xi32, #tpu.memory_space<vmem>>
          %dma_wait3A_39 = arith.constant 0 : i32
          %dma_wait3A_40 = arith.constant 0 : i32
          %dma_wait3A_41 = tpu.memref_slice %arg10[%dma_wait3A_39, %dma_wait3A_40] : memref<10240x16xf32, #tpu.memory_space<vmem_shared>> -> memref<10240x16xf32, #tpu.memory_space<vmem_shared>>
          tpu.wait_indirect_dma semaphore(%run_scoped3A : memref<!tpu.dma_semaphore, #tpu.memory_space<semaphore_mem>>) src(%arg8 : memref<128x16xf32, #tpu.memory_space<vmem>>) dst(%dma_wait3A_41 : memref<10240x16xf32, #tpu.memory_space<vmem_shared>>)
          tpu.yield
        }) : () -> ()
      }
      %scan3A_26 = arith.constant 80 : i32
    } else {
    }
    %barrier3A_18 = arith.constant 0 : index
    tpu.barrier barrier_id(%barrier3A_18)
    "tpu.region"() ({
      %run_scoped3A = tpu.sem_alloc : memref<!tpu.dma_semaphore, #tpu.memory_space<semaphore_mem>>
      %dma_start3A = arith.constant 0 : i32
      %dma_start3A_19 = tpu.memref_slice %arg5[%arg0, %mul3A_0, %dma_start3A] : memref<2x10240x16xf32, #tpu.memory_space<hbm>> -> memref<1x640x16xf32, #tpu.memory_space<hbm>>
      %dma_start3A_20 = tpu.memref_squeeze %dma_start3A_19 : memref<1x640x16xf32, #tpu.memory_space<hbm>> -> memref<640x16xf32, #tpu.memory_space<hbm>>
      %dma_start3A_21 = arith.constant 0 : i32
      %dma_start3A_22 = tpu.memref_slice %arg10[%mul3A_0, %dma_start3A_21] : memref<10240x16xf32, #tpu.memory_space<vmem_shared>> -> memref<640x16xf32, #tpu.memory_space<vmem_shared>>
      tpu.enqueue_dma source(%dma_start3A_22 : memref<640x16xf32, #tpu.memory_space<vmem_shared>>) target(%dma_start3A_20 : memref<640x16xf32, #tpu.memory_space<hbm>>) target_semaphore(%run_scoped3A : memref<!tpu.dma_semaphore, #tpu.memory_space<semaphore_mem>>)
      %dma_wait3A = arith.constant 0 : i32
      %dma_wait3A_23 = tpu.memref_slice %arg5[%arg0, %mul3A_0, %dma_wait3A] : memref<2x10240x16xf32, #tpu.memory_space<hbm>> -> memref<1x640x16xf32, #tpu.memory_space<hbm>>
      %dma_wait3A_24 = tpu.memref_squeeze %dma_wait3A_23 : memref<1x640x16xf32, #tpu.memory_space<hbm>> -> memref<640x16xf32, #tpu.memory_space<hbm>>
      %dma_wait3A_25 = arith.constant 0 : i32
      %dma_wait3A_26 = tpu.memref_slice %arg10[%mul3A_0, %dma_wait3A_25] : memref<10240x16xf32, #tpu.memory_space<vmem_shared>> -> memref<640x16xf32, #tpu.memory_space<vmem_shared>>
      tpu.wait_dma2 semaphore(%run_scoped3A : memref<!tpu.dma_semaphore, #tpu.memory_space<semaphore_mem>>) src(%dma_wait3A_26 : memref<640x16xf32, #tpu.memory_space<vmem_shared>>) dst(%dma_wait3A_24 : memref<640x16xf32, #tpu.memory_space<hbm>>)
      tpu.yield
    }) : () -> ()
    return
  }
}

#map = affine_map<(d0, d1) -> (0, 0)>
#map1 = affine_map<(d0, d1) -> (0, 0, 0)>
module attributes {stable_mosaic.version = 14 : i64} {
  func.func @_agg_body(%arg0: i32, %arg1: i32, %arg2: memref<10000x16xf32, #tpu.memory_space<hbm>>, %arg3: memref<2560x128xi32, #tpu.memory_space<hbm>>, %arg4: memref<2560x128xi32, #tpu.memory_space<hbm>>, %arg5: memref<2x10240x16xf32, #tpu.memory_space<hbm>>, %arg6: memref<80x128xi32, #tpu.memory_space<vmem>>, %arg7: memref<80x128xi32, #tpu.memory_space<vmem>>, %arg8: memref<128x16xf32, #tpu.memory_space<vmem>>, %arg9: memref<32x16xf32, #tpu.memory_space<vmem>>, %arg10: memref<10240x16xf32, #tpu.memory_space<vmem_shared>>) attributes {dimension_semantics = [#tpu.dimension_semantics<core_parallel>, #tpu.dimension_semantics<subcore_parallel>], iteration_bounds = array<i64: 2, 16>, scalar_prefetch = 0 : i64, scratch_operands = 5 : i64, tpu.core_type = #tpu.core_type<sc_vector_subcore>, window_params = [{transform_indices = #map}, {transform_indices = #map}, {transform_indices = #map}, {transform_indices = #map1}]} {
    %mul3A = arith.constant 640 : i32
    %mul3A_0 = arith.muli %arg1, %mul3A : i32
    %broadcast_in_dim3A = arith.constant 0.000000e+00 : f32
    %broadcast_in_dim3A_1 = vector.broadcast %broadcast_in_dim3A : f32 to vector<16xf32>
    %scan3A = arith.constant 0 : i32
    %scan3A_2 = arith.constant 32 : i32
    %scan3A_3 = arith.addi %scan3A, %scan3A_2 : i32
    %scan3A_4 = arith.constant 1 : i32
    scf.for %scan3A_19 = %scan3A to %scan3A_3 step %scan3A_4  : i32 {
      %mul3A_20 = arith.constant 1 : i32
      %mul3A_21 = arith.muli %scan3A_19, %mul3A_20 : i32
      %add3A = arith.constant 0 : i32
      %add3A_22 = arith.addi %add3A, %mul3A_21 : i32
      %jit3A = arith.constant 1 : i32
      %div3A = arith.divsi %add3A_22, %jit3A : i32
      %sign3A = arith.constant 0 : i32
      %sign3A_23 = arith.cmpi sgt, %add3A_22, %sign3A : i32
      %sign3A_24 = arith.extui %sign3A_23 : i1 to i32
      %sign3A_25 = arith.constant 0 : i32
      %sign3A_26 = arith.cmpi slt, %add3A_22, %sign3A_25 : i32
      %sign3A_27 = arith.extui %sign3A_26 : i1 to i32
      %sign3A_28 = arith.subi %sign3A_24, %sign3A_27 : i32
      %sign3A_29 = arith.constant 0 : i32
      %sign3A_30 = arith.cmpi sgt, %jit3A, %sign3A_29 : i32
      %sign3A_31 = arith.extui %sign3A_30 : i1 to i32
      %sign3A_32 = arith.constant 0 : i32
      %sign3A_33 = arith.cmpi slt, %jit3A, %sign3A_32 : i32
      %sign3A_34 = arith.extui %sign3A_33 : i1 to i32
      %sign3A_35 = arith.subi %sign3A_31, %sign3A_34 : i32
      %ne3A = arith.cmpi ne, %sign3A_28, %sign3A_35 : i32
      %rem3A = arith.remsi %add3A_22, %jit3A : i32
      %ne3A_36 = arith.constant 0 : i32
      %ne3A_37 = arith.cmpi ne, %rem3A, %ne3A_36 : i32
      %and3A = arith.andi %ne3A, %ne3A_37 : i1
      %sub3A = arith.constant 1 : i32
      %sub3A_38 = arith.subi %div3A, %sub3A : i32
      %select_n3A = arith.select %and3A, %sub3A_38, %div3A : i32
      %jit3A_39 = arith.constant 1 : i32
      %eq3A_40 = arith.constant 0 : i32
      %eq3A_41 = arith.cmpi eq, %jit3A_39, %eq3A_40 : i32
      %jit3A_42 = arith.constant 1 : i32
      %select_n3A_43 = arith.select %eq3A_41, %jit3A_42, %jit3A_39 : i32
      %rem3A_44 = arith.remsi %add3A_22, %select_n3A_43 : i32
      %ne3A_45 = arith.constant 0 : i32
      %ne3A_46 = arith.cmpi ne, %rem3A_44, %ne3A_45 : i32
      %lt3A = arith.constant 0 : i32
      %lt3A_47 = arith.cmpi slt, %rem3A_44, %lt3A : i32
      %lt3A_48 = arith.constant 0 : i32
      %lt3A_49 = arith.cmpi slt, %select_n3A_43, %lt3A_48 : i32
      %ne3A_50 = arith.xori %lt3A_47, %lt3A_49 : i1
      %and3A_51 = arith.andi %ne3A_50, %ne3A_46 : i1
      %add3A_52 = arith.addi %rem3A_44, %select_n3A_43 : i32
      %select_n3A_53 = arith.select %and3A_51, %add3A_52, %rem3A_44 : i32
      %mul3A_54 = arith.constant 16 : i32
      %mul3A_55 = arith.muli %select_n3A_53, %mul3A_54 : i32
      %swap3A = arith.index_cast %select_n3A : i32 to index
      %swap3A_56 = arith.index_cast %mul3A_55 : i32 to index
      %swap3A_57 = tpu.vector_load %arg9[%swap3A, %swap3A_56] {strides = array<i32>} : memref<32x16xf32, #tpu.memory_space<vmem>>, vector<1x16xf32>,
      %swap3A_58 = vector.shape_cast %swap3A_57 : vector<1x16xf32> to vector<16xf32>
      %swap3A_59 = vector.shape_cast %broadcast_in_dim3A_1 : vector<16xf32> to vector<1x16xf32>
      tpu.vector_store %arg9[%swap3A, %swap3A_56], %swap3A_59 {strides = array<i32>} : memref<32x16xf32, #tpu.memory_space<vmem>>, vector<1x16xf32>,
    }
    %scan3A_5 = arith.constant 32 : i32
    %scan3A_6 = arith.constant 0 : i32
    %scan3A_7 = arith.constant 20 : i32
    %scan3A_8 = arith.addi %scan3A_6, %scan3A_7 : i32
    %scan3A_9 = arith.constant 1 : i32
    scf.for %scan3A_19 = %scan3A_6 to %scan3A_8 step %scan3A_9  : i32 {
      %mul3A_20 = arith.constant 1 : i32
      %mul3A_21 = arith.muli %scan3A_19, %mul3A_20 : i32
      %add3A = arith.constant 0 : i32
      %add3A_22 = arith.addi %add3A, %mul3A_21 : i32
      %mul3A_23 = arith.constant 32 : i32
      %mul3A_24 = arith.muli %add3A_22, %mul3A_23 : i32
      %add3A_25 = arith.addi %mul3A_0, %mul3A_24 : i32
      "tpu.region"() ({
        %run_scoped3A = tpu.sem_alloc : memref<!tpu.dma_semaphore, #tpu.memory_space<semaphore_mem>>
        %dma_start3A = arith.constant 0 : i32
        %dma_start3A_26 = tpu.memref_slice %arg10[%add3A_25, %dma_start3A] : memref<10240x16xf32, #tpu.memory_space<vmem_shared>> -> memref<32x16xf32, #tpu.memory_space<vmem_shared>>
        %dma_start3A_27 = arith.constant 0 : i32
        %dma_start3A_28 = tpu.memref_slice %arg10[%add3A_25, %dma_start3A_27] : memref<10240x16xf32, #tpu.memory_space<vmem_shared>> -> memref<32x16xf32, #tpu.memory_space<vmem_shared>>
        tpu.enqueue_dma source(%arg9 : memref<32x16xf32, #tpu.memory_space<vmem>>) target(%dma_start3A_28 : memref<32x16xf32, #tpu.memory_space<vmem_shared>>) target_semaphore(%run_scoped3A : memref<!tpu.dma_semaphore, #tpu.memory_space<semaphore_mem>>)
        %dma_wait3A = arith.constant 0 : i32
        %dma_wait3A_29 = tpu.memref_slice %arg10[%add3A_25, %dma_wait3A] : memref<10240x16xf32, #tpu.memory_space<vmem_shared>> -> memref<32x16xf32, #tpu.memory_space<vmem_shared>>
        %dma_wait3A_30 = arith.constant 0 : i32
        %dma_wait3A_31 = tpu.memref_slice %arg10[%add3A_25, %dma_wait3A_30] : memref<10240x16xf32, #tpu.memory_space<vmem_shared>> -> memref<32x16xf32, #tpu.memory_space<vmem_shared>>
        tpu.wait_dma2 semaphore(%run_scoped3A : memref<!tpu.dma_semaphore, #tpu.memory_space<semaphore_mem>>) src(%arg9 : memref<32x16xf32, #tpu.memory_space<vmem>>) dst(%dma_wait3A_31 : memref<32x16xf32, #tpu.memory_space<vmem_shared>>)
        tpu.yield
      }) : () -> ()
    }
    %scan3A_10 = arith.constant 20 : i32
    %barrier3A = arith.constant 0 : index
    tpu.barrier barrier_id(%barrier3A)
    %eq3A = arith.constant 0 : i32
    %eq3A_11 = arith.cmpi eq, %arg0, %eq3A : i32
    %convert_element_type3A = arith.extui %eq3A_11 : i1 to i32
    %cond3A = arith.constant 0 : i32
    %cond3A_12 = arith.cmpi ne, %convert_element_type3A, %cond3A : i32
    scf.if %cond3A_12 {
      %mul3A_19 = arith.constant 80 : i32
      %mul3A_20 = arith.muli %arg1, %mul3A_19 : i32
      "tpu.region"() ({
        %run_scoped3A = tpu.sem_alloc : memref<!tpu.dma_semaphore, #tpu.memory_space<semaphore_mem>>
        %dma_start3A = arith.constant 0 : i32
        %dma_start3A_26 = arith.constant 0 : i32
        %dma_start3A_27 = tpu.memref_slice %arg6[%dma_start3A, %dma_start3A_26] : memref<80x128xi32, #tpu.memory_space<vmem>> -> memref<80x128xi32, #tpu.memory_space<vmem>>
        %dma_start3A_28 = arith.constant 0 : i32
        %dma_start3A_29 = tpu.memref_slice %arg3[%mul3A_20, %dma_start3A_28] : memref<2560x128xi32, #tpu.memory_space<hbm>> -> memref<80x128xi32, #tpu.memory_space<hbm>>
        %dma_start3A_30 = arith.constant 0 : i32
        %dma_start3A_31 = arith.constant 0 : i32
        %dma_start3A_32 = tpu.memref_slice %arg6[%dma_start3A_30, %dma_start3A_31] : memref<80x128xi32, #tpu.memory_space<vmem>> -> memref<80x128xi32, #tpu.memory_space<vmem>>
        %dma_start3A_33 = arith.constant 0 : i32
        %dma_start3A_34 = tpu.memref_slice %arg3[%mul3A_20, %dma_start3A_33] : memref<2560x128xi32, #tpu.memory_space<hbm>> -> memref<80x128xi32, #tpu.memory_space<hbm>>
        tpu.enqueue_dma source(%dma_start3A_34 : memref<80x128xi32, #tpu.memory_space<hbm>>) target(%dma_start3A_32 : memref<80x128xi32, #tpu.memory_space<vmem>>) target_semaphore(%run_scoped3A : memref<!tpu.dma_semaphore, #tpu.memory_space<semaphore_mem>>)
        %dma_wait3A = arith.constant 0 : i32
        %dma_wait3A_35 = arith.constant 0 : i32
        %dma_wait3A_36 = tpu.memref_slice %arg6[%dma_wait3A, %dma_wait3A_35] : memref<80x128xi32, #tpu.memory_space<vmem>> -> memref<80x128xi32, #tpu.memory_space<vmem>>
        %dma_wait3A_37 = arith.constant 0 : i32
        %dma_wait3A_38 = tpu.memref_slice %arg3[%mul3A_20, %dma_wait3A_37] : memref<2560x128xi32, #tpu.memory_space<hbm>> -> memref<80x128xi32, #tpu.memory_space<hbm>>
        %dma_wait3A_39 = arith.constant 0 : i32
        %dma_wait3A_40 = arith.constant 0 : i32
        %dma_wait3A_41 = tpu.memref_slice %arg6[%dma_wait3A_39, %dma_wait3A_40] : memref<80x128xi32, #tpu.memory_space<vmem>> -> memref<80x128xi32, #tpu.memory_space<vmem>>
        %dma_wait3A_42 = arith.constant 0 : i32
        %dma_wait3A_43 = tpu.memref_slice %arg3[%mul3A_20, %dma_wait3A_42] : memref<2560x128xi32, #tpu.memory_space<hbm>> -> memref<80x128xi32, #tpu.memory_space<hbm>>
        tpu.wait_dma2 semaphore(%run_scoped3A : memref<!tpu.dma_semaphore, #tpu.memory_space<semaphore_mem>>) src(%dma_wait3A_43 : memref<80x128xi32, #tpu.memory_space<hbm>>) dst(%dma_wait3A_41 : memref<80x128xi32, #tpu.memory_space<vmem>>)
        tpu.yield
      }) : () -> ()
      "tpu.region"() ({
        %run_scoped3A = tpu.sem_alloc : memref<!tpu.dma_semaphore, #tpu.memory_space<semaphore_mem>>
        %dma_start3A = arith.constant 0 : i32
        %dma_start3A_26 = arith.constant 0 : i32
        %dma_start3A_27 = tpu.memref_slice %arg7[%dma_start3A, %dma_start3A_26] : memref<80x128xi32, #tpu.memory_space<vmem>> -> memref<80x128xi32, #tpu.memory_space<vmem>>
        %dma_start3A_28 = arith.constant 0 : i32
        %dma_start3A_29 = tpu.memref_slice %arg4[%mul3A_20, %dma_start3A_28] : memref<2560x128xi32, #tpu.memory_space<hbm>> -> memref<80x128xi32, #tpu.memory_space<hbm>>
        %dma_start3A_30 = arith.constant 0 : i32
        %dma_start3A_31 = arith.constant 0 : i32
        %dma_start3A_32 = tpu.memref_slice %arg7[%dma_start3A_30, %dma_start3A_31] : memref<80x128xi32, #tpu.memory_space<vmem>> -> memref<80x128xi32, #tpu.memory_space<vmem>>
        %dma_start3A_33 = arith.constant 0 : i32
        %dma_start3A_34 = tpu.memref_slice %arg4[%mul3A_20, %dma_start3A_33] : memref<2560x128xi32, #tpu.memory_space<hbm>> -> memref<80x128xi32, #tpu.memory_space<hbm>>
        tpu.enqueue_dma source(%dma_start3A_34 : memref<80x128xi32, #tpu.memory_space<hbm>>) target(%dma_start3A_32 : memref<80x128xi32, #tpu.memory_space<vmem>>) target_semaphore(%run_scoped3A : memref<!tpu.dma_semaphore, #tpu.memory_space<semaphore_mem>>)
        %dma_wait3A = arith.constant 0 : i32
        %dma_wait3A_35 = arith.constant 0 : i32
        %dma_wait3A_36 = tpu.memref_slice %arg7[%dma_wait3A, %dma_wait3A_35] : memref<80x128xi32, #tpu.memory_space<vmem>> -> memref<80x128xi32, #tpu.memory_space<vmem>>
        %dma_wait3A_37 = arith.constant 0 : i32
        %dma_wait3A_38 = tpu.memref_slice %arg4[%mul3A_20, %dma_wait3A_37] : memref<2560x128xi32, #tpu.memory_space<hbm>> -> memref<80x128xi32, #tpu.memory_space<hbm>>
        %dma_wait3A_39 = arith.constant 0 : i32
        %dma_wait3A_40 = arith.constant 0 : i32
        %dma_wait3A_41 = tpu.memref_slice %arg7[%dma_wait3A_39, %dma_wait3A_40] : memref<80x128xi32, #tpu.memory_space<vmem>> -> memref<80x128xi32, #tpu.memory_space<vmem>>
        %dma_wait3A_42 = arith.constant 0 : i32
        %dma_wait3A_43 = tpu.memref_slice %arg4[%mul3A_20, %dma_wait3A_42] : memref<2560x128xi32, #tpu.memory_space<hbm>> -> memref<80x128xi32, #tpu.memory_space<hbm>>
        tpu.wait_dma2 semaphore(%run_scoped3A : memref<!tpu.dma_semaphore, #tpu.memory_space<semaphore_mem>>) src(%dma_wait3A_43 : memref<80x128xi32, #tpu.memory_space<hbm>>) dst(%dma_wait3A_41 : memref<80x128xi32, #tpu.memory_space<vmem>>)
        tpu.yield
      }) : () -> ()
      %scan3A_21 = arith.constant 0 : i32
      %scan3A_22 = arith.constant 80 : i32
      %scan3A_23 = arith.addi %scan3A_21, %scan3A_22 : i32
      %scan3A_24 = arith.constant 1 : i32
      scf.for %scan3A_26 = %scan3A_21 to %scan3A_23 step %scan3A_24  : i32 {
        %mul3A_27 = arith.constant 1 : i32
        %mul3A_28 = arith.muli %scan3A_26, %mul3A_27 : i32
        %add3A = arith.constant 0 : i32
        %add3A_29 = arith.addi %add3A, %mul3A_28 : i32
        "tpu.region"() ({
          %run_scoped3A = tpu.sem_alloc : memref<!tpu.dma_semaphore, #tpu.memory_space<semaphore_mem>>
          %dma_start3A = arith.constant 0 : i32
          %dma_start3A_30 = tpu.memref_slice %arg6[%add3A_29, %dma_start3A] : memref<80x128xi32, #tpu.memory_space<vmem>> -> memref<1x128xi32, #tpu.memory_space<vmem>>
          %dma_start3A_31 = tpu.memref_squeeze %dma_start3A_30 : memref<1x128xi32, #tpu.memory_space<vmem>> -> memref<128xi32, #tpu.memory_space<vmem>>
          %dma_start3A_32 = arith.constant 0 : i32
          %dma_start3A_33 = arith.constant 0 : i32
          %dma_start3A_34 = tpu.memref_slice %arg2[%dma_start3A_32, %dma_start3A_33] : memref<10000x16xf32, #tpu.memory_space<hbm>> -> memref<10000x16xf32, #tpu.memory_space<hbm>>
          tpu.enqueue_indirect_dma source(%dma_start3A_34 : memref<10000x16xf32, #tpu.memory_space<hbm>>) target(%arg8 : memref<128x16xf32, #tpu.memory_space<vmem>>) offsets(%dma_start3A_31 : memref<128xi32, #tpu.memory_space<vmem>>) semaphore(%run_scoped3A : memref<!tpu.dma_semaphore, #tpu.memory_space<semaphore_mem>>)
          %dma_wait3A = arith.constant 0 : i32
          %dma_wait3A_35 = tpu.memref_slice %arg6[%add3A_29, %dma_wait3A] : memref<80x128xi32, #tpu.memory_space<vmem>> -> memref<1x128xi32, #tpu.memory_space<vmem>>
          %dma_wait3A_36 = tpu.memref_squeeze %dma_wait3A_35 : memref<1x128xi32, #tpu.memory_space<vmem>> -> memref<128xi32, #tpu.memory_space<vmem>>
          %dma_wait3A_37 = arith.constant 0 : i32
          %dma_wait3A_38 = arith.constant 0 : i32
          %dma_wait3A_39 = tpu.memref_slice %arg2[%dma_wait3A_37, %dma_wait3A_38] : memref<10000x16xf32, #tpu.memory_space<hbm>> -> memref<10000x16xf32, #tpu.memory_space<hbm>>
          tpu.wait_indirect_dma semaphore(%run_scoped3A : memref<!tpu.dma_semaphore, #tpu.memory_space<semaphore_mem>>) src(%dma_wait3A_39 : memref<10000x16xf32, #tpu.memory_space<hbm>>) dst(%arg8 : memref<128x16xf32, #tpu.memory_space<vmem>>)
          tpu.yield
        }) : () -> ()
        "tpu.region"() ({
          %run_scoped3A = tpu.sem_alloc : memref<!tpu.dma_semaphore, #tpu.memory_space<semaphore_mem>>
          %dma_start3A = arith.constant 0 : i32
          %dma_start3A_30 = tpu.memref_slice %arg7[%add3A_29, %dma_start3A] : memref<80x128xi32, #tpu.memory_space<vmem>> -> memref<1x128xi32, #tpu.memory_space<vmem>>
          %dma_start3A_31 = tpu.memref_squeeze %dma_start3A_30 : memref<1x128xi32, #tpu.memory_space<vmem>> -> memref<128xi32, #tpu.memory_space<vmem>>
          %dma_start3A_32 = arith.constant 0 : i32
          %dma_start3A_33 = arith.constant 0 : i32
          %dma_start3A_34 = tpu.memref_slice %arg10[%dma_start3A_32, %dma_start3A_33] : memref<10240x16xf32, #tpu.memory_space<vmem_shared>> -> memref<10240x16xf32, #tpu.memory_space<vmem_shared>>
          tpu.enqueue_indirect_dma source(%arg8 : memref<128x16xf32, #tpu.memory_space<vmem>>) target(%dma_start3A_34 : memref<10240x16xf32, #tpu.memory_space<vmem_shared>>) offsets(%dma_start3A_31 : memref<128xi32, #tpu.memory_space<vmem>>) semaphore(%run_scoped3A : memref<!tpu.dma_semaphore, #tpu.memory_space<semaphore_mem>>) {add = true}
          %dma_wait3A = arith.constant 0 : i32
          %dma_wait3A_35 = tpu.memref_slice %arg7[%add3A_29, %dma_wait3A] : memref<80x128xi32, #tpu.memory_space<vmem>> -> memref<1x128xi32, #tpu.memory_space<vmem>>
          %dma_wait3A_36 = tpu.memref_squeeze %dma_wait3A_35 : memref<1x128xi32, #tpu.memory_space<vmem>> -> memref<128xi32, #tpu.memory_space<vmem>>
          %dma_wait3A_37 = arith.constant 0 : i32
          %dma_wait3A_38 = arith.constant 0 : i32
          %dma_wait3A_39 = tpu.memref_slice %arg10[%dma_wait3A_37, %dma_wait3A_38] : memref<10240x16xf32, #tpu.memory_space<vmem_shared>> -> memref<10240x16xf32, #tpu.memory_space<vmem_shared>>
          tpu.wait_indirect_dma semaphore(%run_scoped3A : memref<!tpu.dma_semaphore, #tpu.memory_space<semaphore_mem>>) src(%arg8 : memref<128x16xf32, #tpu.memory_space<vmem>>) dst(%dma_wait3A_39 : memref<10240x16xf32, #tpu.memory_space<vmem_shared>>)
          tpu.yield
        }) : () -> ()
      }
      %scan3A_25 = arith.constant 80 : i32
    } else {
    }
    %eq3A_13 = arith.constant 1 : i32
    %eq3A_14 = arith.cmpi eq, %arg0, %eq3A_13 : i32
    %convert_element_type3A_15 = arith.extui %eq3A_14 : i1 to i32
    %cond3A_16 = arith.constant 0 : i32
    %cond3A_17 = arith.cmpi ne, %convert_element_type3A_15, %cond3A_16 : i32
    scf.if %cond3A_17 {
      %mul3A_19 = arith.constant 80 : i32
      %mul3A_20 = arith.muli %arg1, %mul3A_19 : i32
      %add3A = arith.constant 1280 : i32
      %add3A_21 = arith.addi %add3A, %mul3A_20 : i32
      "tpu.region"() ({
        %run_scoped3A = tpu.sem_alloc : memref<!tpu.dma_semaphore, #tpu.memory_space<semaphore_mem>>
        %dma_start3A = arith.constant 0 : i32
        %dma_start3A_27 = arith.constant 0 : i32
        %dma_start3A_28 = tpu.memref_slice %arg6[%dma_start3A, %dma_start3A_27] : memref<80x128xi32, #tpu.memory_space<vmem>> -> memref<80x128xi32, #tpu.memory_space<vmem>>
        %dma_start3A_29 = arith.constant 0 : i32
        %dma_start3A_30 = tpu.memref_slice %arg3[%add3A_21, %dma_start3A_29] : memref<2560x128xi32, #tpu.memory_space<hbm>> -> memref<80x128xi32, #tpu.memory_space<hbm>>
        %dma_start3A_31 = arith.constant 0 : i32
        %dma_start3A_32 = arith.constant 0 : i32
        %dma_start3A_33 = tpu.memref_slice %arg6[%dma_start3A_31, %dma_start3A_32] : memref<80x128xi32, #tpu.memory_space<vmem>> -> memref<80x128xi32, #tpu.memory_space<vmem>>
        %dma_start3A_34 = arith.constant 0 : i32
        %dma_start3A_35 = tpu.memref_slice %arg3[%add3A_21, %dma_start3A_34] : memref<2560x128xi32, #tpu.memory_space<hbm>> -> memref<80x128xi32, #tpu.memory_space<hbm>>
        tpu.enqueue_dma source(%dma_start3A_35 : memref<80x128xi32, #tpu.memory_space<hbm>>) target(%dma_start3A_33 : memref<80x128xi32, #tpu.memory_space<vmem>>) target_semaphore(%run_scoped3A : memref<!tpu.dma_semaphore, #tpu.memory_space<semaphore_mem>>)
        %dma_wait3A = arith.constant 0 : i32
        %dma_wait3A_36 = arith.constant 0 : i32
        %dma_wait3A_37 = tpu.memref_slice %arg6[%dma_wait3A, %dma_wait3A_36] : memref<80x128xi32, #tpu.memory_space<vmem>> -> memref<80x128xi32, #tpu.memory_space<vmem>>
        %dma_wait3A_38 = arith.constant 0 : i32
        %dma_wait3A_39 = tpu.memref_slice %arg3[%add3A_21, %dma_wait3A_38] : memref<2560x128xi32, #tpu.memory_space<hbm>> -> memref<80x128xi32, #tpu.memory_space<hbm>>
        %dma_wait3A_40 = arith.constant 0 : i32
        %dma_wait3A_41 = arith.constant 0 : i32
        %dma_wait3A_42 = tpu.memref_slice %arg6[%dma_wait3A_40, %dma_wait3A_41] : memref<80x128xi32, #tpu.memory_space<vmem>> -> memref<80x128xi32, #tpu.memory_space<vmem>>
        %dma_wait3A_43 = arith.constant 0 : i32
        %dma_wait3A_44 = tpu.memref_slice %arg3[%add3A_21, %dma_wait3A_43] : memref<2560x128xi32, #tpu.memory_space<hbm>> -> memref<80x128xi32, #tpu.memory_space<hbm>>
        tpu.wait_dma2 semaphore(%run_scoped3A : memref<!tpu.dma_semaphore, #tpu.memory_space<semaphore_mem>>) src(%dma_wait3A_44 : memref<80x128xi32, #tpu.memory_space<hbm>>) dst(%dma_wait3A_42 : memref<80x128xi32, #tpu.memory_space<vmem>>)
        tpu.yield
      }) : () -> ()
      "tpu.region"() ({
        %run_scoped3A = tpu.sem_alloc : memref<!tpu.dma_semaphore, #tpu.memory_space<semaphore_mem>>
        %dma_start3A = arith.constant 0 : i32
        %dma_start3A_27 = arith.constant 0 : i32
        %dma_start3A_28 = tpu.memref_slice %arg7[%dma_start3A, %dma_start3A_27] : memref<80x128xi32, #tpu.memory_space<vmem>> -> memref<80x128xi32, #tpu.memory_space<vmem>>
        %dma_start3A_29 = arith.constant 0 : i32
        %dma_start3A_30 = tpu.memref_slice %arg4[%add3A_21, %dma_start3A_29] : memref<2560x128xi32, #tpu.memory_space<hbm>> -> memref<80x128xi32, #tpu.memory_space<hbm>>
        %dma_start3A_31 = arith.constant 0 : i32
        %dma_start3A_32 = arith.constant 0 : i32
        %dma_start3A_33 = tpu.memref_slice %arg7[%dma_start3A_31, %dma_start3A_32] : memref<80x128xi32, #tpu.memory_space<vmem>> -> memref<80x128xi32, #tpu.memory_space<vmem>>
        %dma_start3A_34 = arith.constant 0 : i32
        %dma_start3A_35 = tpu.memref_slice %arg4[%add3A_21, %dma_start3A_34] : memref<2560x128xi32, #tpu.memory_space<hbm>> -> memref<80x128xi32, #tpu.memory_space<hbm>>
        tpu.enqueue_dma source(%dma_start3A_35 : memref<80x128xi32, #tpu.memory_space<hbm>>) target(%dma_start3A_33 : memref<80x128xi32, #tpu.memory_space<vmem>>) target_semaphore(%run_scoped3A : memref<!tpu.dma_semaphore, #tpu.memory_space<semaphore_mem>>)
        %dma_wait3A = arith.constant 0 : i32
        %dma_wait3A_36 = arith.constant 0 : i32
        %dma_wait3A_37 = tpu.memref_slice %arg7[%dma_wait3A, %dma_wait3A_36] : memref<80x128xi32, #tpu.memory_space<vmem>> -> memref<80x128xi32, #tpu.memory_space<vmem>>
        %dma_wait3A_38 = arith.constant 0 : i32
        %dma_wait3A_39 = tpu.memref_slice %arg4[%add3A_21, %dma_wait3A_38] : memref<2560x128xi32, #tpu.memory_space<hbm>> -> memref<80x128xi32, #tpu.memory_space<hbm>>
        %dma_wait3A_40 = arith.constant 0 : i32
        %dma_wait3A_41 = arith.constant 0 : i32
        %dma_wait3A_42 = tpu.memref_slice %arg7[%dma_wait3A_40, %dma_wait3A_41] : memref<80x128xi32, #tpu.memory_space<vmem>> -> memref<80x128xi32, #tpu.memory_space<vmem>>
        %dma_wait3A_43 = arith.constant 0 : i32
        %dma_wait3A_44 = tpu.memref_slice %arg4[%add3A_21, %dma_wait3A_43] : memref<2560x128xi32, #tpu.memory_space<hbm>> -> memref<80x128xi32, #tpu.memory_space<hbm>>
        tpu.wait_dma2 semaphore(%run_scoped3A : memref<!tpu.dma_semaphore, #tpu.memory_space<semaphore_mem>>) src(%dma_wait3A_44 : memref<80x128xi32, #tpu.memory_space<hbm>>) dst(%dma_wait3A_42 : memref<80x128xi32, #tpu.memory_space<vmem>>)
        tpu.yield
      }) : () -> ()
      %scan3A_22 = arith.constant 0 : i32
      %scan3A_23 = arith.constant 80 : i32
      %scan3A_24 = arith.addi %scan3A_22, %scan3A_23 : i32
      %scan3A_25 = arith.constant 1 : i32
      scf.for %scan3A_27 = %scan3A_22 to %scan3A_24 step %scan3A_25  : i32 {
        %mul3A_28 = arith.constant 1 : i32
        %mul3A_29 = arith.muli %scan3A_27, %mul3A_28 : i32
        %add3A_30 = arith.constant 0 : i32
        %add3A_31 = arith.addi %add3A_30, %mul3A_29 : i32
        "tpu.region"() ({
          %run_scoped3A = tpu.sem_alloc : memref<!tpu.dma_semaphore, #tpu.memory_space<semaphore_mem>>
          %dma_start3A = arith.constant 0 : i32
          %dma_start3A_32 = tpu.memref_slice %arg6[%add3A_31, %dma_start3A] : memref<80x128xi32, #tpu.memory_space<vmem>> -> memref<1x128xi32, #tpu.memory_space<vmem>>
          %dma_start3A_33 = tpu.memref_squeeze %dma_start3A_32 : memref<1x128xi32, #tpu.memory_space<vmem>> -> memref<128xi32, #tpu.memory_space<vmem>>
          %dma_start3A_34 = arith.constant 0 : i32
          %dma_start3A_35 = arith.constant 0 : i32
          %dma_start3A_36 = tpu.memref_slice %arg2[%dma_start3A_34, %dma_start3A_35] : memref<10000x16xf32, #tpu.memory_space<hbm>> -> memref<10000x16xf32, #tpu.memory_space<hbm>>
          tpu.enqueue_indirect_dma source(%dma_start3A_36 : memref<10000x16xf32, #tpu.memory_space<hbm>>) target(%arg8 : memref<128x16xf32, #tpu.memory_space<vmem>>) offsets(%dma_start3A_33 : memref<128xi32, #tpu.memory_space<vmem>>) semaphore(%run_scoped3A : memref<!tpu.dma_semaphore, #tpu.memory_space<semaphore_mem>>)
          %dma_wait3A = arith.constant 0 : i32
          %dma_wait3A_37 = tpu.memref_slice %arg6[%add3A_31, %dma_wait3A] : memref<80x128xi32, #tpu.memory_space<vmem>> -> memref<1x128xi32, #tpu.memory_space<vmem>>
          %dma_wait3A_38 = tpu.memref_squeeze %dma_wait3A_37 : memref<1x128xi32, #tpu.memory_space<vmem>> -> memref<128xi32, #tpu.memory_space<vmem>>
          %dma_wait3A_39 = arith.constant 0 : i32
          %dma_wait3A_40 = arith.constant 0 : i32
          %dma_wait3A_41 = tpu.memref_slice %arg2[%dma_wait3A_39, %dma_wait3A_40] : memref<10000x16xf32, #tpu.memory_space<hbm>> -> memref<10000x16xf32, #tpu.memory_space<hbm>>
          tpu.wait_indirect_dma semaphore(%run_scoped3A : memref<!tpu.dma_semaphore, #tpu.memory_space<semaphore_mem>>) src(%dma_wait3A_41 : memref<10000x16xf32, #tpu.memory_space<hbm>>) dst(%arg8 : memref<128x16xf32, #tpu.memory_space<vmem>>)
          tpu.yield
        }) : () -> ()
        "tpu.region"() ({
          %run_scoped3A = tpu.sem_alloc : memref<!tpu.dma_semaphore, #tpu.memory_space<semaphore_mem>>
          %dma_start3A = arith.constant 0 : i32
          %dma_start3A_32 = tpu.memref_slice %arg7[%add3A_31, %dma_start3A] : memref<80x128xi32, #tpu.memory_space<vmem>> -> memref<1x128xi32, #tpu.memory_space<vmem>>
          %dma_start3A_33 = tpu.memref_squeeze %dma_start3A_32 : memref<1x128xi32, #tpu.memory_space<vmem>> -> memref<128xi32, #tpu.memory_space<vmem>>
          %dma_start3A_34 = arith.constant 0 : i32
          %dma_start3A_35 = arith.constant 0 : i32
          %dma_start3A_36 = tpu.memref_slice %arg10[%dma_start3A_34, %dma_start3A_35] : memref<10240x16xf32, #tpu.memory_space<vmem_shared>> -> memref<10240x16xf32, #tpu.memory_space<vmem_shared>>
          tpu.enqueue_indirect_dma source(%arg8 : memref<128x16xf32, #tpu.memory_space<vmem>>) target(%dma_start3A_36 : memref<10240x16xf32, #tpu.memory_space<vmem_shared>>) offsets(%dma_start3A_33 : memref<128xi32, #tpu.memory_space<vmem>>) semaphore(%run_scoped3A : memref<!tpu.dma_semaphore, #tpu.memory_space<semaphore_mem>>) {add = true}
          %dma_wait3A = arith.constant 0 : i32
          %dma_wait3A_37 = tpu.memref_slice %arg7[%add3A_31, %dma_wait3A] : memref<80x128xi32, #tpu.memory_space<vmem>> -> memref<1x128xi32, #tpu.memory_space<vmem>>
          %dma_wait3A_38 = tpu.memref_squeeze %dma_wait3A_37 : memref<1x128xi32, #tpu.memory_space<vmem>> -> memref<128xi32, #tpu.memory_space<vmem>>
          %dma_wait3A_39 = arith.constant 0 : i32
          %dma_wait3A_40 = arith.constant 0 : i32
          %dma_wait3A_41 = tpu.memref_slice %arg10[%dma_wait3A_39, %dma_wait3A_40] : memref<10240x16xf32, #tpu.memory_space<vmem_shared>> -> memref<10240x16xf32, #tpu.memory_space<vmem_shared>>
          tpu.wait_indirect_dma semaphore(%run_scoped3A : memref<!tpu.dma_semaphore, #tpu.memory_space<semaphore_mem>>) src(%arg8 : memref<128x16xf32, #tpu.memory_space<vmem>>) dst(%dma_wait3A_41 : memref<10240x16xf32, #tpu.memory_space<vmem_shared>>)
          tpu.yield
        }) : () -> ()
      }
      %scan3A_26 = arith.constant 80 : i32
    } else {
    }
    %barrier3A_18 = arith.constant 0 : index
    tpu.barrier barrier_id(%barrier3A_18)
    "tpu.region"() ({
      %run_scoped3A = tpu.sem_alloc : memref<!tpu.dma_semaphore, #tpu.memory_space<semaphore_mem>>
      %dma_start3A = arith.constant 0 : i32
      %dma_start3A_19 = tpu.memref_slice %arg5[%arg0, %mul3A_0, %dma_start3A] : memref<2x10240x16xf32, #tpu.memory_space<hbm>> -> memref<1x640x16xf32, #tpu.memory_space<hbm>>
      %dma_start3A_20 = tpu.memref_squeeze %dma_start3A_19 : memref<1x640x16xf32, #tpu.memory_space<hbm>> -> memref<640x16xf32, #tpu.memory_space<hbm>>
      %dma_start3A_21 = arith.constant 0 : i32
      %dma_start3A_22 = tpu.memref_slice %arg10[%mul3A_0, %dma_start3A_21] : memref<10240x16xf32, #tpu.memory_space<vmem_shared>> -> memref<640x16xf32, #tpu.memory_space<vmem_shared>>
      tpu.enqueue_dma source(%dma_start3A_22 : memref<640x16xf32, #tpu.memory_space<vmem_shared>>) target(%dma_start3A_20 : memref<640x16xf32, #tpu.memory_space<hbm>>) target_semaphore(%run_scoped3A : memref<!tpu.dma_semaphore, #tpu.memory_space<semaphore_mem>>)
      %dma_wait3A = arith.constant 0 : i32
      %dma_wait3A_23 = tpu.memref_slice %arg5[%arg0, %mul3A_0, %dma_wait3A] : memref<2x10240x16xf32, #tpu.memory_space<hbm>> -> memref<1x640x16xf32, #tpu.memory_space<hbm>>
      %dma_wait3A_24 = tpu.memref_squeeze %dma_wait3A_23 : memref<1x640x16xf32, #tpu.memory_space<hbm>> -> memref<640x16xf32, #tpu.memory_space<hbm>>
      %dma_wait3A_25 = arith.constant 0 : i32
      %dma_wait3A_26 = tpu.memref_slice %arg10[%mul3A_0, %dma_wait3A_25] : memref<10240x16xf32, #tpu.memory_space<vmem_shared>> -> memref<640x16xf32, #tpu.memory_space<vmem_shared>>
      tpu.wait_dma2 semaphore(%run_scoped3A : memref<!tpu.dma_semaphore, #tpu.memory_space<semaphore_mem>>) src(%dma_wait3A_26 : memref<640x16xf32, #tpu.memory_space<vmem_shared>>) dst(%dma_wait3A_24 : memref<640x16xf32, #tpu.memory_space<hbm>>)
      tpu.yield
    }) : () -> ()
    return
  }
}

module attributes {stable_mosaic.version = 14 : i64} {
  func.func @_m0_body(%arg0: i32, %arg1: memref<1000x128xf32, #tpu.memory_space<vmem>>, %arg2: memref<1000x1xf32, #tpu.memory_space<vmem>>, %arg3: memref<1000x1xf32, #tpu.memory_space<vmem>>, %arg4: memref<1000x1xf32, #tpu.memory_space<vmem>>, %arg5: memref<1000x1xf32, #tpu.memory_space<vmem>>, %arg6: memref<1000x128xf32, #tpu.memory_space<vmem>>, %arg7: memref<1000x1xf32, #tpu.memory_space<vmem>>, %arg8: memref<1000x1xf32, #tpu.memory_space<vmem>>) attributes {dimension_semantics = [#tpu.dimension_semantics<arbitrary>], iteration_bounds = array<i64: 10>, scalar_prefetch = 0 : i64, scratch_operands = 0 : i64, tpu.core_type = #tpu.core_type<tc>, window_params = [{transform_indices = @transform_0, window_bounds = array<i64: 1000, 128>}, {transform_indices = @transform_1, window_bounds = array<i64: 1000, 1>}, {transform_indices = @transform_2, window_bounds = array<i64: 1000, 1>}, {transform_indices = @transform_3, window_bounds = array<i64: 1000, 1>}, {transform_indices = @transform_4, window_bounds = array<i64: 1000, 1>}, {transform_indices = @transform_5, window_bounds = array<i64: 1000, 128>}, {transform_indices = @transform_6, window_bounds = array<i64: 1000, 1>}, {transform_indices = @transform_7, window_bounds = array<i64: 1000, 1>}]} {
    %get3A = arith.constant 0 : index
    %get3A_0 = arith.constant 0 : index
    %get3A_1 = vector.load %arg2[%get3A, %get3A_0] : memref<1000x1xf32, #tpu.memory_space<vmem>>, vector<1000x1xf32>
    %get3A_2 = arith.constant 0 : index
    %get3A_3 = arith.constant 0 : index
    %get3A_4 = vector.load %arg3[%get3A_2, %get3A_3] : memref<1000x1xf32, #tpu.memory_space<vmem>>, vector<1000x1xf32>
    %add3A = arith.addf %get3A_1, %get3A_4 : vector<1000x1xf32>
    %max3A = arith.constant 1.000000e+00 : f32
    %max3A_5 = vector.broadcast %max3A : f32 to vector<1000x1xf32>
    %max3A_6 = arith.maximumf %add3A, %max3A_5 : vector<1000x1xf32>
    %rsqrt3A = math.rsqrt %max3A_6 : vector<1000x1xf32>
    %get3A_7 = arith.constant 0 : index
    %get3A_8 = arith.constant 0 : index
    %get3A_9 = vector.load %arg4[%get3A_7, %get3A_8] : memref<1000x1xf32, #tpu.memory_space<vmem>>, vector<1000x1xf32>
    %get3A_10 = arith.constant 0 : index
    %get3A_11 = arith.constant 0 : index
    %get3A_12 = vector.load %arg5[%get3A_10, %get3A_11] : memref<1000x1xf32, #tpu.memory_space<vmem>>, vector<1000x1xf32>
    %add3A_13 = arith.addf %get3A_9, %get3A_12 : vector<1000x1xf32>
    %max3A_14 = arith.constant 1.000000e+00 : f32
    %max3A_15 = vector.broadcast %max3A_14 : f32 to vector<1000x1xf32>
    %max3A_16 = arith.maximumf %add3A_13, %max3A_15 : vector<1000x1xf32>
    %rsqrt3A_17 = math.rsqrt %max3A_16 : vector<1000x1xf32>
    %swap3A = arith.constant 0 : index
    %swap3A_18 = arith.constant 0 : index
    %swap3A_19 = vector.load %arg7[%swap3A, %swap3A_18] : memref<1000x1xf32, #tpu.memory_space<vmem>>, vector<1000x1xf32>
    tpu.vector_store %arg7[%swap3A, %swap3A_18], %rsqrt3A {strides = array<i32>} : memref<1000x1xf32, #tpu.memory_space<vmem>>, vector<1000x1xf32>,
    %swap3A_20 = arith.constant 0 : index
    %swap3A_21 = arith.constant 0 : index
    %swap3A_22 = vector.load %arg8[%swap3A_20, %swap3A_21] : memref<1000x1xf32, #tpu.memory_space<vmem>>, vector<1000x1xf32>
    tpu.vector_store %arg8[%swap3A_20, %swap3A_21], %rsqrt3A_17 {strides = array<i32>} : memref<1000x1xf32, #tpu.memory_space<vmem>>, vector<1000x1xf32>,
    %get3A_23 = arith.constant 0 : index
    %get3A_24 = arith.constant 0 : index
    %get3A_25 = vector.load %arg1[%get3A_23, %get3A_24] : memref<1000x128xf32, #tpu.memory_space<vmem>>, vector<1000x128xf32>
    %mul3A = vector.broadcast %rsqrt3A : vector<1000x1xf32> to vector<1000x128xf32>
    %mul3A_26 = arith.mulf %get3A_25, %mul3A : vector<1000x128xf32>
    %swap3A_27 = arith.constant 0 : index
    %swap3A_28 = arith.constant 0 : index
    %swap3A_29 = vector.load %arg6[%swap3A_27, %swap3A_28] : memref<1000x128xf32, #tpu.memory_space<vmem>>, vector<1000x128xf32>
    tpu.vector_store %arg6[%swap3A_27, %swap3A_28], %mul3A_26 {strides = array<i32>} : memref<1000x128xf32, #tpu.memory_space<vmem>>, vector<1000x128xf32>,
    return
  }
  func.func @transform_0(%arg0: i32) -> (i32, i32) {
    %c0_i32 = arith.constant 0 : i32
    %c0_i32_0 = arith.constant 0 : i32
    return %arg0, %c0_i32 : i32, i32
  }
  func.func @transform_1(%arg0: i32) -> (i32, i32) {
    %c0_i32 = arith.constant 0 : i32
    %c0_i32_0 = arith.constant 0 : i32
    return %arg0, %c0_i32 : i32, i32
  }
  func.func @transform_2(%arg0: i32) -> (i32, i32) {
    %c0_i32 = arith.constant 0 : i32
    %c0_i32_0 = arith.constant 0 : i32
    return %arg0, %c0_i32 : i32, i32
  }
  func.func @transform_3(%arg0: i32) -> (i32, i32) {
    %c0_i32 = arith.constant 0 : i32
    %c0_i32_0 = arith.constant 0 : i32
    return %arg0, %c0_i32 : i32, i32
  }
  func.func @transform_4(%arg0: i32) -> (i32, i32) {
    %c0_i32 = arith.constant 0 : i32
    %c0_i32_0 = arith.constant 0 : i32
    return %arg0, %c0_i32 : i32, i32
  }
  func.func @transform_5(%arg0: i32) -> (i32, i32) {
    %c0_i32 = arith.constant 0 : i32
    %c0_i32_0 = arith.constant 0 : i32
    return %arg0, %c0_i32 : i32, i32
  }
  func.func @transform_6(%arg0: i32) -> (i32, i32) {
    %c0_i32 = arith.constant 0 : i32
    %c0_i32_0 = arith.constant 0 : i32
    return %arg0, %c0_i32 : i32, i32
  }
  func.func @transform_7(%arg0: i32) -> (i32, i32) {
    %c0_i32 = arith.constant 0 : i32
    %c0_i32_0 = arith.constant 0 : i32
    return %arg0, %c0_i32 : i32, i32
  }
}

module attributes {stable_mosaic.version = 14 : i64} {
  func.func @_m1_body(%arg0: i32, %arg1: memref<1x1000x128xf32, #tpu.memory_space<vmem>>, %arg2: memref<1x1000x128xf32, #tpu.memory_space<vmem>>, %arg3: memref<1000x1xf32, #tpu.memory_space<vmem>>, %arg4: memref<1000x1xf32, #tpu.memory_space<vmem>>, %arg5: memref<128x512xf32, #tpu.memory_space<vmem>>, %arg6: memref<1x512xf32, #tpu.memory_space<vmem>>, %arg7: memref<512x64xf32, #tpu.memory_space<vmem>>, %arg8: memref<1000x64xf32, #tpu.memory_space<vmem>>) attributes {dimension_semantics = [#tpu.dimension_semantics<arbitrary>], iteration_bounds = array<i64: 10>, scalar_prefetch = 0 : i64, scratch_operands = 0 : i64, tpu.core_type = #tpu.core_type<tc>, window_params = [{transform_indices = @transform_0, window_bounds = array<i64: 1, 1000, 128>}, {transform_indices = @transform_1, window_bounds = array<i64: 1, 1000, 128>}, {transform_indices = @transform_2, window_bounds = array<i64: 1000, 1>}, {transform_indices = @transform_3, window_bounds = array<i64: 1000, 1>}, {pipeline_mode = #tpu.pipeline_mode<synchronous>, transform_indices = @transform_4, window_bounds = array<i64: 128, 512>}, {pipeline_mode = #tpu.pipeline_mode<synchronous>, transform_indices = @transform_5, window_bounds = array<i64: 1, 512>}, {pipeline_mode = #tpu.pipeline_mode<synchronous>, transform_indices = @transform_6, window_bounds = array<i64: 512, 64>}, {transform_indices = @transform_7, window_bounds = array<i64: 1000, 64>}]} {
    %get3A = arith.constant 0 : index
    %get3A_0 = arith.constant 0 : index
    %get3A_1 = arith.constant 0 : index
    %get3A_2 = vector.load %arg1[%get3A, %get3A_0, %get3A_1] : memref<1x1000x128xf32, #tpu.memory_space<vmem>>, vector<1x1000x128xf32>
    %get3A_3 = vector.shape_cast %get3A_2 : vector<1x1000x128xf32> to vector<1000x128xf32>
    %get3A_4 = arith.constant 0 : index
    %get3A_5 = arith.constant 0 : index
    %get3A_6 = arith.constant 0 : index
    %get3A_7 = vector.load %arg2[%get3A_4, %get3A_5, %get3A_6] : memref<1x1000x128xf32, #tpu.memory_space<vmem>>, vector<1x1000x128xf32>
    %get3A_8 = vector.shape_cast %get3A_7 : vector<1x1000x128xf32> to vector<1000x128xf32>
    %add3A = arith.addf %get3A_3, %get3A_8 : vector<1000x128xf32>
    %get3A_9 = arith.constant 0 : index
    %get3A_10 = arith.constant 0 : index
    %get3A_11 = vector.load %arg3[%get3A_9, %get3A_10] : memref<1000x1xf32, #tpu.memory_space<vmem>>, vector<1000x1xf32>
    %mul3A = vector.broadcast %get3A_11 : vector<1000x1xf32> to vector<1000x128xf32>
    %mul3A_12 = arith.mulf %add3A, %mul3A : vector<1000x128xf32>
    %get3A_13 = arith.constant 0 : index
    %get3A_14 = arith.constant 0 : index
    %get3A_15 = vector.load %arg5[%get3A_13, %get3A_14] : memref<128x512xf32, #tpu.memory_space<vmem>>, vector<128x512xf32>
    %convert_element_type3A = arith.truncf %mul3A_12 : vector<1000x128xf32> to vector<1000x128xbf16>
    %convert_element_type3A_16 = arith.truncf %get3A_15 : vector<128x512xf32> to vector<128x512xbf16>
    %dot_general3A = arith.constant dense<0.000000e+00> : vector<1000x512xf32>
    %dot_general3A_17 = tpu.matmul %convert_element_type3A, %convert_element_type3A_16, %dot_general3A {dimension_numbers = #tpu.dot_dimension_numbers<[1], [0], [0], [1], [0, 0, 1, 1], [], []>, transpose_lhs_hint = false} : vector<1000x128xbf16>, vector<128x512xbf16>, vector<1000x512xf32> -> vector<1000x512xf32>
    %get3A_18 = arith.constant 0 : index
    %get3A_19 = arith.constant 0 : index
    %get3A_20 = vector.load %arg6[%get3A_18, %get3A_19] : memref<1x512xf32, #tpu.memory_space<vmem>>, vector<1x512xf32>
    %add3A_21 = vector.broadcast %get3A_20 : vector<1x512xf32> to vector<1000x512xf32>
    %add3A_22 = arith.addf %dot_general3A_17, %add3A_21 : vector<1000x512xf32>
    %max3A = arith.constant 0.000000e+00 : f32
    %max3A_23 = vector.broadcast %max3A : f32 to vector<1000x512xf32>
    %max3A_24 = arith.maximumf %add3A_22, %max3A_23 : vector<1000x512xf32>
    %get3A_25 = arith.constant 0 : index
    %get3A_26 = arith.constant 0 : index
    %get3A_27 = vector.load %arg4[%get3A_25, %get3A_26] : memref<1000x1xf32, #tpu.memory_space<vmem>>, vector<1000x1xf32>
    %mul3A_28 = vector.broadcast %get3A_27 : vector<1000x1xf32> to vector<1000x512xf32>
    %mul3A_29 = arith.mulf %max3A_24, %mul3A_28 : vector<1000x512xf32>
    %get3A_30 = arith.constant 0 : index
    %get3A_31 = arith.constant 0 : index
    %get3A_32 = vector.load %arg7[%get3A_30, %get3A_31] : memref<512x64xf32, #tpu.memory_space<vmem>>, vector<512x64xf32>
    %convert_element_type3A_33 = arith.truncf %mul3A_29 : vector<1000x512xf32> to vector<1000x512xbf16>
    %convert_element_type3A_34 = arith.truncf %get3A_32 : vector<512x64xf32> to vector<512x64xbf16>
    %dot_general3A_35 = arith.constant dense<0.000000e+00> : vector<1000x64xf32>
    %dot_general3A_36 = tpu.matmul %convert_element_type3A_33, %convert_element_type3A_34, %dot_general3A_35 {dimension_numbers = #tpu.dot_dimension_numbers<[1], [0], [0], [1], [0, 0, 1, 1], [], []>, transpose_lhs_hint = false} : vector<1000x512xbf16>, vector<512x64xbf16>, vector<1000x64xf32> -> vector<1000x64xf32>
    %swap3A = arith.constant 0 : index
    %swap3A_37 = arith.constant 0 : index
    %swap3A_38 = vector.load %arg8[%swap3A, %swap3A_37] : memref<1000x64xf32, #tpu.memory_space<vmem>>, vector<1000x64xf32>
    tpu.vector_store %arg8[%swap3A, %swap3A_37], %dot_general3A_36 {strides = array<i32>} : memref<1000x64xf32, #tpu.memory_space<vmem>>, vector<1000x64xf32>,
    return
  }
  func.func @transform_0(%arg0: i32) -> (i32, i32, i32) {
    %c0_i32 = arith.constant 0 : i32
    %c0_i32_0 = arith.constant 0 : i32
    %c0_i32_1 = arith.constant 0 : i32
    return %c0_i32, %arg0, %c0_i32_0 : i32, i32, i32
  }
  func.func @transform_1(%arg0: i32) -> (i32, i32, i32) {
    %c1_i32 = arith.constant 1 : i32
    %c0_i32 = arith.constant 0 : i32
    %c0_i32_0 = arith.constant 0 : i32
    return %c1_i32, %arg0, %c0_i32 : i32, i32, i32
  }
  func.func @transform_2(%arg0: i32) -> (i32, i32) {
    %c0_i32 = arith.constant 0 : i32
    %c0_i32_0 = arith.constant 0 : i32
    return %arg0, %c0_i32 : i32, i32
  }
  func.func @transform_3(%arg0: i32) -> (i32, i32) {
    %c0_i32 = arith.constant 0 : i32
    %c0_i32_0 = arith.constant 0 : i32
    return %arg0, %c0_i32 : i32, i32
  }
  func.func @transform_4(%arg0: i32) -> (i32, i32) {
    %c0_i32 = arith.constant 0 : i32
    %c0_i32_0 = arith.constant 0 : i32
    %c0_i32_1 = arith.constant 0 : i32
    return %c0_i32, %c0_i32_0 : i32, i32
  }
  func.func @transform_5(%arg0: i32) -> (i32, i32) {
    %c0_i32 = arith.constant 0 : i32
    %c0_i32_0 = arith.constant 0 : i32
    %c0_i32_1 = arith.constant 0 : i32
    return %c0_i32, %c0_i32_0 : i32, i32
  }
  func.func @transform_6(%arg0: i32) -> (i32, i32) {
    %c0_i32 = arith.constant 0 : i32
    %c0_i32_0 = arith.constant 0 : i32
    %c0_i32_1 = arith.constant 0 : i32
    return %c0_i32, %c0_i32_0 : i32, i32
  }
  func.func @transform_7(%arg0: i32) -> (i32, i32) {
    %c0_i32 = arith.constant 0 : i32
    %c0_i32_0 = arith.constant 0 : i32
    return %arg0, %c0_i32 : i32, i32
  }
}

module attributes {stable_mosaic.version = 14 : i64} {
  func.func @_m2_body(%arg0: i32, %arg1: memref<1x1000x64xf32, #tpu.memory_space<vmem>>, %arg2: memref<1x1000x64xf32, #tpu.memory_space<vmem>>, %arg3: memref<1000x1xf32, #tpu.memory_space<vmem>>, %arg4: memref<1000x1xf32, #tpu.memory_space<vmem>>, %arg5: memref<1x64xf32, #tpu.memory_space<vmem>>, %arg6: memref<64x16xf32, #tpu.memory_space<vmem>>, %arg7: memref<1000x16xf32, #tpu.memory_space<vmem>>) attributes {dimension_semantics = [#tpu.dimension_semantics<arbitrary>], iteration_bounds = array<i64: 10>, scalar_prefetch = 0 : i64, scratch_operands = 0 : i64, tpu.core_type = #tpu.core_type<tc>, window_params = [{transform_indices = @transform_0, window_bounds = array<i64: 1, 1000, 64>}, {transform_indices = @transform_1, window_bounds = array<i64: 1, 1000, 64>}, {transform_indices = @transform_2, window_bounds = array<i64: 1000, 1>}, {transform_indices = @transform_3, window_bounds = array<i64: 1000, 1>}, {pipeline_mode = #tpu.pipeline_mode<synchronous>, transform_indices = @transform_4, window_bounds = array<i64: 1, 64>}, {pipeline_mode = #tpu.pipeline_mode<synchronous>, transform_indices = @transform_5, window_bounds = array<i64: 64, 16>}, {transform_indices = @transform_6, window_bounds = array<i64: 1000, 16>}]} {
    %get3A = arith.constant 0 : index
    %get3A_0 = arith.constant 0 : index
    %get3A_1 = arith.constant 0 : index
    %get3A_2 = vector.load %arg1[%get3A, %get3A_0, %get3A_1] : memref<1x1000x64xf32, #tpu.memory_space<vmem>>, vector<1x1000x64xf32>
    %get3A_3 = vector.shape_cast %get3A_2 : vector<1x1000x64xf32> to vector<1000x64xf32>
    %get3A_4 = arith.constant 0 : index
    %get3A_5 = arith.constant 0 : index
    %get3A_6 = arith.constant 0 : index
    %get3A_7 = vector.load %arg2[%get3A_4, %get3A_5, %get3A_6] : memref<1x1000x64xf32, #tpu.memory_space<vmem>>, vector<1x1000x64xf32>
    %get3A_8 = vector.shape_cast %get3A_7 : vector<1x1000x64xf32> to vector<1000x64xf32>
    %add3A = arith.addf %get3A_3, %get3A_8 : vector<1000x64xf32>
    %get3A_9 = arith.constant 0 : index
    %get3A_10 = arith.constant 0 : index
    %get3A_11 = vector.load %arg3[%get3A_9, %get3A_10] : memref<1000x1xf32, #tpu.memory_space<vmem>>, vector<1000x1xf32>
    %mul3A = vector.broadcast %get3A_11 : vector<1000x1xf32> to vector<1000x64xf32>
    %mul3A_12 = arith.mulf %add3A, %mul3A : vector<1000x64xf32>
    %get3A_13 = arith.constant 0 : index
    %get3A_14 = arith.constant 0 : index
    %get3A_15 = vector.load %arg5[%get3A_13, %get3A_14] : memref<1x64xf32, #tpu.memory_space<vmem>>, vector<1x64xf32>
    %add3A_16 = vector.broadcast %get3A_15 : vector<1x64xf32> to vector<1000x64xf32>
    %add3A_17 = arith.addf %mul3A_12, %add3A_16 : vector<1000x64xf32>
    %max3A = arith.constant 0.000000e+00 : f32
    %max3A_18 = vector.broadcast %max3A : f32 to vector<1000x64xf32>
    %max3A_19 = arith.maximumf %add3A_17, %max3A_18 : vector<1000x64xf32>
    %get3A_20 = arith.constant 0 : index
    %get3A_21 = arith.constant 0 : index
    %get3A_22 = vector.load %arg4[%get3A_20, %get3A_21] : memref<1000x1xf32, #tpu.memory_space<vmem>>, vector<1000x1xf32>
    %mul3A_23 = vector.broadcast %get3A_22 : vector<1000x1xf32> to vector<1000x64xf32>
    %mul3A_24 = arith.mulf %max3A_19, %mul3A_23 : vector<1000x64xf32>
    %get3A_25 = arith.constant 0 : index
    %get3A_26 = arith.constant 0 : index
    %get3A_27 = vector.load %arg6[%get3A_25, %get3A_26] : memref<64x16xf32, #tpu.memory_space<vmem>>, vector<64x16xf32>
    %dot_general3A = arith.constant dense<0.000000e+00> : vector<1000x16xf32>
    %dot_general3A_28 = tpu.matmul %mul3A_24, %get3A_27, %dot_general3A {dimension_numbers = #tpu.dot_dimension_numbers<[1], [0], [0], [1], [0, 0, 1, 1], [], []>, precision = #tpu.contract_precision<fp32>, transpose_lhs_hint = false} : vector<1000x64xf32>, vector<64x16xf32>, vector<1000x16xf32> -> vector<1000x16xf32>
    %swap3A = arith.constant 0 : index
    %swap3A_29 = arith.constant 0 : index
    %swap3A_30 = vector.load %arg7[%swap3A, %swap3A_29] : memref<1000x16xf32, #tpu.memory_space<vmem>>, vector<1000x16xf32>
    tpu.vector_store %arg7[%swap3A, %swap3A_29], %dot_general3A_28 {strides = array<i32>} : memref<1000x16xf32, #tpu.memory_space<vmem>>, vector<1000x16xf32>,
    return
  }
  func.func @transform_0(%arg0: i32) -> (i32, i32, i32) {
    %c0_i32 = arith.constant 0 : i32
    %c0_i32_0 = arith.constant 0 : i32
    %c0_i32_1 = arith.constant 0 : i32
    return %c0_i32, %arg0, %c0_i32_0 : i32, i32, i32
  }
  func.func @transform_1(%arg0: i32) -> (i32, i32, i32) {
    %c1_i32 = arith.constant 1 : i32
    %c0_i32 = arith.constant 0 : i32
    %c0_i32_0 = arith.constant 0 : i32
    return %c1_i32, %arg0, %c0_i32 : i32, i32, i32
  }
  func.func @transform_2(%arg0: i32) -> (i32, i32) {
    %c0_i32 = arith.constant 0 : i32
    %c0_i32_0 = arith.constant 0 : i32
    return %arg0, %c0_i32 : i32, i32
  }
  func.func @transform_3(%arg0: i32) -> (i32, i32) {
    %c0_i32 = arith.constant 0 : i32
    %c0_i32_0 = arith.constant 0 : i32
    return %arg0, %c0_i32 : i32, i32
  }
  func.func @transform_4(%arg0: i32) -> (i32, i32) {
    %c0_i32 = arith.constant 0 : i32
    %c0_i32_0 = arith.constant 0 : i32
    %c0_i32_1 = arith.constant 0 : i32
    return %c0_i32, %c0_i32_0 : i32, i32
  }
  func.func @transform_5(%arg0: i32) -> (i32, i32) {
    %c0_i32 = arith.constant 0 : i32
    %c0_i32_0 = arith.constant 0 : i32
    %c0_i32_1 = arith.constant 0 : i32
    return %c0_i32, %c0_i32_0 : i32, i32
  }
  func.func @transform_6(%arg0: i32) -> (i32, i32) {
    %c0_i32 = arith.constant 0 : i32
    %c0_i32_0 = arith.constant 0 : i32
    return %arg0, %c0_i32 : i32, i32
  }
}

module attributes {stable_mosaic.version = 14 : i64} {
  func.func @_m3_body(%arg0: i32, %arg1: memref<1x1000x16xf32, #tpu.memory_space<vmem>>, %arg2: memref<1x1000x16xf32, #tpu.memory_space<vmem>>, %arg3: memref<1000x1xf32, #tpu.memory_space<vmem>>, %arg4: memref<1000x1xf32, #tpu.memory_space<vmem>>, %arg5: memref<1x16xf32, #tpu.memory_space<vmem>>, %arg6: memref<1000x16xf32, #tpu.memory_space<vmem>>) attributes {dimension_semantics = [#tpu.dimension_semantics<arbitrary>], iteration_bounds = array<i64: 10>, scalar_prefetch = 0 : i64, scratch_operands = 0 : i64, tpu.core_type = #tpu.core_type<tc>, window_params = [{transform_indices = @transform_0, window_bounds = array<i64: 1, 1000, 16>}, {transform_indices = @transform_1, window_bounds = array<i64: 1, 1000, 16>}, {transform_indices = @transform_2, window_bounds = array<i64: 1000, 1>}, {transform_indices = @transform_3, window_bounds = array<i64: 1000, 1>}, {pipeline_mode = #tpu.pipeline_mode<synchronous>, transform_indices = @transform_4, window_bounds = array<i64: 1, 16>}, {transform_indices = @transform_5, window_bounds = array<i64: 1000, 16>}]} {
    %get3A = arith.constant 0 : index
    %get3A_0 = arith.constant 0 : index
    %get3A_1 = arith.constant 0 : index
    %get3A_2 = vector.load %arg1[%get3A, %get3A_0, %get3A_1] : memref<1x1000x16xf32, #tpu.memory_space<vmem>>, vector<1x1000x16xf32>
    %get3A_3 = vector.shape_cast %get3A_2 : vector<1x1000x16xf32> to vector<1000x16xf32>
    %get3A_4 = arith.constant 0 : index
    %get3A_5 = arith.constant 0 : index
    %get3A_6 = arith.constant 0 : index
    %get3A_7 = vector.load %arg2[%get3A_4, %get3A_5, %get3A_6] : memref<1x1000x16xf32, #tpu.memory_space<vmem>>, vector<1x1000x16xf32>
    %get3A_8 = vector.shape_cast %get3A_7 : vector<1x1000x16xf32> to vector<1000x16xf32>
    %add3A = arith.addf %get3A_3, %get3A_8 : vector<1000x16xf32>
    %get3A_9 = arith.constant 0 : index
    %get3A_10 = arith.constant 0 : index
    %get3A_11 = vector.load %arg3[%get3A_9, %get3A_10] : memref<1000x1xf32, #tpu.memory_space<vmem>>, vector<1000x1xf32>
    %mul3A = vector.broadcast %get3A_11 : vector<1000x1xf32> to vector<1000x16xf32>
    %mul3A_12 = arith.mulf %add3A, %mul3A : vector<1000x16xf32>
    %get3A_13 = arith.constant 0 : index
    %get3A_14 = arith.constant 0 : index
    %get3A_15 = vector.load %arg5[%get3A_13, %get3A_14] : memref<1x16xf32, #tpu.memory_space<vmem>>, vector<1x16xf32>
    %add3A_16 = vector.broadcast %get3A_15 : vector<1x16xf32> to vector<1000x16xf32>
    %add3A_17 = arith.addf %mul3A_12, %add3A_16 : vector<1000x16xf32>
    %max3A = arith.constant 0.000000e+00 : f32
    %max3A_18 = vector.broadcast %max3A : f32 to vector<1000x16xf32>
    %max3A_19 = arith.maximumf %add3A_17, %max3A_18 : vector<1000x16xf32>
    %get3A_20 = arith.constant 0 : index
    %get3A_21 = arith.constant 0 : index
    %get3A_22 = vector.load %arg4[%get3A_20, %get3A_21] : memref<1000x1xf32, #tpu.memory_space<vmem>>, vector<1000x1xf32>
    %mul3A_23 = vector.broadcast %get3A_22 : vector<1000x1xf32> to vector<1000x16xf32>
    %mul3A_24 = arith.mulf %max3A_19, %mul3A_23 : vector<1000x16xf32>
    %swap3A = arith.constant 0 : index
    %swap3A_25 = arith.constant 0 : index
    %swap3A_26 = vector.load %arg6[%swap3A, %swap3A_25] : memref<1000x16xf32, #tpu.memory_space<vmem>>, vector<1000x16xf32>
    tpu.vector_store %arg6[%swap3A, %swap3A_25], %mul3A_24 {strides = array<i32>} : memref<1000x16xf32, #tpu.memory_space<vmem>>, vector<1000x16xf32>,
    return
  }
  func.func @transform_0(%arg0: i32) -> (i32, i32, i32) {
    %c0_i32 = arith.constant 0 : i32
    %c0_i32_0 = arith.constant 0 : i32
    %c0_i32_1 = arith.constant 0 : i32
    return %c0_i32, %arg0, %c0_i32_0 : i32, i32, i32
  }
  func.func @transform_1(%arg0: i32) -> (i32, i32, i32) {
    %c1_i32 = arith.constant 1 : i32
    %c0_i32 = arith.constant 0 : i32
    %c0_i32_0 = arith.constant 0 : i32
    return %c1_i32, %arg0, %c0_i32 : i32, i32, i32
  }
  func.func @transform_2(%arg0: i32) -> (i32, i32) {
    %c0_i32 = arith.constant 0 : i32
    %c0_i32_0 = arith.constant 0 : i32
    return %arg0, %c0_i32 : i32, i32
  }
  func.func @transform_3(%arg0: i32) -> (i32, i32) {
    %c0_i32 = arith.constant 0 : i32
    %c0_i32_0 = arith.constant 0 : i32
    return %arg0, %c0_i32 : i32, i32
  }
  func.func @transform_4(%arg0: i32) -> (i32, i32) {
    %c0_i32 = arith.constant 0 : i32
    %c0_i32_0 = arith.constant 0 : i32
    %c0_i32_1 = arith.constant 0 : i32
    return %c0_i32, %c0_i32_0 : i32, i32
  }
  func.func @transform_5(%arg0: i32) -> (i32, i32) {
    %c0_i32 = arith.constant 0 : i32
    %c0_i32_0 = arith.constant 0 : i32
    return %arg0, %c0_i32 : i32, i32
  }
}

module attributes {stable_mosaic.version = 14 : i64} {
  func.func @_m4_body(%arg0: i32, %arg1: memref<1x1000x16xf32, #tpu.memory_space<vmem>>, %arg2: memref<1x1000x16xf32, #tpu.memory_space<vmem>>, %arg3: memref<1000x1xf32, #tpu.memory_space<vmem>>, %arg4: memref<16x128xf32, #tpu.memory_space<vmem>>, %arg5: memref<1x128xf32, #tpu.memory_space<vmem>>, %arg6: memref<1000x128xf32, #tpu.memory_space<vmem>>) attributes {dimension_semantics = [#tpu.dimension_semantics<arbitrary>], iteration_bounds = array<i64: 10>, scalar_prefetch = 0 : i64, scratch_operands = 0 : i64, tpu.core_type = #tpu.core_type<tc>, window_params = [{transform_indices = @transform_0, window_bounds = array<i64: 1, 1000, 16>}, {transform_indices = @transform_1, window_bounds = array<i64: 1, 1000, 16>}, {transform_indices = @transform_2, window_bounds = array<i64: 1000, 1>}, {pipeline_mode = #tpu.pipeline_mode<synchronous>, transform_indices = @transform_3, window_bounds = array<i64: 16, 128>}, {pipeline_mode = #tpu.pipeline_mode<synchronous>, transform_indices = @transform_4, window_bounds = array<i64: 1, 128>}, {transform_indices = @transform_5, window_bounds = array<i64: 1000, 128>}]} {
    %get3A = arith.constant 0 : index
    %get3A_0 = arith.constant 0 : index
    %get3A_1 = arith.constant 0 : index
    %get3A_2 = vector.load %arg1[%get3A, %get3A_0, %get3A_1] : memref<1x1000x16xf32, #tpu.memory_space<vmem>>, vector<1x1000x16xf32>
    %get3A_3 = vector.shape_cast %get3A_2 : vector<1x1000x16xf32> to vector<1000x16xf32>
    %get3A_4 = arith.constant 0 : index
    %get3A_5 = arith.constant 0 : index
    %get3A_6 = arith.constant 0 : index
    %get3A_7 = vector.load %arg2[%get3A_4, %get3A_5, %get3A_6] : memref<1x1000x16xf32, #tpu.memory_space<vmem>>, vector<1x1000x16xf32>
    %get3A_8 = vector.shape_cast %get3A_7 : vector<1x1000x16xf32> to vector<1000x16xf32>
    %add3A = arith.addf %get3A_3, %get3A_8 : vector<1000x16xf32>
    %get3A_9 = arith.constant 0 : index
    %get3A_10 = arith.constant 0 : index
    %get3A_11 = vector.load %arg3[%get3A_9, %get3A_10] : memref<1000x1xf32, #tpu.memory_space<vmem>>, vector<1000x1xf32>
    %mul3A = vector.broadcast %get3A_11 : vector<1000x1xf32> to vector<1000x16xf32>
    %mul3A_12 = arith.mulf %add3A, %mul3A : vector<1000x16xf32>
    %get3A_13 = arith.constant 0 : index
    %get3A_14 = arith.constant 0 : index
    %get3A_15 = vector.load %arg4[%get3A_13, %get3A_14] : memref<16x128xf32, #tpu.memory_space<vmem>>, vector<16x128xf32>
    %dot_general3A = arith.constant dense<0.000000e+00> : vector<1000x128xf32>
    %dot_general3A_16 = tpu.matmul %mul3A_12, %get3A_15, %dot_general3A {dimension_numbers = #tpu.dot_dimension_numbers<[1], [0], [0], [1], [0, 0, 1, 1], [], []>, precision = #tpu.contract_precision<fp32>, transpose_lhs_hint = false} : vector<1000x16xf32>, vector<16x128xf32>, vector<1000x128xf32> -> vector<1000x128xf32>
    %get3A_17 = arith.constant 0 : index
    %get3A_18 = arith.constant 0 : index
    %get3A_19 = vector.load %arg5[%get3A_17, %get3A_18] : memref<1x128xf32, #tpu.memory_space<vmem>>, vector<1x128xf32>
    %add3A_20 = vector.broadcast %get3A_19 : vector<1x128xf32> to vector<1000x128xf32>
    %add3A_21 = arith.addf %dot_general3A_16, %add3A_20 : vector<1000x128xf32>
    %max3A = arith.constant 0.000000e+00 : f32
    %max3A_22 = vector.broadcast %max3A : f32 to vector<1000x128xf32>
    %max3A_23 = arith.maximumf %add3A_21, %max3A_22 : vector<1000x128xf32>
    %swap3A = arith.constant 0 : index
    %swap3A_24 = arith.constant 0 : index
    %swap3A_25 = vector.load %arg6[%swap3A, %swap3A_24] : memref<1000x128xf32, #tpu.memory_space<vmem>>, vector<1000x128xf32>
    tpu.vector_store %arg6[%swap3A, %swap3A_24], %max3A_23 {strides = array<i32>} : memref<1000x128xf32, #tpu.memory_space<vmem>>, vector<1000x128xf32>,
    return
  }
  func.func @transform_0(%arg0: i32) -> (i32, i32, i32) {
    %c0_i32 = arith.constant 0 : i32
    %c0_i32_0 = arith.constant 0 : i32
    %c0_i32_1 = arith.constant 0 : i32
    return %c0_i32, %arg0, %c0_i32_0 : i32, i32, i32
  }
  func.func @transform_1(%arg0: i32) -> (i32, i32, i32) {
    %c1_i32 = arith.constant 1 : i32
    %c0_i32 = arith.constant 0 : i32
    %c0_i32_0 = arith.constant 0 : i32
    return %c1_i32, %arg0, %c0_i32 : i32, i32, i32
  }
  func.func @transform_2(%arg0: i32) -> (i32, i32) {
    %c0_i32 = arith.constant 0 : i32
    %c0_i32_0 = arith.constant 0 : i32
    return %arg0, %c0_i32 : i32, i32
  }
  func.func @transform_3(%arg0: i32) -> (i32, i32) {
    %c0_i32 = arith.constant 0 : i32
    %c0_i32_0 = arith.constant 0 : i32
    %c0_i32_1 = arith.constant 0 : i32
    return %c0_i32, %c0_i32_0 : i32, i32
  }
  func.func @transform_4(%arg0: i32) -> (i32, i32) {
    %c0_i32 = arith.constant 0 : i32
    %c0_i32_0 = arith.constant 0 : i32
    %c0_i32_1 = arith.constant 0 : i32
    return %c0_i32, %c0_i32_0 : i32, i32
  }
  func.func @transform_5(%arg0: i32) -> (i32, i32) {
    %c0_i32 = arith.constant 0 : i32
    %c0_i32_0 = arith.constant 0 : i32
    return %arg0, %c0_i32 : i32, i32
  }
}

</mosaic_0001>

<sc_bundles>
// kernel: kernel.12.cloned.1.call-start
scs
__scs_entry_jumppad:
0x0: {  	(pc) =	sbr.rel $0x88, $3  }
0x1: {  	(tag) =	ssettag $0x0;
	lr =	simm.s32 $0x1  }
0x2: {  	[smem:$0x3F97] =	sst lr;
	_ =	strace $0xD0000000  }
0x3: {  	_ = 	snop  }
0x4: {  	_ = 	snop  }
0x5: {  	_ = 	snop  }
0x6: {  	_ = 	snop  }
0x7: {  	_ = 	snop  }
__scs_overlays_trampoline_lowered:
0x8: {  	[smem:$0x3FA6] =	sst s0  }
0x9: {  	[smem:$0x3FA7] =	sst s1  }
0xa: {  	[smem:$0x3FA8] =	sst s2  }
0xb: {  	[smem:$0x3FA9] =	sst s3  }
0xc: {  	[smem:$0x3FAA] =	sst s4  }
0xd: {  	[smem:$0x3FAB] =	sst s5  }
0xe: {  	[smem:$0x3FAC] =	sst s6  }
0xf: {  	[smem:$0x3FAD] =	sst s7  }
0x10: {  	[smem:$0x3FAE] =	sst s8  }
0x11: {  	[smem:$0x3FAF] =	sst s9;
	s0 =	simm.s32 @!p0 $0x0  }
0x12: {  	s1 =	sld [smem:$0x3F95];
	s0 =	simm.s32 @p0 $0x1  }
0x13: {  	[smem:$0x3FB0] =	sst s0;
	s0 =	simm.s32 @!p1 $0x0  }
0x14: {  	s2 =	sld [smem:$0x3F94];
	s0 =	simm.s32 @p1 $0x1  }
0x15: {  	[smem:$0x3FB1] =	sst s0;
	s0 =	simm.s32 @!p2 $0x0  }
0x16: {  	s3 =	sld [smem:$0x3FDB];
	s0 =	simm.s32 @p2 $0x1  }
0x17: {  	s4 =	simm.s32 $0x1BF5;
	[smem:$0x3FB3] =	sst s0  }
0x18: {  	s0 =	sld [smem:$0x3F96];
	_ =	swait.ge [sflag:s4], $0x0  }
0x19: {  	s7 =	sld [smem:$0x3F97]  }
0x1a: {  	s8 =	sadd.s32 $0xFFFFE003, lr  }
0x1b: {  	s9 =	sadd.s32 $0xFFFFFEF7, lr;
	s5 =	simm.s32 $0xFFFFFFFF;
	p2 =	slt.u32 s8, $0xFFFFF086  }
0x1c: {  	p1 =	slt.u32 s9, $0xF7A;
	s5 =	simm.s32 @!p2 $0x0  }
0x1d: {  	s5 =	simm.s32 @p1 $0x1;
	p0 =	seq.s32 s7, s2  }
0x1e: {  	s7 =	smul.u32 @!p0 $0xF7A, s2;
	p2 =	seq.s32 @!p0 s5, $0x0  }
0x1f: {  	s9 =	smul.u32 $0xF7A, s1;
	s8 =	simm.s32 @!p0 $0x1BF5;
	p2 =	por !p2, p0  }
0x20: {  	[sflag:s8] =	ssyncset.s32 @!p0 $0xFFFFF086;
	s6 =	sadd.s32 @!p0 s3, s7;
	s7 =	simm.s32 @!p0 $0x108  }
0x21: {  	s3 =	sadd.s32 s3, s9;
	s6 =	sadd.s32 @!p0 $0x88, s6;
	s7 =	simm.s32 @p2 $0x1082  }
0x22: {  	[simem:s7], [sflag:s8] =	dma.local @!p0 [hbm:s6], $0xF7A  }
0x23: {  	s9 =	sor.u32 $0xD0000000, s2;
	s6 =	simm.s32 $0x108;
	_ =	swait.ge @!p0 [sflag:s8], $0x0  }
0x24: {  	s3 =	sadd.s32 $0x88, s3;
	s6 =	simm.s32 @!p1 $0x1082;
	[sflag:s4] =	ssyncset.s32 $0xFFFFF086  }
0x25: {  	[simem:s6], [sflag:s4] =	dma.local [hbm:s3], $0xF7A  }
0x26: {  	[smem:$0x3F97] =	sst s1;
	(tag) =	ssettag s2;
	_ =	strace s9  }
0x27: {  	s1 =	sld [smem:$0x3FA7]  }
0x28: {  	s2 =	sld [smem:$0x3FA8]  }
0x29: {  	s4 =	sld [smem:$0x3FAA]  }
0x2a: {  	p0 =	seq.s32 s5, $0x0;
	s5 =	sld [smem:$0x3FAB]  }
0x2b: {  	s6 =	sld [smem:$0x3FAC]  }
0x2c: {  	s7 =	sld [smem:$0x3FAD]  }
0x2d: {  	s3 =	simm.s32 $0x108;
	s8 =	sld [smem:$0x3FAE]  }
0x2e: {  	s3 =	simm.s32 @!p0 $0x1082;
	s9 =	sld [smem:$0x3FAF]  }
0x2f: {  	lr =	sadd.s32 s0, s3;
	s0 =	sld [smem:$0x3FA6]  }
0x30: {  	s3 =	sld [smem:$0x3FA9]  }
0x31: {  	[smem:$0x3FB2] =	sst s10  }
0x32: {  	s10 =	sld [smem:$0x3FB0];
	_ =	sdelay $0x3  }
0x33: {  	p0 =	seq.s32 s10, $0x1;
	s10 =	sld [smem:$0x3FB2];
	_ =	sdelay $0x3  }
0x34: {  	[smem:$0x3FB2] =	sst s10  }
0x35: {  	s10 =	sld [smem:$0x3FB1];
	_ =	sdelay $0x3  }
0x36: {  	p1 =	seq.s32 s10, $0x1;
	s10 =	sld [smem:$0x3FB2];
	_ =	sdelay $0x3  }
0x37: {  	[smem:$0x3FB2] =	sst s10  }
0x38: {  	s10 =	sld [smem:$0x3FB3]  }
0x39: {  	_ = 	snop;
	(pc) =	sbr.ind lr, $3  }
0x3a: {  	_ = 	snop  }
0x3b: {  	_ = 	snop  }
0x3c: {  	p2 =	seq.s32 s10, $0x1;
	s10 =	sld [smem:$0x3FB2]  }
0x3d: {  	_ =	shalt  }
0x3e: {  	_ =	shalt  }
0x3f: {  	_ =	shalt  }
0x40: {  	_ =	shalt  }
0x41: {  	_ =	shalt  }
0x42: {  	_ =	shalt  }
0x43: {  	_ =	shalt  }
0x44: {  	_ =	shalt  }
0x45: {  	_ =	shalt  }
0x46: {  	_ =	shalt  }
0x47: {  	_ =	shalt  }
0x48: {  	_ =	shalt  }
0x49: {  	_ =	shalt  }
0x4a: {  	_ =	shalt  }
0x4b: {  	_ =	shalt  }
0x4c: {  	_ =	shalt  }
0x4d: {  	_ =	shalt  }
0x4e: {  	_ =	shalt  }
0x4f: {  	_ =	shalt  }
0x50: {  	_ =	shalt  }
0x51: {  	_ =	shalt  }
0x52: {  	_ =	shalt  }
0x53: {  	_ =	shalt  }
0x54: {  	_ =	shalt  }
0x55: {  	_ =	shalt  }
0x56: {  	_ =	shalt  }
0x57: {  	_ =	shalt  }
0x58: {  	_ =	shalt  }
0x59: {  	_ =	shalt  }
0x5a: {  	_ =	shalt  }
0x5b: {  	_ =	shalt  }
0x5c: {  	_ =	shalt  }
0x5d: {  	_ =	shalt  }
0x5e: {  	_ =	shalt  }
0x5f: {  	_ =	shalt  }
0x60: {  	_ =	shalt  }
0x61: {  	_ =	shalt  }
0x62: {  	_ =	shalt  }
0x63: {  	_ =	shalt  }
0x64: {  	_ =	shalt  }
0x65: {  	_ =	shalt  }
0x66: {  	_ =	shalt  }
0x67: {  	_ =	shalt  }
0x68: {  	_ =	shalt  }
0x69: {  	_ =	shalt  }
0x6a: {  	_ =	shalt  }
0x6b: {  	_ =	shalt  }
0x6c: {  	_ =	shalt  }
0x6d: {  	_ =	shalt  }
0x6e: {  	_ =	shalt  }
0x6f: {  	_ =	shalt  }
0x70: {  	_ =	shalt  }
0x71: {  	_ =	shalt  }
0x72: {  	_ =	shalt  }
0x73: {  	_ =	shalt  }
0x74: {  	_ =	shalt  }
0x75: {  	_ =	shalt  }
0x76: {  	_ =	shalt  }
0x77: {  	_ =	shalt  }
0x78: {  	_ =	shalt  }
0x79: {  	_ =	shalt  }
0x7a: {  	_ =	shalt  }
0x7b: {  	_ =	shalt  }
0x7c: {  	_ =	shalt  }
0x7d: {  	_ =	shalt  }
0x7e: {  	_ =	shalt  }
0x7f: {  	_ =	shalt  }
0x80: {  	_ =	shalt  }
0x81: {  	_ =	shalt  }
0x82: {  	_ =	shalt  }
0x83: {  	_ =	shalt  }
0x84: {  	_ =	shalt  }
0x85: {  	_ =	shalt  }
0x86: {  	_ =	shalt  }
0x87: {  	_ =	shalt  }
.Lfunc_end0:
.L_simem_size_0:
called_computation_lowered:
.L_overlay_start_0:
0x88: {  	s2 =	sld [smem:$0x3FD9]  }
0x89: {  	s3 =	sld [smem:$0x3FFE];
	_ =	sdelay $0x1  }
0x8a: {  	s1 =	srdreg.scid  }
0x8b: {  	s0 =	sand.u32 $0x1, s1  }
0x8c: {  	s17 =	sshll.u32 s0, $0xA;
	s2 =	sadd.s32 s3, s2  }
0x8d: {  	s2 =	sadd.s32 s2, s17  }
0x8e: {  	[smem:$0x3FBE] =	sst s2  }
0x8f: {  	_ = 	snop  }
0x90: {  	s2 =	sld [smem:$0x3FD0];
	(tm) =	ssettm $0x1  }
0x91: {  	s18 =	sld [smem:$0x3FFB];
	_ =	sdelay $0x3  }
0x92: {  	_ =	strace s18  }
0x93: {  	s3 =	sld [smem:$0x3FFC];
	_ =	sdelay $0x3  }
0x94: {  	_ =	strace s3  }
0x95: {  	s3 =	sld [smem:$0x3FFD];
	_ =	sdelay $0x3  }
0x96: {  	_ =	strace s3  }
0x97: {  	_ =	strace $0x8FFFFFFF  }
0x98: {  	s19 =	sld [smem:$0x3FDB];
	_ =	sdelay $0x1  }
0x99: {  	s4 =	simm.s32 $_scs_section_size  }
0x9a: {  	s5 =	simm.s32 $_size__tile_overlayer_lowered;
	s6 =	simm.s32 $_tile_overlayer_lowered  }
0x9b: {  	s22 =	simm.s32 $0x1BFF;
	s21 =	sshll.u32 s6, $0x1;
	s3 =	sadd.s32 s4, s19  }
0x9c: {  	s7 =	simm.s32 $0x0;
	s20 =	sshll.u32 s5, $0x1;
	s5 =	sadd.s32 s21, s3  }
0x9d: {  	[timem:s7], [sflag:s22] =	dma.local [hbm:s5], s20  }
0x9e: {  	_ =	swait.ge [sflag:s22], s20  }
0x9f: {  	s4 =	ssub.s32 $0x0, s20;
	[sflag:s22] =	ssyncset.done $0x0  }
0xa0: {  	[sflag:s22] =	ssyncadd.s32 s4;
	_ =	sdelay $0x1  }
0xa1: {  	s23 =	simm.s32 $0x1B8B  }
0xa2: {  	_ =	swait.ge [sflag:s23], $0x1  }
0xa3: {  	[sflag:s23] =	ssyncset.done $0x0  }
0xa4: {  	s25 =	simm.s32 $0x1B8E;
	s24 =	sld [smem:$0x3FFE];
	[sflag:s23] =	ssyncadd.s32 $0xFFFFFFFF  }
0xa5: {  	s26 =	simm.s32 $execute0_lowered;
	[smem:$0x3FD2] =	sst s25  }
0xa6: {  	s5 =	sshll.u32 s26, $0x1;
	_ =	strace $0x80000046;
	[dreg:$0x1] =	wrdreg $0xFFFFFFFF  }
0xa7: {  	s28 =	simm.s32 $_size_execute0_lowered;
	s3 =	sadd.s32 s3, s5;
	[dreg:$0x0] =	wrdreg $0x0  }
0xa8: {  	s5 =	sshll.u32 s28, $0x1;
	[dreg:$0x2] =	wrdreg s3  }
0xa9: {  	[dreg:$0x3] =	wrdreg s5  }
0xaa: {  	[dreg:$0x4] =	wrdreg $0xC0  }
0xab: {  	_ =	task [dreg:s7], $0x5FFFF  }
0xac: {  	[dreg:$0x1] =	wrdreg $0xFFFFFFFF  }
0xad: {  	[dreg:$0x0] =	wrdreg $0x60  }
0xae: {  	[dreg:$0x2] =	wrdreg s2  }
0xaf: {  	[dreg:$0x3] =	wrdreg s24  }
0xb0: {  	[dreg:$0x4] =	wrdreg $0x53000  }
0xb1: {  	[dreg:$0x5] =	wrdreg $0x55800  }
0xb2: {  	[dreg:$0x6] =	wrdreg $0x9  }
0xb3: {  	_ =	task.clear_ibuf [dreg:s7], $0x7FFFF;
	_ =	strace $0x90000046  }
0xb4: {  	s29 =	simm.s32 $0x9;
	_ =	strace $0x80000048  }
0xb5: {  	_ =	swait.ge [sflag:s29], $0x1  }
0xb6: {  	[sflag:s29] =	ssyncadd.s32 $0xFFFFFFFF  }
0xb7: {  	_ =	strace $0x90000048  }
0xb8: {  	_ =	sfence  }
0xb9: {  	s30 =	sld [smem:$0x0];
	_ =	sdelay $0x2  }
0xba: {  	s31 =	sshll.u32 s1, $0xD;
	s1 =	sshrl.u32 s1, $0x2  }
0xbb: {  	s3 =	sand.u32 $0x4000, s31;
	s1 =	sadd.s32 s1, s30  }
0xbc: {  	s0 =	sor.u32 s3, s0;
	s1 =	sshll.u32 s1, $0x11  }
0xbd: {  	s0 =	sor.u32 s1, s0  }
0xbe: {  	s0 =	sadd.s32 $0x8F2B, s0  }
0xbf: {  	[sflag:s0] =	ssyncadd.remote.s32 $0x1  }
0xc0: {  	_ =	sfence.sel $0xFFFF  }
0xc1: {  	[dreg:$0x0] =	wrdreg $0xFFFFFFFF;
	(pc) =	sbr.abs _section_cstart, $3  }
0xc2: {  	[dreg:$0x1] =	wrdreg $0xFFFFFFFF  }
0xc3: {  	_ =	task.clear_ibuf [dreg:s7], $0x2FFFF;
	_ =	strace $0x9FFFFFFF  }
0xc4: {  	(tm) =	ssettm $0x7FFFFFFF  }
0xc5: {  	_ =	shalt  }
tec
execute0_lowered:
.L_overlay_start_1:
0x0: {  	(tag) =	ssettag $0x1  }
0x1: {  	s7 =	rddreg [dreg:$0x0]  }
0x2: {  	s5 =	rddreg [dreg:$0x1]  }
0x3: {  	s1 =	rddreg [dreg:$0x2]  }
0x4: {  	s2 =	rddreg [dreg:$0x3]  }
0x5: {  	s3 =	srdreg.scid;
	s0 =	rddreg [dreg:$0x4];
	s4 =	simm.s32 $0x0  }
0x6: {  	s14 =	simm.s32 $0x2800;
	s15 =	simm.s32 $0x80;
	s16 =	simm.s32 $0x5000  }
0x7: {  	s19 =	simm.s32 $0x20;
	s20 =	simm.s32 $0x10;
	s22 =	simm.s32 $0x0  }
0x8: {  	s6 =	sand.u32 $0x1, s3;
	s3 =	stileid.u32;
	[smem:$0x7FF] =	sst s4  }
0x9: {  	s8 =	sshll.u32 s6, $0x4;
	s9 =	smul.u32 $0x500, s3;
	_ =	strace $0x80000047  }
0xa: {  	s10 =	sshll.u32 s6, $0x7;
	s6 =	ssub.s32 $0x2, s6;
	s31 =	smul.u32 $0x280, s3  }
0xb: {  	s17 =	sshll.u32 s3, $0x6;
	s8 =	sor.u32 s3, s8;
	s12 =	sshrl.u32 s6, $0x1  }
0xc: {  	s17 =	sor.u32 $0x1C01, s17;
	s8 =	smul.u32 $0x500, s8;
	s9 =	sor.u32 s10, s9  }
0xd: {  	s12 =	ssub.s32 s6, s12;
	s6 =	sadd.s32 s31, s2;
	s9 =	sshrl.u32 s9, $0x3  }
0xe: {  	s21 =	sshrl.u32 s6, $0x3;
	s11 =	sadd.s32 s8, s5;
	s13 =	sadd.s32 s9, s5  }
0xf: {  	s5 =	sadd.s32 s31, s1;
	s7 =	sadd.s32 s7, s8;
	s8 =	sadd.s32 $0xD000, s11  }
0x10: {  	s9 =	sadd.s32 $0x17000, s13;
	s10 =	sadd.s32 $0x17A00, s13;
	s11 =	smax.u32 s12, $0x1  }
0x11: {  	v0 =	vimm.f32 $1.000000000e+00;
	v1 =	vimm.f32 $0.0e+00;
	s12 =	simm.s32 $0x5080;
	s13 =	simm.s32 $0x1;
	s18 =	sshrl.u32 s5, $0x3  }
.LBB2_1:
0x12: {  	[tilespmem:$0x5000] =	vst v0  }
0x13: {  	[tilespmem:$0x5010] =	vst v0  }
0x14: {  	[tilespmem:$0x5020] =	vst v0  }
0x15: {  	[tilespmem:$0x5030] =	vst v0  }
0x16: {  	[tilespmem:$0x5040] =	vst v0  }
0x17: {  	[tilespmem:$0x5050] =	vst v0  }
0x18: {  	[tilespmem:$0x5060] =	vst v0  }
0x19: {  	[tilespmem:$0x5070] =	vst v0  }
0x1a: {  	[tilespmem:$0x5080] =	vst v1  }
0x1b: {  	[tilespmem:$0x5090] =	vst v1  }
0x1c: {  	[tilespmem:$0x50A0] =	vst v1  }
0x1d: {  	[tilespmem:$0x50B0] =	vst v1  }
0x1e: {  	[tilespmem:$0x50C0] =	vst v1  }
0x1f: {  	[tilespmem:$0x50D0] =	vst v1  }
0x20: {  	[tilespmem:$0x50E0] =	vst v1  }
0x21: {  	[tilespmem:$0x50F0] =	vst v1  }
0x22: {  	[tilespmem:$0x5100] =	vst v1  }
0x23: {  	[tilespmem:$0x5110] =	vst v1  }
0x24: {  	[tilespmem:$0x5120] =	vst v1  }
0x25: {  	[tilespmem:$0x5130] =	vst v1  }
0x26: {  	[tilespmem:$0x5140] =	vst v1  }
0x27: {  	[tilespmem:$0x5150] =	vst v1  }
0x28: {  	[tilespmem:$0x5160] =	vst v1  }
0x29: {  	[tilespmem:$0x5170] =	vst v1  }
0x2a: {  	[tilespmem:$0x5180] =	vst v1  }
0x2b: {  	[tilespmem:$0x5190] =	vst v1  }
0x2c: {  	[tilespmem:$0x51A0] =	vst v1  }
0x2d: {  	[tilespmem:$0x51B0] =	vst v1  }
0x2e: {  	[tilespmem:$0x51C0] =	vst v1  }
0x2f: {  	[tilespmem:$0x51D0] =	vst v1  }
0x30: {  	[tilespmem:$0x51E0] =	vst v1  }
0x31: {  	[tilespmem:$0x51F0] =	vst v1  }
0x32: {  	[tilespmem:$0x5200] =	vst v1  }
0x33: {  	[tilespmem:$0x5210] =	vst v1  }
0x34: {  	[tilespmem:$0x5220] =	vst v1  }
0x35: {  	[tilespmem:$0x5230] =	vst v1  }
0x36: {  	[tilespmem:$0x5240] =	vst v1  }
0x37: {  	[tilespmem:$0x5250] =	vst v1  }
0x38: {  	[tilespmem:$0x5260] =	vst v1  }
0x39: {  	[tilespmem:$0x5270] =	vst v1  }
0x3a: {  	[tilespmem:$0x5280] =	vst v1  }
0x3b: {  	[tilespmem:$0x5290] =	vst v1  }
0x3c: {  	[tilespmem:$0x52A0] =	vst v1  }
0x3d: {  	[tilespmem:$0x52B0] =	vst v1  }
0x3e: {  	[tilespmem:$0x52C0] =	vst v1  }
0x3f: {  	[tilespmem:$0x52D0] =	vst v1  }
0x40: {  	[tilespmem:$0x52E0] =	vst v1  }
0x41: {  	[tilespmem:$0x52F0] =	vst v1  }
0x42: {  	[spmem:s5] =	stream.linear.scatter [tilespmem:s12], [sflag:$0x1], $0x280, $0x38;
	[tilespmem:$0x5800] =	vst v63  }
0x43: {  	_ =	swait.ge [sflag:s13], $0x280  }
0x44: {  	[sflag:s13] =	ssyncset.done $0x0  }
0x45: {  	[sflag:s13] =	ssyncadd.s32 $0xFFFFFD80  }
0x46: {  	[spmem:s6] =	stream.linear.scatter [tilespmem:s12], [sflag:$0x1], $0x280, $0x38;
	[tilespmem:$0x5800] =	vst v63  }
0x47: {  	_ =	swait.ge [sflag:s13], $0x280  }
0x48: {  	[sflag:s13] =	ssyncset.done $0x0  }
0x49: {  	[sflag:s13] =	ssyncadd.s32 $0xFFFFFD80  }
0x4a: {  	[tilespmem:s4], [sflag:$0x1] =	stream.linear.gather [hbm4b:s7+s4], $0x2800, $0x38;
	[tilespmem:$0x5800] =	vst v63  }
0x4b: {  	_ =	swait.ge [sflag:s13], $0x2800  }
0x4c: {  	[sflag:s13] =	ssyncset.done $0x0  }
0x4d: {  	[sflag:s13] =	ssyncadd.s32 $0xFFFFD800  }
0x4e: {  	[tilespmem:s14], [sflag:$0x1] =	stream.linear.gather [hbm4b:s8+s4], $0x2800, $0x38;
	[tilespmem:$0x5800] =	vst v63  }
0x4f: {  	_ =	swait.ge [sflag:s13], $0x2800  }
0x50: {  	[sflag:s13] =	ssyncset.done $0x0  }
0x51: {  	[sflag:s13] =	ssyncadd.s32 $0xFFFFD800  }
0x52: {  	s23 =	simm.s32 $0x0;
	[bflag:$0x0] =	sbarrier.arrive $0xFFFF  }
0x53: {  	[spmem:s1] =	stream.indirect.scatter.add.f32 [tilespmem:s16], [sflag:$0x1], $0x1, s23, s15, $0xb8;
	[tilespmem:$0x5800] =	vst v63  }
0x54: {  	_ =	swait.ge [sflag:s13], $0x80  }
0x55: {  	[sflag:s13] =	ssyncset.done $0x0  }
0x56: {  	s31 =	simm.s32 $0x2800;
	[sflag:s13] =	ssyncadd.s32 $0xFFFFFF80  }
0x57: {  	[spmem:s2] =	stream.indirect.scatter.add.f32 [tilespmem:s16], [sflag:$0x1], $0x1, s31, s15, $0xb8;
	[tilespmem:$0x5800] =	vst v63  }
0x58: {  	_ =	swait.ge [sflag:s13], $0x80  }
0x59: {  	s24 =	simm.s32 $0x400;
	s23 =	simm.s32 $0x200;
	[sflag:s13] =	ssyncset.done $0x0  }
.LBB2_2:
0x5a: {  	s25 =	sshra.s32 s23, $0x2  }
0x5b: {  	[sflag:s13] =	ssyncadd.s32 $0xFFFFFF80;
	s23 =	smov.u32 s24;
	s26 =	sadd.s32 $0x200, s24  }
0x5c: {  	[spmem:s1] =	stream.indirect.scatter.add.f32 [tilespmem:s16], [sflag:$0x1], $0x1, s25, s15, $0xb8;
	[tilespmem:$0x5800] =	vst v63  }
0x5d: {  	p0 =	sne.s32 s24, $0x9E00;
	_ =	swait.ge [sflag:s13], $0x80  }
.Ltmp0:
0x5e: {  	[sflag:s13] =	ssyncset.done $0x0;
	(pc) =	sbr.rel @p0 .LBB2_2-.Ltmp0, $4  }
0x5f: {  	s24 =	sadd.s32 $0x2800, s25;
	[sflag:s13] =	ssyncadd.s32 $0xFFFFFF80  }
0x60: {  	[spmem:s2] =	stream.indirect.scatter.add.f32 [tilespmem:s16], [sflag:$0x1], $0x1, s24, s15, $0xb8;
	[tilespmem:$0x5800] =	vst v63  }
0x61: {  	_ =	swait.ge [sflag:s13], $0x80  }
0x62: {  	s24 =	smov.u32 s26;
	[sflag:s13] =	ssyncset.done $0x0  }
0x63: {  	s23 =	sshra.s32 s23, $0x2;
	[sflag:s13] =	ssyncadd.s32 $0xFFFFFF80  }
0x64: {  	[spmem:s1] =	stream.indirect.scatter.add.f32 [tilespmem:s16], [sflag:$0x1], $0x1, s23, s15, $0xb8;
	[tilespmem:$0x5800] =	vst v63  }
0x65: {  	_ =	swait.ge [sflag:s13], $0x80  }
0x66: {  	[sflag:s13] =	ssyncset.done $0x0  }
0x67: {  	s23 =	sadd.s32 $0x2800, s23;
	[sflag:s13] =	ssyncadd.s32 $0xFFFFFF80  }
0x68: {  	[spmem:s2] =	stream.indirect.scatter.add.f32 [tilespmem:s16], [sflag:$0x1], $0x1, s23, s15, $0xb8;
	[tilespmem:$0x5800] =	vst v63  }
0x69: {  	_ =	swait.ge [sflag:s13], $0x80  }
0x6a: {  	[sflag:s13] =	ssyncset.done $0x0  }
0x6b: {  	[sflag:s13] =	ssyncadd.s32 $0xFFFFFF80  }
0x6c: {  	[bflag:$0x0] =	sbarrier.arrive $0xFFFF  }
0x6d: {  	[hbm:s9@s19], [sflag:s17] =	dma.strided [spmem:s18@s20], $0x50, s13, $0x10   }
0x6e: {  	s22 =	sadd.s32 $0x1, s22;
	_ =	swait.ge [sflag:s13], $0x50  }
0x6f: {  	p0 =	sne.s32 s22, s11;
	[sflag:s13] =	ssyncset.done $0x0  }
.Ltmp1:
0x70: {  	[sflag:s13] =	ssyncadd.s32 $0xFFFFFFB0;
	(pc) =	sbr.rel @p0 .LBB2_1-.Ltmp1, $4  }
0x71: {  	[hbm:s10@s19], [sflag:s17] =	dma.strided [spmem:s21@s20], $0x50, s13, $0x10   }
0x72: {  	_ =	swait.ge [sflag:s13], $0x50  }
0x73: {  	[sflag:s13] =	ssyncset.done $0x0  }
0x74: {  	[sflag:s13] =	ssyncadd.s32 $0xFFFFFFB0  }
0x75: {  	_ =	sfence.sel $0x180000  }
0x76: {  	[bflag:$0x0] =	sbarrier.arrive $0xFFFF  }
0x77: {  	p0 =	sne.s32 s3, $0x0;
	_ =	strace $0x90000047  }
0x78: {  	s0 =	sadd.s32 @!p0 $0x100000, s0;
	[bflag:$0x2] =	sbarrier.arrive $0xFFFF  }
0x79: {  	[sflag:s0] =	ssyncadd.tile.s32 @!p0 $0x1;
	_ =	shalt  }
.Lfunc_end2:
_tile_overlayer_lowered:
.L_overlay_start_2:
0x7a: {  	(tag) =	ssettag $0x2  }
0x7b: {  	s0 =	rddreg [dreg:$0x0];
	s2 =	stileid.u32  }
0x7c: {  	s1 =	rddreg [dreg:$0x1];
	p0 =	sne.s32 s2, $0x0  }
0x7d: {  	s3 =	rddreg [dreg:$0x2];
	[bflag:$0x3] =	sbarrier.arrive $0xFFFF;
	s2 =	simm.s32 @!p0 $0x1C01  }
0x7e: {  	[timem:s3], [sflag:s2] =	dma.local @!p0 [hbm:s0], s1  }
0x7f: {  	s0 =	simm.s32 @!p0 $0x1  }
0x80: {  	_ =	swait.ge @!p0 [sflag:s0], s1  }
0x81: {  	s1 =	ssub.s32 @!p0 $0x0, s1;
	[sflag:s0] =	ssyncset.done @!p0 $0x0  }
0x82: {  	[sflag:s0] =	ssyncadd.s32 @!p0 s1  }
0x83: {  	[bflag:$0x3] =	sbarrier.arrive $0xFFFF  }
0x84: {  	_ =	shalt  }

// kernel: kernel.15.cloned.1.call-start
scs
__scs_entry_jumppad:
0x0: {  	(pc) =	sbr.rel $0x88, $3  }
0x1: {  	(tag) =	ssettag $0x0;
	lr =	simm.s32 $0x1  }
0x2: {  	[smem:$0x3F97] =	sst lr;
	_ =	strace $0xD0000000  }
0x3: {  	_ = 	snop  }
0x4: {  	_ = 	snop  }
0x5: {  	_ = 	snop  }
0x6: {  	_ = 	snop  }
0x7: {  	_ = 	snop  }
__scs_overlays_trampoline_lowered:
0x8: {  	[smem:$0x3FA6] =	sst s0  }
0x9: {  	[smem:$0x3FA7] =	sst s1  }
0xa: {  	[smem:$0x3FA8] =	sst s2  }
0xb: {  	[smem:$0x3FA9] =	sst s3  }
0xc: {  	[smem:$0x3FAA] =	sst s4  }
0xd: {  	[smem:$0x3FAB] =	sst s5  }
0xe: {  	[smem:$0x3FAC] =	sst s6  }
0xf: {  	[smem:$0x3FAD] =	sst s7  }
0x10: {  	[smem:$0x3FAE] =	sst s8  }
0x11: {  	[smem:$0x3FAF] =	sst s9;
	s0 =	simm.s32 @!p0 $0x0  }
0x12: {  	s1 =	sld [smem:$0x3F95];
	s0 =	simm.s32 @p0 $0x1  }
0x13: {  	[smem:$0x3FB0] =	sst s0;
	s0 =	simm.s32 @!p1 $0x0  }
0x14: {  	s2 =	sld [smem:$0x3F94];
	s0 =	simm.s32 @p1 $0x1  }
0x15: {  	[smem:$0x3FB1] =	sst s0;
	s0 =	simm.s32 @!p2 $0x0  }
0x16: {  	s3 =	sld [smem:$0x3FDB];
	s0 =	simm.s32 @p2 $0x1  }
0x17: {  	s4 =	simm.s32 $0x1BF5;
	[smem:$0x3FB3] =	sst s0  }
0x18: {  	s0 =	sld [smem:$0x3F96];
	_ =	swait.ge [sflag:s4], $0x0  }
0x19: {  	s7 =	sld [smem:$0x3F97]  }
0x1a: {  	s8 =	sadd.s32 $0xFFFFE003, lr  }
0x1b: {  	s9 =	sadd.s32 $0xFFFFFEF7, lr;
	s5 =	simm.s32 $0xFFFFFFFF;
	p2 =	slt.u32 s8, $0xFFFFF086  }
0x1c: {  	p1 =	slt.u32 s9, $0xF7A;
	s5 =	simm.s32 @!p2 $0x0  }
0x1d: {  	s5 =	simm.s32 @p1 $0x1;
	p0 =	seq.s32 s7, s2  }
0x1e: {  	s7 =	smul.u32 @!p0 $0xF7A, s2;
	p2 =	seq.s32 @!p0 s5, $0x0  }
0x1f: {  	s9 =	smul.u32 $0xF7A, s1;
	s8 =	simm.s32 @!p0 $0x1BF5;
	p2 =	por !p2, p0  }
0x20: {  	[sflag:s8] =	ssyncset.s32 @!p0 $0xFFFFF086;
	s6 =	sadd.s32 @!p0 s3, s7;
	s7 =	simm.s32 @!p0 $0x108  }
0x21: {  	s3 =	sadd.s32 s3, s9;
	s6 =	sadd.s32 @!p0 $0x88, s6;
	s7 =	simm.s32 @p2 $0x1082  }
0x22: {  	[simem:s7], [sflag:s8] =	dma.local @!p0 [hbm:s6], $0xF7A  }
0x23: {  	s9 =	sor.u32 $0xD0000000, s2;
	s6 =	simm.s32 $0x108;
	_ =	swait.ge @!p0 [sflag:s8], $0x0  }
0x24: {  	s3 =	sadd.s32 $0x88, s3;
	s6 =	simm.s32 @!p1 $0x1082;
	[sflag:s4] =	ssyncset.s32 $0xFFFFF086  }
0x25: {  	[simem:s6], [sflag:s4] =	dma.local [hbm:s3], $0xF7A  }
0x26: {  	[smem:$0x3F97] =	sst s1;
	(tag) =	ssettag s2;
	_ =	strace s9  }
0x27: {  	s1 =	sld [smem:$0x3FA7]  }
0x28: {  	s2 =	sld [smem:$0x3FA8]  }
0x29: {  	s4 =	sld [smem:$0x3FAA]  }
0x2a: {  	p0 =	seq.s32 s5, $0x0;
	s5 =	sld [smem:$0x3FAB]  }
0x2b: {  	s6 =	sld [smem:$0x3FAC]  }
0x2c: {  	s7 =	sld [smem:$0x3FAD]  }
0x2d: {  	s3 =	simm.s32 $0x108;
	s8 =	sld [smem:$0x3FAE]  }
0x2e: {  	s3 =	simm.s32 @!p0 $0x1082;
	s9 =	sld [smem:$0x3FAF]  }
0x2f: {  	lr =	sadd.s32 s0, s3;
	s0 =	sld [smem:$0x3FA6]  }
0x30: {  	s3 =	sld [smem:$0x3FA9]  }
0x31: {  	[smem:$0x3FB2] =	sst s10  }
0x32: {  	s10 =	sld [smem:$0x3FB0];
	_ =	sdelay $0x3  }
0x33: {  	p0 =	seq.s32 s10, $0x1;
	s10 =	sld [smem:$0x3FB2];
	_ =	sdelay $0x3  }
0x34: {  	[smem:$0x3FB2] =	sst s10  }
0x35: {  	s10 =	sld [smem:$0x3FB1];
	_ =	sdelay $0x3  }
0x36: {  	p1 =	seq.s32 s10, $0x1;
	s10 =	sld [smem:$0x3FB2];
	_ =	sdelay $0x3  }
0x37: {  	[smem:$0x3FB2] =	sst s10  }
0x38: {  	s10 =	sld [smem:$0x3FB3]  }
0x39: {  	_ = 	snop;
	(pc) =	sbr.ind lr, $3  }
0x3a: {  	_ = 	snop  }
0x3b: {  	_ = 	snop  }
0x3c: {  	p2 =	seq.s32 s10, $0x1;
	s10 =	sld [smem:$0x3FB2]  }
0x3d: {  	_ =	shalt  }
0x3e: {  	_ =	shalt  }
0x3f: {  	_ =	shalt  }
0x40: {  	_ =	shalt  }
0x41: {  	_ =	shalt  }
0x42: {  	_ =	shalt  }
0x43: {  	_ =	shalt  }
0x44: {  	_ =	shalt  }
0x45: {  	_ =	shalt  }
0x46: {  	_ =	shalt  }
0x47: {  	_ =	shalt  }
0x48: {  	_ =	shalt  }
0x49: {  	_ =	shalt  }
0x4a: {  	_ =	shalt  }
0x4b: {  	_ =	shalt  }
0x4c: {  	_ =	shalt  }
0x4d: {  	_ =	shalt  }
0x4e: {  	_ =	shalt  }
0x4f: {  	_ =	shalt  }
0x50: {  	_ =	shalt  }
0x51: {  	_ =	shalt  }
0x52: {  	_ =	shalt  }
0x53: {  	_ =	shalt  }
0x54: {  	_ =	shalt  }
0x55: {  	_ =	shalt  }
0x56: {  	_ =	shalt  }
0x57: {  	_ =	shalt  }
0x58: {  	_ =	shalt  }
0x59: {  	_ =	shalt  }
0x5a: {  	_ =	shalt  }
0x5b: {  	_ =	shalt  }
0x5c: {  	_ =	shalt  }
0x5d: {  	_ =	shalt  }
0x5e: {  	_ =	shalt  }
0x5f: {  	_ =	shalt  }
0x60: {  	_ =	shalt  }
0x61: {  	_ =	shalt  }
0x62: {  	_ =	shalt  }
0x63: {  	_ =	shalt  }
0x64: {  	_ =	shalt  }
0x65: {  	_ =	shalt  }
0x66: {  	_ =	shalt  }
0x67: {  	_ =	shalt  }
0x68: {  	_ =	shalt  }
0x69: {  	_ =	shalt  }
0x6a: {  	_ =	shalt  }
0x6b: {  	_ =	shalt  }
0x6c: {  	_ =	shalt  }
0x6d: {  	_ =	shalt  }
0x6e: {  	_ =	shalt  }
0x6f: {  	_ =	shalt  }
0x70: {  	_ =	shalt  }
0x71: {  	_ =	shalt  }
0x72: {  	_ =	shalt  }
0x73: {  	_ =	shalt  }
0x74: {  	_ =	shalt  }
0x75: {  	_ =	shalt  }
0x76: {  	_ =	shalt  }
0x77: {  	_ =	shalt  }
0x78: {  	_ =	shalt  }
0x79: {  	_ =	shalt  }
0x7a: {  	_ =	shalt  }
0x7b: {  	_ =	shalt  }
0x7c: {  	_ =	shalt  }
0x7d: {  	_ =	shalt  }
0x7e: {  	_ =	shalt  }
0x7f: {  	_ =	shalt  }
0x80: {  	_ =	shalt  }
0x81: {  	_ =	shalt  }
0x82: {  	_ =	shalt  }
0x83: {  	_ =	shalt  }
0x84: {  	_ =	shalt  }
0x85: {  	_ =	shalt  }
0x86: {  	_ =	shalt  }
0x87: {  	_ =	shalt  }
.Lfunc_end0:
.L_simem_size_0:
called_computation.1_lowered:
.L_overlay_start_0:
0x88: {  	s2 =	sld [smem:$0x3FD9]  }
0x89: {  	s3 =	sld [smem:$0x3FFE];
	_ =	sdelay $0x1  }
0x8a: {  	s1 =	srdreg.scid  }
0x8b: {  	s0 =	sand.u32 $0x1, s1  }
0x8c: {  	s17 =	sshll.u32 s0, $0xA;
	s2 =	sadd.s32 s3, s2  }
0x8d: {  	s2 =	sadd.s32 s2, s17  }
0x8e: {  	[smem:$0x3FBE] =	sst s2  }
0x8f: {  	_ = 	snop  }
0x90: {  	s2 =	sld [smem:$0x3FD0];
	(tm) =	ssettm $0x1  }
0x91: {  	s18 =	sld [smem:$0x3FFB];
	_ =	sdelay $0x3  }
0x92: {  	_ =	strace s18  }
0x93: {  	s3 =	sld [smem:$0x3FFC];
	_ =	sdelay $0x3  }
0x94: {  	_ =	strace s3  }
0x95: {  	s3 =	sld [smem:$0x3FFD];
	_ =	sdelay $0x3  }
0x96: {  	_ =	strace s3  }
0x97: {  	_ =	strace $0x8FFFFFFF  }
0x98: {  	s19 =	sld [smem:$0x3FDB];
	_ =	sdelay $0x1  }
0x99: {  	s4 =	simm.s32 $_scs_section_size  }
0x9a: {  	s5 =	simm.s32 $_size__tile_overlayer_lowered;
	s6 =	simm.s32 $_tile_overlayer_lowered  }
0x9b: {  	s22 =	simm.s32 $0x1BFF;
	s21 =	sshll.u32 s6, $0x1;
	s3 =	sadd.s32 s4, s19  }
0x9c: {  	s7 =	simm.s32 $0x0;
	s20 =	sshll.u32 s5, $0x1;
	s5 =	sadd.s32 s21, s3  }
0x9d: {  	[timem:s7], [sflag:s22] =	dma.local [hbm:s5], s20  }
0x9e: {  	_ =	swait.ge [sflag:s22], s20  }
0x9f: {  	s4 =	ssub.s32 $0x0, s20;
	[sflag:s22] =	ssyncset.done $0x0  }
0xa0: {  	[sflag:s22] =	ssyncadd.s32 s4;
	_ =	sdelay $0x1  }
0xa1: {  	s23 =	simm.s32 $0x1B8B  }
0xa2: {  	_ =	swait.ge [sflag:s23], $0x1  }
0xa3: {  	[sflag:s23] =	ssyncset.done $0x0  }
0xa4: {  	s25 =	simm.s32 $0x1B8E;
	s24 =	sld [smem:$0x3FFE];
	[sflag:s23] =	ssyncadd.s32 $0xFFFFFFFF  }
0xa5: {  	s26 =	simm.s32 $execute0_lowered;
	[smem:$0x3FD2] =	sst s25  }
0xa6: {  	s5 =	sshll.u32 s26, $0x1;
	_ =	strace $0x80000049;
	[dreg:$0x1] =	wrdreg $0xFFFFFFFF  }
0xa7: {  	s28 =	simm.s32 $_size_execute0_lowered;
	s3 =	sadd.s32 s3, s5;
	[dreg:$0x0] =	wrdreg $0x0  }
0xa8: {  	s5 =	sshll.u32 s28, $0x1;
	[dreg:$0x2] =	wrdreg s3  }
0xa9: {  	[dreg:$0x3] =	wrdreg s5  }
0xaa: {  	[dreg:$0x4] =	wrdreg $0xC0  }
0xab: {  	_ =	task [dreg:s7], $0x5FFFF  }
0xac: {  	[dreg:$0x1] =	wrdreg $0xFFFFFFFF  }
0xad: {  	[dreg:$0x0] =	wrdreg $0x60  }
0xae: {  	[dreg:$0x2] =	wrdreg s2  }
0xaf: {  	[dreg:$0x3] =	wrdreg s24  }
0xb0: {  	[dreg:$0x4] =	wrdreg $0xA0000  }
0xb1: {  	[dreg:$0x5] =	wrdreg $0x9  }
0xb2: {  	_ =	task.clear_ibuf [dreg:s7], $0x6FFFF;
	_ =	strace $0x90000049  }
0xb3: {  	s29 =	simm.s32 $0x9;
	_ =	strace $0x8000004B  }
0xb4: {  	_ =	swait.ge [sflag:s29], $0x1  }
0xb5: {  	[sflag:s29] =	ssyncadd.s32 $0xFFFFFFFF  }
0xb6: {  	_ =	strace $0x9000004B  }
0xb7: {  	_ =	sfence  }
0xb8: {  	s30 =	sld [smem:$0x0];
	_ =	sdelay $0x2  }
0xb9: {  	s31 =	sshll.u32 s1, $0xD;
	s1 =	sshrl.u32 s1, $0x2  }
0xba: {  	s3 =	sand.u32 $0x4000, s31;
	s1 =	sadd.s32 s1, s30  }
0xbb: {  	s0 =	sor.u32 s3, s0;
	s1 =	sshll.u32 s1, $0x11  }
0xbc: {  	s0 =	sor.u32 s1, s0  }
0xbd: {  	s0 =	sadd.s32 $0x8F2B, s0  }
0xbe: {  	[sflag:s0] =	ssyncadd.remote.s32 $0x1  }
0xbf: {  	_ =	sfence.sel $0xFFFF  }
0xc0: {  	[dreg:$0x0] =	wrdreg $0xFFFFFFFF;
	(pc) =	sbr.abs _section_cstart, $3  }
0xc1: {  	[dreg:$0x1] =	wrdreg $0xFFFFFFFF  }
0xc2: {  	_ =	task.clear_ibuf [dreg:s7], $0x2FFFF;
	_ =	strace $0x9FFFFFFF  }
0xc3: {  	(tm) =	ssettm $0x7FFFFFFF  }
tec
execute0_lowered:
.L_overlay_start_1:
0x0: {  	(tag) =	ssettag $0x1  }
0x1: {  	s1 =	rddreg [dreg:$0x0]  }
0x2: {  	s0 =	rddreg [dreg:$0x1];
	s12 =	stileid.u32  }
0x3: {  	s2 =	rddreg [dreg:$0x2];
	s6 =	smul.u32 $0x14000, s12  }
0x4: {  	s3 =	srdreg.scid;
	s8 =	smul.u32 $0x50000, s12  }
0x5: {  	s5 =	simm.s32 $0x0;
	s3 =	sand.u32 $0x1, s3;
	s10 =	smul.u32 $0x2800, s12  }
0x6: {  	[smem:$0x7FF] =	sst s5;
	s7 =	sadd.s32 $0x3000, s0;
	s24 =	smul.u32 $0x500, s12  }
0x7: {  	s11 =	sadd.s32 $0xD000, s0;
	s4 =	smul.u32 $0x140000, s3;
	s21 =	ssub.s32 $0x2, s3  }
0x8: {  	_ =	strace $0x8000004A;
	p0 =	seq.s32 s3, $0x1;
	s9 =	sshrl.u32 s21, $0x1  }
0x9: {  	s23 =	sshrl.u32 s8, $0x2;
	s25 =	sshrl.u32 s10, $0x3;
	s10 =	sadd.s32 s7, s24  }
0xa: {  	s8 =	sadd.s32 s11, s24;
	s12 =	sadd.s32 s6, s2;
	s4 =	sadd.s32 s6, s4  }
0xb: {  	s22 =	ssub.s32 s21, s9;
	s5 =	sadd.s32 s23, s2;
	[dreg:$0x4] =	wrdreg s10  }
0xc: {  	s26 =	sadd.s32 $0x5000, s25;
	[dreg:$0x5] =	wrdreg s8;
	s6 =	simm.s32 $0x9000  }
0xd: {  	s9 =	simm.s32 $0x80;
	s8 =	simm.s32 $0x0;
	s4 =	sshrl.u32 s4, $0x3  }
0xe: {  	s7 =	sadd.s32 s7, s26;
	s3 =	sadd.s32 s11, s26;
	s25 =	smax.u32 s22, $0x1  }
0xf: {  	s26 =	sadd.s32 $0x1000, s5;
	s13 =	sadd.s32 $0x2000, s5;
	s14 =	sadd.s32 $0x3000, s5  }
0x10: {  	s15 =	sadd.s32 $0x4000, s5;
	s16 =	sadd.s32 $0x5000, s5;
	s17 =	sadd.s32 $0x6000, s5  }
0x11: {  	s18 =	sadd.s32 $0x7000, s5;
	s19 =	sadd.s32 $0x8000, s5;
	s20 =	sadd.s32 $0x9000, s5  }
0x12: {  	s21 =	sadd.s32 $0xA000, s5;
	s22 =	sadd.s32 $0xB000, s5;
	s23 =	sadd.s32 $0xC000, s5  }
0x13: {  	s24 =	sadd.s32 $0xD000, s5;
	s28 =	sadd.s32 $0xF000, s5;
	[dreg:$0x6] =	wrdreg s7  }
.Ltmp0:
0x14: {  	s29 =	sadd.s32 $0x10000, s5;
	[dreg:$0x7] =	wrdreg s3;
	(pc) =	sbr.rel .LBB2_1-.Ltmp0, $4  }
0x15: {  	s30 =	sadd.s32 $0x11000, s5;
	s31 =	sadd.s32 $0x12000, s5;
	[dreg:$0x9] =	wrdreg s25  }
0x16: {  	s0 =	sadd.s32 s4, s0;
	[dreg:$0xa] =	wrdreg s26;
	s25 =	sshrl.u32 s12, $0x3  }
0x17: {  	s26 =	sadd.s32 $0xE000, s5;
	s7 =	simm.s32 $0x1;
	s0 =	sadd.s32 $0x17000, s0  }
0x18: {  	v0 =	vimm.f32 $0.0e+00;
	s3 =	simm.s32 $0x5000;
	[dreg:$0x8] =	wrdreg s0;
	s0 =	sadd.s32 $0x13000, s5  }
.LBB2_6:
0x19: {  	s4 =	sshra.s32 s4, $0x2;
	[sflag:s7] =	ssyncadd.s32 $0xFFFFC000  }
0x1a: {  	[tilespmem:s3], [sflag:$0x1] =	stream.indirect.gather [hbm4b:s1+s9], $0x80, s4, s9, $0xb8;
	[tilespmem:$0x1E000] =	vst v63  }
0x1b: {  	_ =	swait.ge [sflag:s7], $0x4000  }
0x1c: {  	[sflag:s7] =	ssyncset.done $0x0  }
0x1d: {  	s4 =	sadd.s32 $0x2800, s4;
	[sflag:s7] =	ssyncadd.s32 $0xFFFFC000  }
0x1e: {  	[spmem:s2] =	stream.indirect.scatter.add.f32 [tilespmem:s3], [sflag:$0x1], $0x80, s4, s9, $0xb8;
	[tilespmem:$0x1E000] =	vst v63  }
0x1f: {  	_ =	swait.ge [sflag:s7], $0x4000  }
0x20: {  	[sflag:s7] =	ssyncset.done $0x0  }
0x21: {  	[sflag:s7] =	ssyncadd.s32 $0xFFFFC000  }
.LBB2_10:
0x22: {  	s4 =	stileid.u32  }
0x23: {  	[bflag:$0x0] =	sbarrier.arrive $0xFFFF;
	s4 =	sshll.u32 s4, $0x6  }
0x24: {  	s10 =	rddreg [dreg:$0x8];
	s4 =	sor.u32 $0x1C01, s4  }
0x25: {  	[hbm:s10], [sflag:s4] =	dma.local [spmem:s25], $0x2800  }
0x26: {  	_ =	swait.ge [sflag:s7], $0x2800  }
0x27: {  	s8 =	sadd.s32 $0x1, s8;
	s12 =	rddreg [dreg:$0x9]  }
0x28: {  	p1 =	sne.s32 s8, s12  }
.Ltmp1:
0x29: {  	_ = 	snop;
	(pc) =	sbr.rel @!p1 .LBB2_11-.Ltmp1, $3  }
0x2a: {  	_ =	sdelay $0x1  }
0x2b: {  	[sflag:s7] =	ssyncset.done $0x0  }
0x2c: {  	[sflag:s7] =	ssyncadd.s32 $0xFFFFD800  }
.LBB2_1:
0x2d: {  	s10 =	simm.s32 $0x0  }
0x2e: {  	s4 =	sand.u32 $0x3E00, s10  }
0x2f: {  	s10 =	sand.u32 $0x70, s10;
	s11 =	sshrl.u32 s4, $0x2  }
0x30: {  	s4 =	simm.s32 $0x40;
	s11 =	sor.u32 s10, s11;
	s10 =	simm.s32 $0x0  }
.LBB2_2:
0x31: {  	p1 =	sne.s32 s4, $0x3FC0  }
0x32: {  	[tilespmem:s11+$0x9000] =	vst v0;
	s10 =	sadd.s32 $0x10, s10;
	s11 =	smov.u32 s4;
	s4 =	sadd.s32 $0x40, s4  }
.Ltmp2:
0x33: {  	(pc) =	sbr.rel @p1 .LBB2_2-.Ltmp2, $4  }
0x34: {  	_ = 	snop  }
0x35: {  	s11 =	sand.u32 $0x3E00, s11  }
0x36: {  	s12 =	sand.u32 $0x70, s10;
	s11 =	sshrl.u32 s11, $0x2  }
0x37: {  	s11 =	sor.u32 s12, s11  }
0x38: {  	[tilespmem:s11+$0x9000] =	vst v0  }
0x39: {  	[spmem:s5] =	stream.linear.scatter [tilespmem:s6], [sflag:$0x1], $0x1000, $0x38;
	[tilespmem:$0x1E000] =	vst v63  }
0x3a: {  	_ =	swait.ge [sflag:s7], $0x1000  }
0x3b: {  	[sflag:s7] =	ssyncset.done $0x0  }
0x3c: {  	s4 =	rddreg [dreg:$0xa];
	[sflag:s7] =	ssyncadd.s32 $0xFFFFF000  }
0x3d: {  	[spmem:s4] =	stream.linear.scatter [tilespmem:s6], [sflag:$0x1], $0x1000, $0x38;
	[tilespmem:$0x1E000] =	vst v63  }
0x3e: {  	_ =	swait.ge [sflag:s7], $0x1000  }
0x3f: {  	[sflag:s7] =	ssyncset.done $0x0  }
0x40: {  	[sflag:s7] =	ssyncadd.s32 $0xFFFFF000  }
0x41: {  	[spmem:s13] =	stream.linear.scatter [tilespmem:s6], [sflag:$0x1], $0x1000, $0x38;
	[tilespmem:$0x1E000] =	vst v63  }
0x42: {  	_ =	swait.ge [sflag:s7], $0x1000  }
0x43: {  	[sflag:s7] =	ssyncset.done $0x0  }
0x44: {  	[sflag:s7] =	ssyncadd.s32 $0xFFFFF000  }
0x45: {  	[spmem:s14] =	stream.linear.scatter [tilespmem:s6], [sflag:$0x1], $0x1000, $0x38;
	[tilespmem:$0x1E000] =	vst v63  }
0x46: {  	_ =	swait.ge [sflag:s7], $0x1000  }
0x47: {  	[sflag:s7] =	ssyncset.done $0x0  }
0x48: {  	[sflag:s7] =	ssyncadd.s32 $0xFFFFF000  }
0x49: {  	[spmem:s15] =	stream.linear.scatter [tilespmem:s6], [sflag:$0x1], $0x1000, $0x38;
	[tilespmem:$0x1E000] =	vst v63  }
0x4a: {  	_ =	swait.ge [sflag:s7], $0x1000  }
0x4b: {  	[sflag:s7] =	ssyncset.done $0x0  }
0x4c: {  	[sflag:s7] =	ssyncadd.s32 $0xFFFFF000  }
0x4d: {  	[spmem:s16] =	stream.linear.scatter [tilespmem:s6], [sflag:$0x1], $0x1000, $0x38;
	[tilespmem:$0x1E000] =	vst v63  }
0x4e: {  	_ =	swait.ge [sflag:s7], $0x1000  }
0x4f: {  	[sflag:s7] =	ssyncset.done $0x0  }
0x50: {  	[sflag:s7] =	ssyncadd.s32 $0xFFFFF000  }
0x51: {  	[spmem:s17] =	stream.linear.scatter [tilespmem:s6], [sflag:$0x1], $0x1000, $0x38;
	[tilespmem:$0x1E000] =	vst v63  }
0x52: {  	_ =	swait.ge [sflag:s7], $0x1000  }
0x53: {  	[sflag:s7] =	ssyncset.done $0x0  }
0x54: {  	[sflag:s7] =	ssyncadd.s32 $0xFFFFF000  }
0x55: {  	[spmem:s18] =	stream.linear.scatter [tilespmem:s6], [sflag:$0x1], $0x1000, $0x38;
	[tilespmem:$0x1E000] =	vst v63  }
0x56: {  	_ =	swait.ge [sflag:s7], $0x1000  }
0x57: {  	[sflag:s7] =	ssyncset.done $0x0  }
0x58: {  	[sflag:s7] =	ssyncadd.s32 $0xFFFFF000  }
0x59: {  	[spmem:s19] =	stream.linear.scatter [tilespmem:s6], [sflag:$0x1], $0x1000, $0x38;
	[tilespmem:$0x1E000] =	vst v63  }
0x5a: {  	_ =	swait.ge [sflag:s7], $0x1000  }
0x5b: {  	[sflag:s7] =	ssyncset.done $0x0  }
0x5c: {  	[sflag:s7] =	ssyncadd.s32 $0xFFFFF000  }
0x5d: {  	[spmem:s20] =	stream.linear.scatter [tilespmem:s6], [sflag:$0x1], $0x1000, $0x38;
	[tilespmem:$0x1E000] =	vst v63  }
0x5e: {  	_ =	swait.ge [sflag:s7], $0x1000  }
0x5f: {  	[sflag:s7] =	ssyncset.done $0x0  }
0x60: {  	[sflag:s7] =	ssyncadd.s32 $0xFFFFF000  }
0x61: {  	[spmem:s21] =	stream.linear.scatter [tilespmem:s6], [sflag:$0x1], $0x1000, $0x38;
	[tilespmem:$0x1E000] =	vst v63  }
0x62: {  	_ =	swait.ge [sflag:s7], $0x1000  }
0x63: {  	[sflag:s7] =	ssyncset.done $0x0  }
0x64: {  	[sflag:s7] =	ssyncadd.s32 $0xFFFFF000  }
0x65: {  	[spmem:s22] =	stream.linear.scatter [tilespmem:s6], [sflag:$0x1], $0x1000, $0x38;
	[tilespmem:$0x1E000] =	vst v63  }
0x66: {  	_ =	swait.ge [sflag:s7], $0x1000  }
0x67: {  	[sflag:s7] =	ssyncset.done $0x0  }
0x68: {  	[sflag:s7] =	ssyncadd.s32 $0xFFFFF000  }
0x69: {  	[spmem:s23] =	stream.linear.scatter [tilespmem:s6], [sflag:$0x1], $0x1000, $0x38;
	[tilespmem:$0x1E000] =	vst v63  }
0x6a: {  	_ =	swait.ge [sflag:s7], $0x1000  }
0x6b: {  	[sflag:s7] =	ssyncset.done $0x0  }
0x6c: {  	[sflag:s7] =	ssyncadd.s32 $0xFFFFF000  }
0x6d: {  	[spmem:s24] =	stream.linear.scatter [tilespmem:s6], [sflag:$0x1], $0x1000, $0x38;
	[tilespmem:$0x1E000] =	vst v63  }
0x6e: {  	_ =	swait.ge [sflag:s7], $0x1000  }
0x6f: {  	[sflag:s7] =	ssyncset.done $0x0  }
0x70: {  	[sflag:s7] =	ssyncadd.s32 $0xFFFFF000  }
0x71: {  	[spmem:s26] =	stream.linear.scatter [tilespmem:s6], [sflag:$0x1], $0x1000, $0x38;
	[tilespmem:$0x1E000] =	vst v63  }
0x72: {  	_ =	swait.ge [sflag:s7], $0x1000  }
0x73: {  	[sflag:s7] =	ssyncset.done $0x0  }
0x74: {  	[sflag:s7] =	ssyncadd.s32 $0xFFFFF000  }
0x75: {  	[spmem:s28] =	stream.linear.scatter [tilespmem:s6], [sflag:$0x1], $0x1000, $0x38;
	[tilespmem:$0x1E000] =	vst v63  }
0x76: {  	_ =	swait.ge [sflag:s7], $0x1000  }
0x77: {  	[sflag:s7] =	ssyncset.done $0x0  }
0x78: {  	[sflag:s7] =	ssyncadd.s32 $0xFFFFF000  }
0x79: {  	[spmem:s29] =	stream.linear.scatter [tilespmem:s6], [sflag:$0x1], $0x1000, $0x38;
	[tilespmem:$0x1E000] =	vst v63  }
0x7a: {  	_ =	swait.ge [sflag:s7], $0x1000  }
0x7b: {  	[sflag:s7] =	ssyncset.done $0x0  }
0x7c: {  	[sflag:s7] =	ssyncadd.s32 $0xFFFFF000  }
0x7d: {  	[spmem:s30] =	stream.linear.scatter [tilespmem:s6], [sflag:$0x1], $0x1000, $0x38;
	[tilespmem:$0x1E000] =	vst v63  }
0x7e: {  	_ =	swait.ge [sflag:s7], $0x1000  }
0x7f: {  	[sflag:s7] =	ssyncset.done $0x0  }
0x80: {  	[sflag:s7] =	ssyncadd.s32 $0xFFFFF000  }
0x81: {  	[spmem:s31] =	stream.linear.scatter [tilespmem:s6], [sflag:$0x1], $0x1000, $0x38;
	[tilespmem:$0x1E000] =	vst v63  }
0x82: {  	_ =	swait.ge [sflag:s7], $0x1000  }
0x83: {  	[sflag:s7] =	ssyncset.done $0x0  }
0x84: {  	[sflag:s7] =	ssyncadd.s32 $0xFFFFF000  }
0x85: {  	[spmem:s0] =	stream.linear.scatter [tilespmem:s6], [sflag:$0x1], $0x1000, $0x38;
	[tilespmem:$0x1E000] =	vst v63  }
.Ltmp3:
0x86: {  	_ =	swait.ge [sflag:s7], $0x1000;
	(pc) =	sbr.rel @!p0 .LBB2_4-.Ltmp3, $4  }
0x87: {  	[sflag:s7] =	ssyncset.done $0x0  }
0x88: {  	[sflag:s7] =	ssyncadd.s32 $0xFFFFF000  }
0x89: {  	[bflag:$0x0] =	sbarrier.arrive $0xFFFF  }
0x8a: {  	s4 =	simm.s32 $0x0  }
0x8b: {  	s10 =	rddreg [dreg:$0x6]  }
0x8c: {  	[tilespmem:s4], [sflag:$0x1] =	stream.linear.gather [hbm4b:s10+s4], $0x2800, $0x38;
	[tilespmem:$0x1E000] =	vst v63  }
0x8d: {  	_ =	swait.ge [sflag:s7], $0x2800  }
0x8e: {  	[sflag:s7] =	ssyncset.done $0x0  }
0x8f: {  	s11 =	simm.s32 $0x2800;
	s12 =	rddreg [dreg:$0x7];
	[sflag:s7] =	ssyncadd.s32 $0xFFFFD800  }
0x90: {  	[tilespmem:s11], [sflag:$0x1] =	stream.linear.gather [hbm4b:s12+s4], $0x2800, $0x38;
	[tilespmem:$0x1E000] =	vst v63  }
0x91: {  	_ =	swait.ge [sflag:s7], $0x2800  }
0x92: {  	[sflag:s7] =	ssyncset.done $0x0  }
0x93: {  	s11 =	simm.s32 $0x0;
	[sflag:s7] =	ssyncadd.s32 $0xFFFFD800  }
0x94: {  	[tilespmem:s3], [sflag:$0x1] =	stream.indirect.gather [hbm4b:s1+s9], $0x80, s11, s9, $0xb8;
	[tilespmem:$0x1E000] =	vst v63  }
0x95: {  	_ =	swait.ge [sflag:s7], $0x4000  }
0x96: {  	[sflag:s7] =	ssyncset.done $0x0  }
0x97: {  	s12 =	simm.s32 $0x2800;
	[sflag:s7] =	ssyncadd.s32 $0xFFFFC000  }
0x98: {  	[spmem:s2] =	stream.indirect.scatter.add.f32 [tilespmem:s3], [sflag:$0x1], $0x80, s12, s9, $0xb8;
	[tilespmem:$0x1E000] =	vst v63  }
0x99: {  	_ =	swait.ge [sflag:s7], $0x4000  }
0x9a: {  	s10 =	simm.s32 $0x400;
	s4 =	simm.s32 $0x200;
	[sflag:s7] =	ssyncset.done $0x0  }
.LBB2_8:
0x9b: {  	s11 =	sshra.s32 s4, $0x2  }
0x9c: {  	[sflag:s7] =	ssyncadd.s32 $0xFFFFC000;
	s4 =	smov.u32 s10;
	s12 =	sadd.s32 $0x200, s10  }
0x9d: {  	[tilespmem:s3], [sflag:$0x1] =	stream.indirect.gather [hbm4b:s1+s9], $0x80, s11, s9, $0xb8;
	[tilespmem:$0x1E000] =	vst v63  }
0x9e: {  	p1 =	sne.s32 s10, $0x9E00;
	_ =	swait.ge [sflag:s7], $0x4000  }
.Ltmp4:
0x9f: {  	[sflag:s7] =	ssyncset.done $0x0;
	(pc) =	sbr.rel @p1 .LBB2_8-.Ltmp4, $4  }
0xa0: {  	s10 =	sadd.s32 $0x2800, s11;
	[sflag:s7] =	ssyncadd.s32 $0xFFFFC000  }
0xa1: {  	[spmem:s2] =	stream.indirect.scatter.add.f32 [tilespmem:s3], [sflag:$0x1], $0x80, s10, s9, $0xb8;
	[tilespmem:$0x1E000] =	vst v63  }
0xa2: {  	_ =	swait.ge [sflag:s7], $0x4000  }
0xa3: {  	s10 =	smov.u32 s12;
	[sflag:s7] =	ssyncset.done $0x0  }
0xa4: {  	s4 =	sshra.s32 s4, $0x2;
	[sflag:s7] =	ssyncadd.s32 $0xFFFFC000  }
0xa5: {  	[tilespmem:s3], [sflag:$0x1] =	stream.indirect.gather [hbm4b:s1+s9], $0x80, s4, s9, $0xb8;
	[tilespmem:$0x1E000] =	vst v63  }
0xa6: {  	_ =	swait.ge [sflag:s7], $0x4000  }
0xa7: {  	[sflag:s7] =	ssyncset.done $0x0  }
.Ltmp5:
0xa8: {  	s4 =	sadd.s32 $0x2800, s4;
	[sflag:s7] =	ssyncadd.s32 $0xFFFFC000;
	(pc) =	sbr.rel .LBB2_10-.Ltmp5, $4  }
0xa9: {  	[spmem:s2] =	stream.indirect.scatter.add.f32 [tilespmem:s3], [sflag:$0x1], $0x80, s4, s9, $0xb8;
	[tilespmem:$0x1E000] =	vst v63  }
0xaa: {  	_ =	swait.ge [sflag:s7], $0x4000  }
0xab: {  	[sflag:s7] =	ssyncset.done $0x0  }
0xac: {  	[sflag:s7] =	ssyncadd.s32 $0xFFFFC000  }
.LBB2_4:
0xad: {  	s10 =	rddreg [dreg:$0x4]  }
0xae: {  	[tilespmem:s4], [sflag:$0x1] =	stream.linear.gather [hbm4b:s10+s4], $0x2800, $0x38;
	[tilespmem:$0x1E000] =	vst v63  }
0xaf: {  	_ =	swait.ge [sflag:s7], $0x2800  }
0xb0: {  	[sflag:s7] =	ssyncset.done $0x0  }
0xb1: {  	s11 =	simm.s32 $0x2800;
	s12 =	rddreg [dreg:$0x5];
	[sflag:s7] =	ssyncadd.s32 $0xFFFFD800  }
0xb2: {  	[tilespmem:s11], [sflag:$0x1] =	stream.linear.gather [hbm4b:s12+s4], $0x2800, $0x38;
	[tilespmem:$0x1E000] =	vst v63  }
0xb3: {  	_ =	swait.ge [sflag:s7], $0x2800  }
0xb4: {  	[sflag:s7] =	ssyncset.done $0x0  }
0xb5: {  	s11 =	simm.s32 $0x0;
	[sflag:s7] =	ssyncadd.s32 $0xFFFFD800  }
0xb6: {  	[tilespmem:s3], [sflag:$0x1] =	stream.indirect.gather [hbm4b:s1+s9], $0x80, s11, s9, $0xb8;
	[tilespmem:$0x1E000] =	vst v63  }
0xb7: {  	_ =	swait.ge [sflag:s7], $0x4000  }
0xb8: {  	[sflag:s7] =	ssyncset.done $0x0  }
0xb9: {  	s12 =	simm.s32 $0x2800;
	[sflag:s7] =	ssyncadd.s32 $0xFFFFC000  }
0xba: {  	[spmem:s2] =	stream.indirect.scatter.add.f32 [tilespmem:s3], [sflag:$0x1], $0x80, s12, s9, $0xb8;
	[tilespmem:$0x1E000] =	vst v63  }
0xbb: {  	_ =	swait.ge [sflag:s7], $0x4000  }
0xbc: {  	s10 =	simm.s32 $0x400;
	s4 =	simm.s32 $0x200;
	[sflag:s7] =	ssyncset.done $0x0  }
.LBB2_5:
0xbd: {  	s11 =	sshra.s32 s4, $0x2  }
0xbe: {  	[sflag:s7] =	ssyncadd.s32 $0xFFFFC000;
	s4 =	smov.u32 s10;
	s12 =	sadd.s32 $0x200, s10  }
0xbf: {  	[tilespmem:s3], [sflag:$0x1] =	stream.indirect.gather [hbm4b:s1+s9], $0x80, s11, s9, $0xb8;
	[tilespmem:$0x1E000] =	vst v63  }
0xc0: {  	p1 =	seq.s32 s10, $0x9E00;
	_ =	swait.ge [sflag:s7], $0x4000  }
.Ltmp6:
0xc1: {  	[sflag:s7] =	ssyncset.done $0x0;
	(pc) =	sbr.rel @!p1 .LBB2_5-.Ltmp6, $4  }
0xc2: {  	s10 =	sadd.s32 $0x2800, s11;
	[sflag:s7] =	ssyncadd.s32 $0xFFFFC000  }
0xc3: {  	[spmem:s2] =	stream.indirect.scatter.add.f32 [tilespmem:s3], [sflag:$0x1], $0x80, s10, s9, $0xb8;
	[tilespmem:$0x1E000] =	vst v63  }
0xc4: {  	_ =	swait.ge [sflag:s7], $0x4000  }
0xc5: {  	s10 =	smov.u32 s12;
	[sflag:s7] =	ssyncset.done $0x0  }
.Ltmp7:
0xc6: {  	_ = 	snop;
	(pc) =	sbr.rel .LBB2_6-.Ltmp7, $1  }
0xc7: {  	_ =	sdelay $0x3  }
.LBB2_11:
0xc8: {  	_ =	sfence.sel $0x180000  }
0xc9: {  	[bflag:$0x0] =	sbarrier.arrive $0xFFFF  }
0xca: {  	_ =	strace $0x9000004A  }
0xcb: {  	s0 =	stileid.u32;
	[bflag:$0x2] =	sbarrier.arrive $0xFFFF  }
0xcc: {  	p0 =	sne.s32 s0, $0x0;
	s0 =	rddreg [dreg:$0x3]  }
0xcd: {  	s0 =	sadd.s32 @!p0 $0x100000, s0  }
0xce: {  	[sflag:s0] =	ssyncadd.tile.s32 @!p0 $0x1;
	_ =	shalt  }
.Lfunc_end2:
_tile_overlayer_lowered:
.L_overlay_start_2:
0xcf: {  	(tag) =	ssettag $0x2  }
0xd0: {  	s0 =	rddreg [dreg:$0x0];
	s2 =	stileid.u32  }
0xd1: {  	s1 =	rddreg [dreg:$0x1];
	p0 =	sne.s32 s2, $0x0  }
0xd2: {  	s3 =	rddreg [dreg:$0x2];
	[bflag:$0x3] =	sbarrier.arrive $0xFFFF;
	s2 =	simm.s32 @!p0 $0x1C01  }
0xd3: {  	[timem:s3], [sflag:s2] =	dma.local @!p0 [hbm:s0], s1  }
0xd4: {  	s0 =	simm.s32 @!p0 $0x1  }
0xd5: {  	_ =	swait.ge @!p0 [sflag:s0], s1  }
0xd6: {  	s1 =	ssub.s32 @!p0 $0x0, s1;
	[sflag:s0] =	ssyncset.done @!p0 $0x0  }
0xd7: {  	[sflag:s0] =	ssyncadd.s32 @!p0 s1  }
0xd8: {  	[bflag:$0x3] =	sbarrier.arrive $0xFFFF  }
0xd9: {  	_ =	shalt  }

// kernel: kernel.18.cloned.1.call-start
scs
__scs_entry_jumppad:
0x0: {  	(pc) =	sbr.rel $0x88, $3  }
0x1: {  	(tag) =	ssettag $0x0;
	lr =	simm.s32 $0x1  }
0x2: {  	[smem:$0x3F97] =	sst lr;
	_ =	strace $0xD0000000  }
0x3: {  	_ = 	snop  }
0x4: {  	_ = 	snop  }
0x5: {  	_ = 	snop  }
0x6: {  	_ = 	snop  }
0x7: {  	_ = 	snop  }
__scs_overlays_trampoline_lowered:
0x8: {  	[smem:$0x3FA6] =	sst s0  }
0x9: {  	[smem:$0x3FA7] =	sst s1  }
0xa: {  	[smem:$0x3FA8] =	sst s2  }
0xb: {  	[smem:$0x3FA9] =	sst s3  }
0xc: {  	[smem:$0x3FAA] =	sst s4  }
0xd: {  	[smem:$0x3FAB] =	sst s5  }
0xe: {  	[smem:$0x3FAC] =	sst s6  }
0xf: {  	[smem:$0x3FAD] =	sst s7  }
0x10: {  	[smem:$0x3FAE] =	sst s8  }
0x11: {  	[smem:$0x3FAF] =	sst s9;
	s0 =	simm.s32 @!p0 $0x0  }
0x12: {  	s1 =	sld [smem:$0x3F95];
	s0 =	simm.s32 @p0 $0x1  }
0x13: {  	[smem:$0x3FB0] =	sst s0;
	s0 =	simm.s32 @!p1 $0x0  }
0x14: {  	s2 =	sld [smem:$0x3F94];
	s0 =	simm.s32 @p1 $0x1  }
0x15: {  	[smem:$0x3FB1] =	sst s0;
	s0 =	simm.s32 @!p2 $0x0  }
0x16: {  	s3 =	sld [smem:$0x3FDB];
	s0 =	simm.s32 @p2 $0x1  }
0x17: {  	s4 =	simm.s32 $0x1BF5;
	[smem:$0x3FB3] =	sst s0  }
0x18: {  	s0 =	sld [smem:$0x3F96];
	_ =	swait.ge [sflag:s4], $0x0  }
0x19: {  	s7 =	sld [smem:$0x3F97]  }
0x1a: {  	s8 =	sadd.s32 $0xFFFFE003, lr  }
0x1b: {  	s9 =	sadd.s32 $0xFFFFFEF7, lr;
	s5 =	simm.s32 $0xFFFFFFFF;
	p2 =	slt.u32 s8, $0xFFFFF086  }
0x1c: {  	p1 =	slt.u32 s9, $0xF7A;
	s5 =	simm.s32 @!p2 $0x0  }
0x1d: {  	s5 =	simm.s32 @p1 $0x1;
	p0 =	seq.s32 s7, s2  }
0x1e: {  	s7 =	smul.u32 @!p0 $0xF7A, s2;
	p2 =	seq.s32 @!p0 s5, $0x0  }
0x1f: {  	s9 =	smul.u32 $0xF7A, s1;
	s8 =	simm.s32 @!p0 $0x1BF5;
	p2 =	por !p2, p0  }
0x20: {  	[sflag:s8] =	ssyncset.s32 @!p0 $0xFFFFF086;
	s6 =	sadd.s32 @!p0 s3, s7;
	s7 =	simm.s32 @!p0 $0x108  }
0x21: {  	s3 =	sadd.s32 s3, s9;
	s6 =	sadd.s32 @!p0 $0x88, s6;
	s7 =	simm.s32 @p2 $0x1082  }
0x22: {  	[simem:s7], [sflag:s8] =	dma.local @!p0 [hbm:s6], $0xF7A  }
0x23: {  	s9 =	sor.u32 $0xD0000000, s2;
	s6 =	simm.s32 $0x108;
	_ =	swait.ge @!p0 [sflag:s8], $0x0  }
0x24: {  	s3 =	sadd.s32 $0x88, s3;
	s6 =	simm.s32 @!p1 $0x1082;
	[sflag:s4] =	ssyncset.s32 $0xFFFFF086  }
0x25: {  	[simem:s6], [sflag:s4] =	dma.local [hbm:s3], $0xF7A  }
0x26: {  	[smem:$0x3F97] =	sst s1;
	(tag) =	ssettag s2;
	_ =	strace s9  }
0x27: {  	s1 =	sld [smem:$0x3FA7]  }
0x28: {  	s2 =	sld [smem:$0x3FA8]  }
0x29: {  	s4 =	sld [smem:$0x3FAA]  }
0x2a: {  	p0 =	seq.s32 s5, $0x0;
	s5 =	sld [smem:$0x3FAB]  }
0x2b: {  	s6 =	sld [smem:$0x3FAC]  }
0x2c: {  	s7 =	sld [smem:$0x3FAD]  }
0x2d: {  	s3 =	simm.s32 $0x108;
	s8 =	sld [smem:$0x3FAE]  }
0x2e: {  	s3 =	simm.s32 @!p0 $0x1082;
	s9 =	sld [smem:$0x3FAF]  }
0x2f: {  	lr =	sadd.s32 s0, s3;
	s0 =	sld [smem:$0x3FA6]  }
0x30: {  	s3 =	sld [smem:$0x3FA9]  }
0x31: {  	[smem:$0x3FB2] =	sst s10  }
0x32: {  	s10 =	sld [smem:$0x3FB0];
	_ =	sdelay $0x3  }
0x33: {  	p0 =	seq.s32 s10, $0x1;
	s10 =	sld [smem:$0x3FB2];
	_ =	sdelay $0x3  }
0x34: {  	[smem:$0x3FB2] =	sst s10  }
0x35: {  	s10 =	sld [smem:$0x3FB1];
	_ =	sdelay $0x3  }
0x36: {  	p1 =	seq.s32 s10, $0x1;
	s10 =	sld [smem:$0x3FB2];
	_ =	sdelay $0x3  }
0x37: {  	[smem:$0x3FB2] =	sst s10  }
0x38: {  	s10 =	sld [smem:$0x3FB3]  }
0x39: {  	_ = 	snop;
	(pc) =	sbr.ind lr, $3  }
0x3a: {  	_ = 	snop  }
0x3b: {  	_ = 	snop  }
0x3c: {  	p2 =	seq.s32 s10, $0x1;
	s10 =	sld [smem:$0x3FB2]  }
0x3d: {  	_ =	shalt  }
0x3e: {  	_ =	shalt  }
0x3f: {  	_ =	shalt  }
0x40: {  	_ =	shalt  }
0x41: {  	_ =	shalt  }
0x42: {  	_ =	shalt  }
0x43: {  	_ =	shalt  }
0x44: {  	_ =	shalt  }
0x45: {  	_ =	shalt  }
0x46: {  	_ =	shalt  }
0x47: {  	_ =	shalt  }
0x48: {  	_ =	shalt  }
0x49: {  	_ =	shalt  }
0x4a: {  	_ =	shalt  }
0x4b: {  	_ =	shalt  }
0x4c: {  	_ =	shalt  }
0x4d: {  	_ =	shalt  }
0x4e: {  	_ =	shalt  }
0x4f: {  	_ =	shalt  }
0x50: {  	_ =	shalt  }
0x51: {  	_ =	shalt  }
0x52: {  	_ =	shalt  }
0x53: {  	_ =	shalt  }
0x54: {  	_ =	shalt  }
0x55: {  	_ =	shalt  }
0x56: {  	_ =	shalt  }
0x57: {  	_ =	shalt  }
0x58: {  	_ =	shalt  }
0x59: {  	_ =	shalt  }
0x5a: {  	_ =	shalt  }
0x5b: {  	_ =	shalt  }
0x5c: {  	_ =	shalt  }
0x5d: {  	_ =	shalt  }
0x5e: {  	_ =	shalt  }
0x5f: {  	_ =	shalt  }
0x60: {  	_ =	shalt  }
0x61: {  	_ =	shalt  }
0x62: {  	_ =	shalt  }
0x63: {  	_ =	shalt  }
0x64: {  	_ =	shalt  }
0x65: {  	_ =	shalt  }
0x66: {  	_ =	shalt  }
0x67: {  	_ =	shalt  }
0x68: {  	_ =	shalt  }
0x69: {  	_ =	shalt  }
0x6a: {  	_ =	shalt  }
0x6b: {  	_ =	shalt  }
0x6c: {  	_ =	shalt  }
0x6d: {  	_ =	shalt  }
0x6e: {  	_ =	shalt  }
0x6f: {  	_ =	shalt  }
0x70: {  	_ =	shalt  }
0x71: {  	_ =	shalt  }
0x72: {  	_ =	shalt  }
0x73: {  	_ =	shalt  }
0x74: {  	_ =	shalt  }
0x75: {  	_ =	shalt  }
0x76: {  	_ =	shalt  }
0x77: {  	_ =	shalt  }
0x78: {  	_ =	shalt  }
0x79: {  	_ =	shalt  }
0x7a: {  	_ =	shalt  }
0x7b: {  	_ =	shalt  }
0x7c: {  	_ =	shalt  }
0x7d: {  	_ =	shalt  }
0x7e: {  	_ =	shalt  }
0x7f: {  	_ =	shalt  }
0x80: {  	_ =	shalt  }
0x81: {  	_ =	shalt  }
0x82: {  	_ =	shalt  }
0x83: {  	_ =	shalt  }
0x84: {  	_ =	shalt  }
0x85: {  	_ =	shalt  }
0x86: {  	_ =	shalt  }
0x87: {  	_ =	shalt  }
.Lfunc_end0:
.L_simem_size_0:
called_computation.2_lowered:
.L_overlay_start_0:
0x88: {  	s2 =	sld [smem:$0x3FD9]  }
0x89: {  	s3 =	sld [smem:$0x3FFE];
	_ =	sdelay $0x1  }
0x8a: {  	s1 =	srdreg.scid  }
0x8b: {  	s0 =	sand.u32 $0x1, s1  }
0x8c: {  	s17 =	sshll.u32 s0, $0xA;
	s2 =	sadd.s32 s3, s2  }
0x8d: {  	s2 =	sadd.s32 s2, s17  }
0x8e: {  	[smem:$0x3FBE] =	sst s2  }
0x8f: {  	_ = 	snop  }
0x90: {  	s2 =	sld [smem:$0x3FD0];
	(tm) =	ssettm $0x1  }
0x91: {  	s18 =	sld [smem:$0x3FFB];
	_ =	sdelay $0x3  }
0x92: {  	_ =	strace s18  }
0x93: {  	s3 =	sld [smem:$0x3FFC];
	_ =	sdelay $0x3  }
0x94: {  	_ =	strace s3  }
0x95: {  	s3 =	sld [smem:$0x3FFD];
	_ =	sdelay $0x3  }
0x96: {  	_ =	strace s3  }
0x97: {  	_ =	strace $0x8FFFFFFF  }
0x98: {  	s19 =	sld [smem:$0x3FDB];
	_ =	sdelay $0x1  }
0x99: {  	s4 =	simm.s32 $_scs_section_size  }
0x9a: {  	s5 =	simm.s32 $_size__tile_overlayer_lowered;
	s6 =	simm.s32 $_tile_overlayer_lowered  }
0x9b: {  	s22 =	simm.s32 $0x1BFF;
	s21 =	sshll.u32 s6, $0x1;
	s3 =	sadd.s32 s4, s19  }
0x9c: {  	s7 =	simm.s32 $0x0;
	s20 =	sshll.u32 s5, $0x1;
	s5 =	sadd.s32 s21, s3  }
0x9d: {  	[timem:s7], [sflag:s22] =	dma.local [hbm:s5], s20  }
0x9e: {  	_ =	swait.ge [sflag:s22], s20  }
0x9f: {  	s4 =	ssub.s32 $0x0, s20;
	[sflag:s22] =	ssyncset.done $0x0  }
0xa0: {  	[sflag:s22] =	ssyncadd.s32 s4;
	_ =	sdelay $0x1  }
0xa1: {  	s23 =	simm.s32 $0x1B8B  }
0xa2: {  	_ =	swait.ge [sflag:s23], $0x1  }
0xa3: {  	[sflag:s23] =	ssyncset.done $0x0  }
0xa4: {  	s25 =	simm.s32 $0x1B8E;
	s24 =	sld [smem:$0x3FFE];
	[sflag:s23] =	ssyncadd.s32 $0xFFFFFFFF  }
0xa5: {  	s26 =	simm.s32 $execute0_lowered;
	[smem:$0x3FD2] =	sst s25  }
0xa6: {  	s5 =	sshll.u32 s26, $0x1;
	_ =	strace $0x8000004C;
	[dreg:$0x1] =	wrdreg $0xFFFFFFFF  }
0xa7: {  	s28 =	simm.s32 $_size_execute0_lowered;
	s3 =	sadd.s32 s3, s5;
	[dreg:$0x0] =	wrdreg $0x0  }
0xa8: {  	s5 =	sshll.u32 s28, $0x1;
	[dreg:$0x2] =	wrdreg s3  }
0xa9: {  	[dreg:$0x3] =	wrdreg s5  }
0xaa: {  	[dreg:$0x4] =	wrdreg $0xC0  }
0xab: {  	_ =	task [dreg:s7], $0x5FFFF  }
0xac: {  	[dreg:$0x1] =	wrdreg $0xFFFFFFFF  }
0xad: {  	[dreg:$0x0] =	wrdreg $0x60  }
0xae: {  	[dreg:$0x2] =	wrdreg s2  }
0xaf: {  	[dreg:$0x3] =	wrdreg s24  }
0xb0: {  	[dreg:$0x4] =	wrdreg $0x78000  }
0xb1: {  	[dreg:$0x5] =	wrdreg $0x9  }
0xb2: {  	_ =	task.clear_ibuf [dreg:s7], $0x6FFFF;
	_ =	strace $0x9000004C  }
0xb3: {  	s29 =	simm.s32 $0x9;
	_ =	strace $0x8000004E  }
0xb4: {  	_ =	swait.ge [sflag:s29], $0x1  }
0xb5: {  	[sflag:s29] =	ssyncadd.s32 $0xFFFFFFFF  }
0xb6: {  	_ =	strace $0x9000004E  }
0xb7: {  	_ =	sfence  }
0xb8: {  	s30 =	sld [smem:$0x0];
	_ =	sdelay $0x2  }
0xb9: {  	s31 =	sshll.u32 s1, $0xD;
	s1 =	sshrl.u32 s1, $0x2  }
0xba: {  	s3 =	sand.u32 $0x4000, s31;
	s1 =	sadd.s32 s1, s30  }
0xbb: {  	s0 =	sor.u32 s3, s0;
	s1 =	sshll.u32 s1, $0x11  }
0xbc: {  	s0 =	sor.u32 s1, s0  }
0xbd: {  	s0 =	sadd.s32 $0x8F2B, s0  }
0xbe: {  	[sflag:s0] =	ssyncadd.remote.s32 $0x1  }
0xbf: {  	_ =	sfence.sel $0xFFFF  }
0xc0: {  	[dreg:$0x0] =	wrdreg $0xFFFFFFFF;
	(pc) =	sbr.abs _section_cstart, $3  }
0xc1: {  	[dreg:$0x1] =	wrdreg $0xFFFFFFFF  }
0xc2: {  	_ =	task.clear_ibuf [dreg:s7], $0x2FFFF;
	_ =	strace $0x9FFFFFFF  }
0xc3: {  	(tm) =	ssettm $0x7FFFFFFF  }
tec
execute0_lowered:
.L_overlay_start_1:
0x0: {  	(tag) =	ssettag $0x1  }
0x1: {  	s1 =	rddreg [dreg:$0x0]  }
0x2: {  	s0 =	rddreg [dreg:$0x1];
	s12 =	stileid.u32  }
0x3: {  	s2 =	rddreg [dreg:$0x2];
	s6 =	smul.u32 $0xA000, s12  }
0x4: {  	s3 =	srdreg.scid;
	s8 =	smul.u32 $0x28000, s12  }
0x5: {  	s5 =	simm.s32 $0x0;
	s3 =	sand.u32 $0x1, s3;
	s10 =	smul.u32 $0x2800, s12  }
0x6: {  	[smem:$0x7FF] =	sst s5;
	s7 =	sadd.s32 $0x3000, s0;
	s24 =	smul.u32 $0x500, s12  }
0x7: {  	s11 =	sadd.s32 $0xD000, s0;
	s4 =	smul.u32 $0xA0000, s3;
	s21 =	ssub.s32 $0x2, s3  }
0x8: {  	_ =	strace $0x8000004D;
	p0 =	seq.s32 s3, $0x1;
	s9 =	sshrl.u32 s21, $0x1  }
0x9: {  	s23 =	sshrl.u32 s8, $0x2;
	s25 =	sshrl.u32 s10, $0x3;
	s10 =	sadd.s32 s7, s24  }
0xa: {  	s8 =	sadd.s32 s11, s24;
	s12 =	sadd.s32 s6, s2;
	s4 =	sadd.s32 s6, s4  }
0xb: {  	s22 =	ssub.s32 s21, s9;
	s5 =	sadd.s32 s23, s2;
	[dreg:$0x4] =	wrdreg s10  }
0xc: {  	s26 =	sadd.s32 $0x5000, s25;
	[dreg:$0x5] =	wrdreg s8;
	s6 =	simm.s32 $0x7000  }
0xd: {  	s9 =	simm.s32 $0x80;
	s8 =	simm.s32 $0x0;
	s4 =	sshrl.u32 s4, $0x3  }
0xe: {  	s7 =	sadd.s32 s7, s26;
	s3 =	sadd.s32 s11, s26;
	s25 =	smax.u32 s22, $0x1  }
0xf: {  	s26 =	sadd.s32 $0x800, s5;
	s13 =	sadd.s32 $0x1000, s5;
	s14 =	sadd.s32 $0x1800, s5  }
0x10: {  	s15 =	sadd.s32 $0x2000, s5;
	s16 =	sadd.s32 $0x2800, s5;
	s17 =	sadd.s32 $0x3000, s5  }
0x11: {  	s18 =	sadd.s32 $0x3800, s5;
	s19 =	sadd.s32 $0x4000, s5;
	s20 =	sadd.s32 $0x4800, s5  }
0x12: {  	s21 =	sadd.s32 $0x5000, s5;
	s22 =	sadd.s32 $0x5800, s5;
	s23 =	sadd.s32 $0x6000, s5  }
0x13: {  	s24 =	sadd.s32 $0x6800, s5;
	s28 =	sadd.s32 $0x7800, s5;
	[dreg:$0x6] =	wrdreg s7  }
.Ltmp0:
0x14: {  	s29 =	sadd.s32 $0x8000, s5;
	[dreg:$0x7] =	wrdreg s3;
	(pc) =	sbr.rel .LBB2_1-.Ltmp0, $4  }
0x15: {  	s30 =	sadd.s32 $0x8800, s5;
	s31 =	sadd.s32 $0x9000, s5;
	[dreg:$0x9] =	wrdreg s25  }
0x16: {  	s0 =	sadd.s32 s4, s0;
	[dreg:$0xa] =	wrdreg s26;
	s25 =	sshrl.u32 s12, $0x3  }
0x17: {  	s26 =	sadd.s32 $0x7000, s5;
	s7 =	simm.s32 $0x1;
	s0 =	sadd.s32 $0x17000, s0  }
0x18: {  	v0 =	vimm.f32 $0.0e+00;
	s3 =	simm.s32 $0x5000;
	[dreg:$0x8] =	wrdreg s0;
	s0 =	sadd.s32 $0x9800, s5  }
.LBB2_6:
0x19: {  	s4 =	sshra.s32 s4, $0x2;
	[sflag:s7] =	ssyncadd.s32 $0xFFFFE000  }
0x1a: {  	[tilespmem:s3], [sflag:$0x1] =	stream.indirect.gather [hbm4b:s1+s9], $0x40, s4, s9, $0xb8;
	[tilespmem:$0x11800] =	vst v63  }
0x1b: {  	_ =	swait.ge [sflag:s7], $0x2000  }
0x1c: {  	[sflag:s7] =	ssyncset.done $0x0  }
0x1d: {  	s4 =	sadd.s32 $0x2800, s4;
	[sflag:s7] =	ssyncadd.s32 $0xFFFFE000  }
0x1e: {  	[spmem:s2] =	stream.indirect.scatter.add.f32 [tilespmem:s3], [sflag:$0x1], $0x40, s4, s9, $0xb8;
	[tilespmem:$0x11800] =	vst v63  }
0x1f: {  	_ =	swait.ge [sflag:s7], $0x2000  }
0x20: {  	[sflag:s7] =	ssyncset.done $0x0  }
0x21: {  	[sflag:s7] =	ssyncadd.s32 $0xFFFFE000  }
.LBB2_10:
0x22: {  	s4 =	stileid.u32  }
0x23: {  	[bflag:$0x0] =	sbarrier.arrive $0xFFFF;
	s4 =	sshll.u32 s4, $0x6  }
0x24: {  	s10 =	rddreg [dreg:$0x8];
	s4 =	sor.u32 $0x1C01, s4  }
0x25: {  	[hbm:s10], [sflag:s4] =	dma.local [spmem:s25], $0x1400  }
0x26: {  	_ =	swait.ge [sflag:s7], $0x1400  }
0x27: {  	s8 =	sadd.s32 $0x1, s8;
	s12 =	rddreg [dreg:$0x9]  }
0x28: {  	p1 =	sne.s32 s8, s12  }
.Ltmp1:
0x29: {  	_ = 	snop;
	(pc) =	sbr.rel @!p1 .LBB2_11-.Ltmp1, $3  }
0x2a: {  	_ =	sdelay $0x1  }
0x2b: {  	[sflag:s7] =	ssyncset.done $0x0  }
0x2c: {  	[sflag:s7] =	ssyncadd.s32 $0xFFFFEC00  }
.LBB2_1:
0x2d: {  	s10 =	simm.s32 $0x0  }
0x2e: {  	s4 =	sand.u32 $0x1F00, s10  }
0x2f: {  	s10 =	sand.u32 $0x30, s10;
	s11 =	sshrl.u32 s4, $0x2  }
0x30: {  	s4 =	simm.s32 $0x40;
	s11 =	sor.u32 s10, s11;
	s10 =	simm.s32 $0x0  }
.LBB2_2:
0x31: {  	p1 =	sne.s32 s4, $0x1FC0  }
0x32: {  	[tilespmem:s11+$0x7000] =	vst v0;
	s10 =	sadd.s32 $0x10, s10;
	s11 =	smov.u32 s4;
	s4 =	sadd.s32 $0x40, s4  }
.Ltmp2:
0x33: {  	(pc) =	sbr.rel @p1 .LBB2_2-.Ltmp2, $4  }
0x34: {  	_ = 	snop  }
0x35: {  	s11 =	sand.u32 $0x1F00, s11  }
0x36: {  	s12 =	sand.u32 $0x30, s10;
	s11 =	sshrl.u32 s11, $0x2  }
0x37: {  	s11 =	sor.u32 s12, s11  }
0x38: {  	[tilespmem:s11+$0x7000] =	vst v0  }
0x39: {  	[spmem:s5] =	stream.linear.scatter [tilespmem:s6], [sflag:$0x1], $0x800, $0x38;
	[tilespmem:$0x11800] =	vst v63  }
0x3a: {  	_ =	swait.ge [sflag:s7], $0x800  }
0x3b: {  	[sflag:s7] =	ssyncset.done $0x0  }
0x3c: {  	s4 =	rddreg [dreg:$0xa];
	[sflag:s7] =	ssyncadd.s32 $0xFFFFF800  }
0x3d: {  	[spmem:s4] =	stream.linear.scatter [tilespmem:s6], [sflag:$0x1], $0x800, $0x38;
	[tilespmem:$0x11800] =	vst v63  }
0x3e: {  	_ =	swait.ge [sflag:s7], $0x800  }
0x3f: {  	[sflag:s7] =	ssyncset.done $0x0  }
0x40: {  	[sflag:s7] =	ssyncadd.s32 $0xFFFFF800  }
0x41: {  	[spmem:s13] =	stream.linear.scatter [tilespmem:s6], [sflag:$0x1], $0x800, $0x38;
	[tilespmem:$0x11800] =	vst v63  }
0x42: {  	_ =	swait.ge [sflag:s7], $0x800  }
0x43: {  	[sflag:s7] =	ssyncset.done $0x0  }
0x44: {  	[sflag:s7] =	ssyncadd.s32 $0xFFFFF800  }
0x45: {  	[spmem:s14] =	stream.linear.scatter [tilespmem:s6], [sflag:$0x1], $0x800, $0x38;
	[tilespmem:$0x11800] =	vst v63  }
0x46: {  	_ =	swait.ge [sflag:s7], $0x800  }
0x47: {  	[sflag:s7] =	ssyncset.done $0x0  }
0x48: {  	[sflag:s7] =	ssyncadd.s32 $0xFFFFF800  }
0x49: {  	[spmem:s15] =	stream.linear.scatter [tilespmem:s6], [sflag:$0x1], $0x800, $0x38;
	[tilespmem:$0x11800] =	vst v63  }
0x4a: {  	_ =	swait.ge [sflag:s7], $0x800  }
0x4b: {  	[sflag:s7] =	ssyncset.done $0x0  }
0x4c: {  	[sflag:s7] =	ssyncadd.s32 $0xFFFFF800  }
0x4d: {  	[spmem:s16] =	stream.linear.scatter [tilespmem:s6], [sflag:$0x1], $0x800, $0x38;
	[tilespmem:$0x11800] =	vst v63  }
0x4e: {  	_ =	swait.ge [sflag:s7], $0x800  }
0x4f: {  	[sflag:s7] =	ssyncset.done $0x0  }
0x50: {  	[sflag:s7] =	ssyncadd.s32 $0xFFFFF800  }
0x51: {  	[spmem:s17] =	stream.linear.scatter [tilespmem:s6], [sflag:$0x1], $0x800, $0x38;
	[tilespmem:$0x11800] =	vst v63  }
0x52: {  	_ =	swait.ge [sflag:s7], $0x800  }
0x53: {  	[sflag:s7] =	ssyncset.done $0x0  }
0x54: {  	[sflag:s7] =	ssyncadd.s32 $0xFFFFF800  }
0x55: {  	[spmem:s18] =	stream.linear.scatter [tilespmem:s6], [sflag:$0x1], $0x800, $0x38;
	[tilespmem:$0x11800] =	vst v63  }
0x56: {  	_ =	swait.ge [sflag:s7], $0x800  }
0x57: {  	[sflag:s7] =	ssyncset.done $0x0  }
0x58: {  	[sflag:s7] =	ssyncadd.s32 $0xFFFFF800  }
0x59: {  	[spmem:s19] =	stream.linear.scatter [tilespmem:s6], [sflag:$0x1], $0x800, $0x38;
	[tilespmem:$0x11800] =	vst v63  }
0x5a: {  	_ =	swait.ge [sflag:s7], $0x800  }
0x5b: {  	[sflag:s7] =	ssyncset.done $0x0  }
0x5c: {  	[sflag:s7] =	ssyncadd.s32 $0xFFFFF800  }
0x5d: {  	[spmem:s20] =	stream.linear.scatter [tilespmem:s6], [sflag:$0x1], $0x800, $0x38;
	[tilespmem:$0x11800] =	vst v63  }
0x5e: {  	_ =	swait.ge [sflag:s7], $0x800  }
0x5f: {  	[sflag:s7] =	ssyncset.done $0x0  }
0x60: {  	[sflag:s7] =	ssyncadd.s32 $0xFFFFF800  }
0x61: {  	[spmem:s21] =	stream.linear.scatter [tilespmem:s6], [sflag:$0x1], $0x800, $0x38;
	[tilespmem:$0x11800] =	vst v63  }
0x62: {  	_ =	swait.ge [sflag:s7], $0x800  }
0x63: {  	[sflag:s7] =	ssyncset.done $0x0  }
0x64: {  	[sflag:s7] =	ssyncadd.s32 $0xFFFFF800  }
0x65: {  	[spmem:s22] =	stream.linear.scatter [tilespmem:s6], [sflag:$0x1], $0x800, $0x38;
	[tilespmem:$0x11800] =	vst v63  }
0x66: {  	_ =	swait.ge [sflag:s7], $0x800  }
0x67: {  	[sflag:s7] =	ssyncset.done $0x0  }
0x68: {  	[sflag:s7] =	ssyncadd.s32 $0xFFFFF800  }
0x69: {  	[spmem:s23] =	stream.linear.scatter [tilespmem:s6], [sflag:$0x1], $0x800, $0x38;
	[tilespmem:$0x11800] =	vst v63  }
0x6a: {  	_ =	swait.ge [sflag:s7], $0x800  }
0x6b: {  	[sflag:s7] =	ssyncset.done $0x0  }
0x6c: {  	[sflag:s7] =	ssyncadd.s32 $0xFFFFF800  }
0x6d: {  	[spmem:s24] =	stream.linear.scatter [tilespmem:s6], [sflag:$0x1], $0x800, $0x38;
	[tilespmem:$0x11800] =	vst v63  }
0x6e: {  	_ =	swait.ge [sflag:s7], $0x800  }
0x6f: {  	[sflag:s7] =	ssyncset.done $0x0  }
0x70: {  	[sflag:s7] =	ssyncadd.s32 $0xFFFFF800  }
0x71: {  	[spmem:s26] =	stream.linear.scatter [tilespmem:s6], [sflag:$0x1], $0x800, $0x38;
	[tilespmem:$0x11800] =	vst v63  }
0x72: {  	_ =	swait.ge [sflag:s7], $0x800  }
0x73: {  	[sflag:s7] =	ssyncset.done $0x0  }
0x74: {  	[sflag:s7] =	ssyncadd.s32 $0xFFFFF800  }
0x75: {  	[spmem:s28] =	stream.linear.scatter [tilespmem:s6], [sflag:$0x1], $0x800, $0x38;
	[tilespmem:$0x11800] =	vst v63  }
0x76: {  	_ =	swait.ge [sflag:s7], $0x800  }
0x77: {  	[sflag:s7] =	ssyncset.done $0x0  }
0x78: {  	[sflag:s7] =	ssyncadd.s32 $0xFFFFF800  }
0x79: {  	[spmem:s29] =	stream.linear.scatter [tilespmem:s6], [sflag:$0x1], $0x800, $0x38;
	[tilespmem:$0x11800] =	vst v63  }
0x7a: {  	_ =	swait.ge [sflag:s7], $0x800  }
0x7b: {  	[sflag:s7] =	ssyncset.done $0x0  }
0x7c: {  	[sflag:s7] =	ssyncadd.s32 $0xFFFFF800  }
0x7d: {  	[spmem:s30] =	stream.linear.scatter [tilespmem:s6], [sflag:$0x1], $0x800, $0x38;
	[tilespmem:$0x11800] =	vst v63  }
0x7e: {  	_ =	swait.ge [sflag:s7], $0x800  }
0x7f: {  	[sflag:s7] =	ssyncset.done $0x0  }
0x80: {  	[sflag:s7] =	ssyncadd.s32 $0xFFFFF800  }
0x81: {  	[spmem:s31] =	stream.linear.scatter [tilespmem:s6], [sflag:$0x1], $0x800, $0x38;
	[tilespmem:$0x11800] =	vst v63  }
0x82: {  	_ =	swait.ge [sflag:s7], $0x800  }
0x83: {  	[sflag:s7] =	ssyncset.done $0x0  }
0x84: {  	[sflag:s7] =	ssyncadd.s32 $0xFFFFF800  }
0x85: {  	[spmem:s0] =	stream.linear.scatter [tilespmem:s6], [sflag:$0x1], $0x800, $0x38;
	[tilespmem:$0x11800] =	vst v63  }
.Ltmp3:
0x86: {  	_ =	swait.ge [sflag:s7], $0x800;
	(pc) =	sbr.rel @!p0 .LBB2_4-.Ltmp3, $4  }
0x87: {  	[sflag:s7] =	ssyncset.done $0x0  }
0x88: {  	[sflag:s7] =	ssyncadd.s32 $0xFFFFF800  }
0x89: {  	[bflag:$0x0] =	sbarrier.arrive $0xFFFF  }
0x8a: {  	s4 =	simm.s32 $0x0  }
0x8b: {  	s10 =	rddreg [dreg:$0x6]  }
0x8c: {  	[tilespmem:s4], [sflag:$0x1] =	stream.linear.gather [hbm4b:s10+s4], $0x2800, $0x38;
	[tilespmem:$0x11800] =	vst v63  }
0x8d: {  	_ =	swait.ge [sflag:s7], $0x2800  }
0x8e: {  	[sflag:s7] =	ssyncset.done $0x0  }
0x8f: {  	s11 =	simm.s32 $0x2800;
	s12 =	rddreg [dreg:$0x7];
	[sflag:s7] =	ssyncadd.s32 $0xFFFFD800  }
0x90: {  	[tilespmem:s11], [sflag:$0x1] =	stream.linear.gather [hbm4b:s12+s4], $0x2800, $0x38;
	[tilespmem:$0x11800] =	vst v63  }
0x91: {  	_ =	swait.ge [sflag:s7], $0x2800  }
0x92: {  	[sflag:s7] =	ssyncset.done $0x0  }
0x93: {  	s11 =	simm.s32 $0x0;
	[sflag:s7] =	ssyncadd.s32 $0xFFFFD800  }
0x94: {  	[tilespmem:s3], [sflag:$0x1] =	stream.indirect.gather [hbm4b:s1+s9], $0x40, s11, s9, $0xb8;
	[tilespmem:$0x11800] =	vst v63  }
0x95: {  	_ =	swait.ge [sflag:s7], $0x2000  }
0x96: {  	[sflag:s7] =	ssyncset.done $0x0  }
0x97: {  	s12 =	simm.s32 $0x2800;
	[sflag:s7] =	ssyncadd.s32 $0xFFFFE000  }
0x98: {  	[spmem:s2] =	stream.indirect.scatter.add.f32 [tilespmem:s3], [sflag:$0x1], $0x40, s12, s9, $0xb8;
	[tilespmem:$0x11800] =	vst v63  }
0x99: {  	_ =	swait.ge [sflag:s7], $0x2000  }
0x9a: {  	s10 =	simm.s32 $0x400;
	s4 =	simm.s32 $0x200;
	[sflag:s7] =	ssyncset.done $0x0  }
.LBB2_8:
0x9b: {  	s11 =	sshra.s32 s4, $0x2  }
0x9c: {  	[sflag:s7] =	ssyncadd.s32 $0xFFFFE000;
	s4 =	smov.u32 s10;
	s12 =	sadd.s32 $0x200, s10  }
0x9d: {  	[tilespmem:s3], [sflag:$0x1] =	stream.indirect.gather [hbm4b:s1+s9], $0x40, s11, s9, $0xb8;
	[tilespmem:$0x11800] =	vst v63  }
0x9e: {  	p1 =	sne.s32 s10, $0x9E00;
	_ =	swait.ge [sflag:s7], $0x2000  }
.Ltmp4:
0x9f: {  	[sflag:s7] =	ssyncset.done $0x0;
	(pc) =	sbr.rel @p1 .LBB2_8-.Ltmp4, $4  }
0xa0: {  	s10 =	sadd.s32 $0x2800, s11;
	[sflag:s7] =	ssyncadd.s32 $0xFFFFE000  }
0xa1: {  	[spmem:s2] =	stream.indirect.scatter.add.f32 [tilespmem:s3], [sflag:$0x1], $0x40, s10, s9, $0xb8;
	[tilespmem:$0x11800] =	vst v63  }
0xa2: {  	_ =	swait.ge [sflag:s7], $0x2000  }
0xa3: {  	s10 =	smov.u32 s12;
	[sflag:s7] =	ssyncset.done $0x0  }
0xa4: {  	s4 =	sshra.s32 s4, $0x2;
	[sflag:s7] =	ssyncadd.s32 $0xFFFFE000  }
0xa5: {  	[tilespmem:s3], [sflag:$0x1] =	stream.indirect.gather [hbm4b:s1+s9], $0x40, s4, s9, $0xb8;
	[tilespmem:$0x11800] =	vst v63  }
0xa6: {  	_ =	swait.ge [sflag:s7], $0x2000  }
0xa7: {  	[sflag:s7] =	ssyncset.done $0x0  }
.Ltmp5:
0xa8: {  	s4 =	sadd.s32 $0x2800, s4;
	[sflag:s7] =	ssyncadd.s32 $0xFFFFE000;
	(pc) =	sbr.rel .LBB2_10-.Ltmp5, $4  }
0xa9: {  	[spmem:s2] =	stream.indirect.scatter.add.f32 [tilespmem:s3], [sflag:$0x1], $0x40, s4, s9, $0xb8;
	[tilespmem:$0x11800] =	vst v63  }
0xaa: {  	_ =	swait.ge [sflag:s7], $0x2000  }
0xab: {  	[sflag:s7] =	ssyncset.done $0x0  }
0xac: {  	[sflag:s7] =	ssyncadd.s32 $0xFFFFE000  }
.LBB2_4:
0xad: {  	s10 =	rddreg [dreg:$0x4]  }
0xae: {  	[tilespmem:s4], [sflag:$0x1] =	stream.linear.gather [hbm4b:s10+s4], $0x2800, $0x38;
	[tilespmem:$0x11800] =	vst v63  }
0xaf: {  	_ =	swait.ge [sflag:s7], $0x2800  }
0xb0: {  	[sflag:s7] =	ssyncset.done $0x0  }
0xb1: {  	s11 =	simm.s32 $0x2800;
	s12 =	rddreg [dreg:$0x5];
	[sflag:s7] =	ssyncadd.s32 $0xFFFFD800  }
0xb2: {  	[tilespmem:s11], [sflag:$0x1] =	stream.linear.gather [hbm4b:s12+s4], $0x2800, $0x38;
	[tilespmem:$0x11800] =	vst v63  }
0xb3: {  	_ =	swait.ge [sflag:s7], $0x2800  }
0xb4: {  	[sflag:s7] =	ssyncset.done $0x0  }
0xb5: {  	s11 =	simm.s32 $0x0;
	[sflag:s7] =	ssyncadd.s32 $0xFFFFD800  }
0xb6: {  	[tilespmem:s3], [sflag:$0x1] =	stream.indirect.gather [hbm4b:s1+s9], $0x40, s11, s9, $0xb8;
	[tilespmem:$0x11800] =	vst v63  }
0xb7: {  	_ =	swait.ge [sflag:s7], $0x2000  }
0xb8: {  	[sflag:s7] =	ssyncset.done $0x0  }
0xb9: {  	s12 =	simm.s32 $0x2800;
	[sflag:s7] =	ssyncadd.s32 $0xFFFFE000  }
0xba: {  	[spmem:s2] =	stream.indirect.scatter.add.f32 [tilespmem:s3], [sflag:$0x1], $0x40, s12, s9, $0xb8;
	[tilespmem:$0x11800] =	vst v63  }
0xbb: {  	_ =	swait.ge [sflag:s7], $0x2000  }
0xbc: {  	s10 =	simm.s32 $0x400;
	s4 =	simm.s32 $0x200;
	[sflag:s7] =	ssyncset.done $0x0  }
.LBB2_5:
0xbd: {  	s11 =	sshra.s32 s4, $0x2  }
0xbe: {  	[sflag:s7] =	ssyncadd.s32 $0xFFFFE000;
	s4 =	smov.u32 s10;
	s12 =	sadd.s32 $0x200, s10  }
0xbf: {  	[tilespmem:s3], [sflag:$0x1] =	stream.indirect.gather [hbm4b:s1+s9], $0x40, s11, s9, $0xb8;
	[tilespmem:$0x11800] =	vst v63  }
0xc0: {  	p1 =	seq.s32 s10, $0x9E00;
	_ =	swait.ge [sflag:s7], $0x2000  }
.Ltmp6:
0xc1: {  	[sflag:s7] =	ssyncset.done $0x0;
	(pc) =	sbr.rel @!p1 .LBB2_5-.Ltmp6, $4  }
0xc2: {  	s10 =	sadd.s32 $0x2800, s11;
	[sflag:s7] =	ssyncadd.s32 $0xFFFFE000  }
0xc3: {  	[spmem:s2] =	stream.indirect.scatter.add.f32 [tilespmem:s3], [sflag:$0x1], $0x40, s10, s9, $0xb8;
	[tilespmem:$0x11800] =	vst v63  }
0xc4: {  	_ =	swait.ge [sflag:s7], $0x2000  }
0xc5: {  	s10 =	smov.u32 s12;
	[sflag:s7] =	ssyncset.done $0x0  }
.Ltmp7:
0xc6: {  	_ = 	snop;
	(pc) =	sbr.rel .LBB2_6-.Ltmp7, $1  }
0xc7: {  	_ =	sdelay $0x3  }
.LBB2_11:
0xc8: {  	_ =	sfence.sel $0x180000  }
0xc9: {  	[bflag:$0x0] =	sbarrier.arrive $0xFFFF  }
0xca: {  	_ =	strace $0x9000004D  }
0xcb: {  	s0 =	stileid.u32;
	[bflag:$0x2] =	sbarrier.arrive $0xFFFF  }
0xcc: {  	p0 =	sne.s32 s0, $0x0;
	s0 =	rddreg [dreg:$0x3]  }
0xcd: {  	s0 =	sadd.s32 @!p0 $0x100000, s0  }
0xce: {  	[sflag:s0] =	ssyncadd.tile.s32 @!p0 $0x1;
	_ =	shalt  }
.Lfunc_end2:
_tile_overlayer_lowered:
.L_overlay_start_2:
0xcf: {  	(tag) =	ssettag $0x2  }
0xd0: {  	s0 =	rddreg [dreg:$0x0];
	s2 =	stileid.u32  }
0xd1: {  	s1 =	rddreg [dreg:$0x1];
	p0 =	sne.s32 s2, $0x0  }
0xd2: {  	s3 =	rddreg [dreg:$0x2];
	[bflag:$0x3] =	sbarrier.arrive $0xFFFF;
	s2 =	simm.s32 @!p0 $0x1C01  }
0xd3: {  	[timem:s3], [sflag:s2] =	dma.local @!p0 [hbm:s0], s1  }
0xd4: {  	s0 =	simm.s32 @!p0 $0x1  }
0xd5: {  	_ =	swait.ge @!p0 [sflag:s0], s1  }
0xd6: {  	s1 =	ssub.s32 @!p0 $0x0, s1;
	[sflag:s0] =	ssyncset.done @!p0 $0x0  }
0xd7: {  	[sflag:s0] =	ssyncadd.s32 @!p0 s1  }
0xd8: {  	[bflag:$0x3] =	sbarrier.arrive $0xFFFF  }
0xd9: {  	_ =	shalt  }

// kernel: kernel.21.cloned.1.call-start
scs
__scs_entry_jumppad:
0x0: {  	(pc) =	sbr.rel $0x88, $3  }
0x1: {  	(tag) =	ssettag $0x0;
	lr =	simm.s32 $0x1  }
0x2: {  	[smem:$0x3F97] =	sst lr;
	_ =	strace $0xD0000000  }
0x3: {  	_ = 	snop  }
0x4: {  	_ = 	snop  }
0x5: {  	_ = 	snop  }
0x6: {  	_ = 	snop  }
0x7: {  	_ = 	snop  }
__scs_overlays_trampoline_lowered:
0x8: {  	[smem:$0x3FA6] =	sst s0  }
0x9: {  	[smem:$0x3FA7] =	sst s1  }
0xa: {  	[smem:$0x3FA8] =	sst s2  }
0xb: {  	[smem:$0x3FA9] =	sst s3  }
0xc: {  	[smem:$0x3FAA] =	sst s4  }
0xd: {  	[smem:$0x3FAB] =	sst s5  }
0xe: {  	[smem:$0x3FAC] =	sst s6  }
0xf: {  	[smem:$0x3FAD] =	sst s7  }
0x10: {  	[smem:$0x3FAE] =	sst s8  }
0x11: {  	[smem:$0x3FAF] =	sst s9;
	s0 =	simm.s32 @!p0 $0x0  }
0x12: {  	s1 =	sld [smem:$0x3F95];
	s0 =	simm.s32 @p0 $0x1  }
0x13: {  	[smem:$0x3FB0] =	sst s0;
	s0 =	simm.s32 @!p1 $0x0  }
0x14: {  	s2 =	sld [smem:$0x3F94];
	s0 =	simm.s32 @p1 $0x1  }
0x15: {  	[smem:$0x3FB1] =	sst s0;
	s0 =	simm.s32 @!p2 $0x0  }
0x16: {  	s3 =	sld [smem:$0x3FDB];
	s0 =	simm.s32 @p2 $0x1  }
0x17: {  	s4 =	simm.s32 $0x1BF5;
	[smem:$0x3FB3] =	sst s0  }
0x18: {  	s0 =	sld [smem:$0x3F96];
	_ =	swait.ge [sflag:s4], $0x0  }
0x19: {  	s7 =	sld [smem:$0x3F97]  }
0x1a: {  	s8 =	sadd.s32 $0xFFFFE003, lr  }
0x1b: {  	s9 =	sadd.s32 $0xFFFFFEF7, lr;
	s5 =	simm.s32 $0xFFFFFFFF;
	p2 =	slt.u32 s8, $0xFFFFF086  }
0x1c: {  	p1 =	slt.u32 s9, $0xF7A;
	s5 =	simm.s32 @!p2 $0x0  }
0x1d: {  	s5 =	simm.s32 @p1 $0x1;
	p0 =	seq.s32 s7, s2  }
0x1e: {  	s7 =	smul.u32 @!p0 $0xF7A, s2;
	p2 =	seq.s32 @!p0 s5, $0x0  }
0x1f: {  	s9 =	smul.u32 $0xF7A, s1;
	s8 =	simm.s32 @!p0 $0x1BF5;
	p2 =	por !p2, p0  }
0x20: {  	[sflag:s8] =	ssyncset.s32 @!p0 $0xFFFFF086;
	s6 =	sadd.s32 @!p0 s3, s7;
	s7 =	simm.s32 @!p0 $0x108  }
0x21: {  	s3 =	sadd.s32 s3, s9;
	s6 =	sadd.s32 @!p0 $0x88, s6;
	s7 =	simm.s32 @p2 $0x1082  }
0x22: {  	[simem:s7], [sflag:s8] =	dma.local @!p0 [hbm:s6], $0xF7A  }
0x23: {  	s9 =	sor.u32 $0xD0000000, s2;
	s6 =	simm.s32 $0x108;
	_ =	swait.ge @!p0 [sflag:s8], $0x0  }
0x24: {  	s3 =	sadd.s32 $0x88, s3;
	s6 =	simm.s32 @!p1 $0x1082;
	[sflag:s4] =	ssyncset.s32 $0xFFFFF086  }
0x25: {  	[simem:s6], [sflag:s4] =	dma.local [hbm:s3], $0xF7A  }
0x26: {  	[smem:$0x3F97] =	sst s1;
	(tag) =	ssettag s2;
	_ =	strace s9  }
0x27: {  	s1 =	sld [smem:$0x3FA7]  }
0x28: {  	s2 =	sld [smem:$0x3FA8]  }
0x29: {  	s4 =	sld [smem:$0x3FAA]  }
0x2a: {  	p0 =	seq.s32 s5, $0x0;
	s5 =	sld [smem:$0x3FAB]  }
0x2b: {  	s6 =	sld [smem:$0x3FAC]  }
0x2c: {  	s7 =	sld [smem:$0x3FAD]  }
0x2d: {  	s3 =	simm.s32 $0x108;
	s8 =	sld [smem:$0x3FAE]  }
0x2e: {  	s3 =	simm.s32 @!p0 $0x1082;
	s9 =	sld [smem:$0x3FAF]  }
0x2f: {  	lr =	sadd.s32 s0, s3;
	s0 =	sld [smem:$0x3FA6]  }
0x30: {  	s3 =	sld [smem:$0x3FA9]  }
0x31: {  	[smem:$0x3FB2] =	sst s10  }
0x32: {  	s10 =	sld [smem:$0x3FB0];
	_ =	sdelay $0x3  }
0x33: {  	p0 =	seq.s32 s10, $0x1;
	s10 =	sld [smem:$0x3FB2];
	_ =	sdelay $0x3  }
0x34: {  	[smem:$0x3FB2] =	sst s10  }
0x35: {  	s10 =	sld [smem:$0x3FB1];
	_ =	sdelay $0x3  }
0x36: {  	p1 =	seq.s32 s10, $0x1;
	s10 =	sld [smem:$0x3FB2];
	_ =	sdelay $0x3  }
0x37: {  	[smem:$0x3FB2] =	sst s10  }
0x38: {  	s10 =	sld [smem:$0x3FB3]  }
0x39: {  	_ = 	snop;
	(pc) =	sbr.ind lr, $3  }
0x3a: {  	_ = 	snop  }
0x3b: {  	_ = 	snop  }
0x3c: {  	p2 =	seq.s32 s10, $0x1;
	s10 =	sld [smem:$0x3FB2]  }
0x3d: {  	_ =	shalt  }
0x3e: {  	_ =	shalt  }
0x3f: {  	_ =	shalt  }
0x40: {  	_ =	shalt  }
0x41: {  	_ =	shalt  }
0x42: {  	_ =	shalt  }
0x43: {  	_ =	shalt  }
0x44: {  	_ =	shalt  }
0x45: {  	_ =	shalt  }
0x46: {  	_ =	shalt  }
0x47: {  	_ =	shalt  }
0x48: {  	_ =	shalt  }
0x49: {  	_ =	shalt  }
0x4a: {  	_ =	shalt  }
0x4b: {  	_ =	shalt  }
0x4c: {  	_ =	shalt  }
0x4d: {  	_ =	shalt  }
0x4e: {  	_ =	shalt  }
0x4f: {  	_ =	shalt  }
0x50: {  	_ =	shalt  }
0x51: {  	_ =	shalt  }
0x52: {  	_ =	shalt  }
0x53: {  	_ =	shalt  }
0x54: {  	_ =	shalt  }
0x55: {  	_ =	shalt  }
0x56: {  	_ =	shalt  }
0x57: {  	_ =	shalt  }
0x58: {  	_ =	shalt  }
0x59: {  	_ =	shalt  }
0x5a: {  	_ =	shalt  }
0x5b: {  	_ =	shalt  }
0x5c: {  	_ =	shalt  }
0x5d: {  	_ =	shalt  }
0x5e: {  	_ =	shalt  }
0x5f: {  	_ =	shalt  }
0x60: {  	_ =	shalt  }
0x61: {  	_ =	shalt  }
0x62: {  	_ =	shalt  }
0x63: {  	_ =	shalt  }
0x64: {  	_ =	shalt  }
0x65: {  	_ =	shalt  }
0x66: {  	_ =	shalt  }
0x67: {  	_ =	shalt  }
0x68: {  	_ =	shalt  }
0x69: {  	_ =	shalt  }
0x6a: {  	_ =	shalt  }
0x6b: {  	_ =	shalt  }
0x6c: {  	_ =	shalt  }
0x6d: {  	_ =	shalt  }
0x6e: {  	_ =	shalt  }
0x6f: {  	_ =	shalt  }
0x70: {  	_ =	shalt  }
0x71: {  	_ =	shalt  }
0x72: {  	_ =	shalt  }
0x73: {  	_ =	shalt  }
0x74: {  	_ =	shalt  }
0x75: {  	_ =	shalt  }
0x76: {  	_ =	shalt  }
0x77: {  	_ =	shalt  }
0x78: {  	_ =	shalt  }
0x79: {  	_ =	shalt  }
0x7a: {  	_ =	shalt  }
0x7b: {  	_ =	shalt  }
0x7c: {  	_ =	shalt  }
0x7d: {  	_ =	shalt  }
0x7e: {  	_ =	shalt  }
0x7f: {  	_ =	shalt  }
0x80: {  	_ =	shalt  }
0x81: {  	_ =	shalt  }
0x82: {  	_ =	shalt  }
0x83: {  	_ =	shalt  }
0x84: {  	_ =	shalt  }
0x85: {  	_ =	shalt  }
0x86: {  	_ =	shalt  }
0x87: {  	_ =	shalt  }
.Lfunc_end0:
.L_simem_size_0:
called_computation.3_lowered:
.L_overlay_start_0:
0x88: {  	s2 =	sld [smem:$0x3FD9]  }
0x89: {  	s3 =	sld [smem:$0x3FFE];
	_ =	sdelay $0x1  }
0x8a: {  	s1 =	srdreg.scid  }
0x8b: {  	s0 =	sand.u32 $0x1, s1  }
0x8c: {  	s17 =	sshll.u32 s0, $0xA;
	s2 =	sadd.s32 s3, s2  }
0x8d: {  	s2 =	sadd.s32 s2, s17  }
0x8e: {  	[smem:$0x3FBE] =	sst s2  }
0x8f: {  	_ = 	snop  }
0x90: {  	s2 =	sld [smem:$0x3FD0];
	(tm) =	ssettm $0x1  }
0x91: {  	s18 =	sld [smem:$0x3FFB];
	_ =	sdelay $0x3  }
0x92: {  	_ =	strace s18  }
0x93: {  	s3 =	sld [smem:$0x3FFC];
	_ =	sdelay $0x3  }
0x94: {  	_ =	strace s3  }
0x95: {  	s3 =	sld [smem:$0x3FFD];
	_ =	sdelay $0x3  }
0x96: {  	_ =	strace s3  }
0x97: {  	_ =	strace $0x8FFFFFFF  }
0x98: {  	s19 =	sld [smem:$0x3FDB];
	_ =	sdelay $0x1  }
0x99: {  	s4 =	simm.s32 $_scs_section_size  }
0x9a: {  	s5 =	simm.s32 $_size__tile_overlayer_lowered;
	s6 =	simm.s32 $_tile_overlayer_lowered  }
0x9b: {  	s22 =	simm.s32 $0x1BFF;
	s21 =	sshll.u32 s6, $0x1;
	s3 =	sadd.s32 s4, s19  }
0x9c: {  	s7 =	simm.s32 $0x0;
	s20 =	sshll.u32 s5, $0x1;
	s5 =	sadd.s32 s21, s3  }
0x9d: {  	[timem:s7], [sflag:s22] =	dma.local [hbm:s5], s20  }
0x9e: {  	_ =	swait.ge [sflag:s22], s20  }
0x9f: {  	s4 =	ssub.s32 $0x0, s20;
	[sflag:s22] =	ssyncset.done $0x0  }
0xa0: {  	[sflag:s22] =	ssyncadd.s32 s4;
	_ =	sdelay $0x1  }
0xa1: {  	s23 =	simm.s32 $0x1B8B  }
0xa2: {  	_ =	swait.ge [sflag:s23], $0x1  }
0xa3: {  	[sflag:s23] =	ssyncset.done $0x0  }
0xa4: {  	s25 =	simm.s32 $0x1B8E;
	s24 =	sld [smem:$0x3FFE];
	[sflag:s23] =	ssyncadd.s32 $0xFFFFFFFF  }
0xa5: {  	s26 =	simm.s32 $execute0_lowered;
	[smem:$0x3FD2] =	sst s25  }
0xa6: {  	s5 =	sshll.u32 s26, $0x1;
	_ =	strace $0x8000004F;
	[dreg:$0x1] =	wrdreg $0xFFFFFFFF  }
0xa7: {  	s28 =	simm.s32 $_size_execute0_lowered;
	s3 =	sadd.s32 s3, s5;
	[dreg:$0x0] =	wrdreg $0x0  }
0xa8: {  	s5 =	sshll.u32 s28, $0x1;
	[dreg:$0x2] =	wrdreg s3  }
0xa9: {  	[dreg:$0x3] =	wrdreg s5  }
0xaa: {  	[dreg:$0x4] =	wrdreg $0xC0  }
0xab: {  	_ =	task [dreg:s7], $0x5FFFF  }
0xac: {  	[dreg:$0x1] =	wrdreg $0xFFFFFFFF  }
0xad: {  	[dreg:$0x0] =	wrdreg $0x60  }
0xae: {  	[dreg:$0x2] =	wrdreg s24  }
0xaf: {  	[dreg:$0x3] =	wrdreg s2  }
0xb0: {  	[dreg:$0x4] =	wrdreg $0x5A000  }
0xb1: {  	[dreg:$0x5] =	wrdreg $0x9  }
0xb2: {  	_ =	task.clear_ibuf [dreg:s7], $0x6FFFF;
	_ =	strace $0x9000004F  }
0xb3: {  	s29 =	simm.s32 $0x9;
	_ =	strace $0x80000051  }
0xb4: {  	_ =	swait.ge [sflag:s29], $0x1  }
0xb5: {  	[sflag:s29] =	ssyncadd.s32 $0xFFFFFFFF  }
0xb6: {  	_ =	strace $0x90000051  }
0xb7: {  	_ =	sfence  }
0xb8: {  	s30 =	sld [smem:$0x0];
	_ =	sdelay $0x2  }
0xb9: {  	s31 =	sshll.u32 s1, $0xD;
	s1 =	sshrl.u32 s1, $0x2  }
0xba: {  	s3 =	sand.u32 $0x4000, s31;
	s1 =	sadd.s32 s1, s30  }
0xbb: {  	s0 =	sor.u32 s3, s0;
	s1 =	sshll.u32 s1, $0x11  }
0xbc: {  	s0 =	sor.u32 s1, s0  }
0xbd: {  	s0 =	sadd.s32 $0x8F2B, s0  }
0xbe: {  	[sflag:s0] =	ssyncadd.remote.s32 $0x1  }
0xbf: {  	_ =	sfence.sel $0xFFFF  }
0xc0: {  	[dreg:$0x0] =	wrdreg $0xFFFFFFFF;
	(pc) =	sbr.abs _section_cstart, $3  }
0xc1: {  	[dreg:$0x1] =	wrdreg $0xFFFFFFFF  }
0xc2: {  	_ =	task.clear_ibuf [dreg:s7], $0x2FFFF;
	_ =	strace $0x9FFFFFFF  }
0xc3: {  	(tm) =	ssettm $0x7FFFFFFF  }
tec
execute0_lowered:
.L_overlay_start_1:
0x0: {  	(tag) =	ssettag $0x1  }
0x1: {  	s0 =	rddreg [dreg:$0x0]  }
0x2: {  	s2 =	rddreg [dreg:$0x1]  }
0x3: {  	s1 =	rddreg [dreg:$0x2]  }
0x4: {  	s3 =	simm.s32 $0x0;
	s10 =	stileid.u32;
	s5 =	srdreg.scid  }
0x5: {  	[smem:$0x7FF] =	sst s3;
	s6 =	smul.u32 $0xA000, s10  }
0x6: {  	s4 =	sadd.s32 $0x17000, s0;
	s7 =	sadd.s32 $0x3000, s0;
	s9 =	smul.u32 $0x500, s10  }
0x7: {  	s8 =	sand.u32 $0x1, s5;
	s0 =	sadd.s32 $0xD000, s0;
	s10 =	smul.u32 $0x2800, s10  }
0x8: {  	_ =	strace $0x80000050;
	s5 =	ssub.s32 $0x2, s8;
	s12 =	smul.u32 $0x28000, s8  }
0x9: {  	p0 =	seq.s32 s8, $0x1;
	s11 =	sshrl.u32 s5, $0x1;
	s6 =	sshrl.u32 s6, $0x2  }
0xa: {  	s24 =	sadd.s32 s7, s9;
	s25 =	sshrl.u32 s10, $0x3;
	s9 =	sadd.s32 s0, s9  }
0xb: {  	s11 =	ssub.s32 s5, s11;
	s5 =	sadd.s32 s6, s1;
	[dreg:$0x4] =	wrdreg s24  }
0xc: {  	s26 =	sadd.s32 s10, s12;
	[dreg:$0x5] =	wrdreg s9;
	s6 =	sadd.s32 $0x5000, s25  }
0xd: {  	s12 =	sadd.s32 s10, s1;
	s8 =	sshrl.u32 s26, $0x3;
	s7 =	sadd.s32 s7, s6  }
0xe: {  	s0 =	sadd.s32 s0, s6;
	s25 =	smax.u32 s11, $0x1;
	s26 =	sadd.s32 $0x200, s5  }
0xf: {  	s13 =	sadd.s32 $0x400, s5;
	s14 =	sadd.s32 $0x600, s5;
	s15 =	sadd.s32 $0x800, s5  }
0x10: {  	s16 =	sadd.s32 $0xA00, s5;
	s17 =	sadd.s32 $0xC00, s5;
	s18 =	sadd.s32 $0xE00, s5  }
0x11: {  	s19 =	sadd.s32 $0x1000, s5;
	s20 =	sadd.s32 $0x1200, s5;
	s21 =	sadd.s32 $0x1400, s5  }
0x12: {  	s22 =	sadd.s32 $0x1600, s5;
	s23 =	sadd.s32 $0x1800, s5;
	s24 =	sadd.s32 $0x1A00, s5  }
0x13: {  	s28 =	sadd.s32 $0x1E00, s5;
	s29 =	sadd.s32 $0x2000, s5;
	[dreg:$0x6] =	wrdreg s7  }
.Ltmp0:
0x14: {  	s30 =	sadd.s32 $0x2200, s5;
	[dreg:$0x7] =	wrdreg s0;
	(pc) =	sbr.rel .LBB2_1-.Ltmp0, $4  }
0x15: {  	s31 =	sadd.s32 $0x2400, s5;
	s6 =	simm.s32 $0x5800;
	[dreg:$0x9] =	wrdreg s25  }
0x16: {  	s9 =	sadd.s32 s2, s8;
	[dreg:$0xa] =	wrdreg s26;
	s25 =	sshrl.u32 s12, $0x3  }
0x17: {  	s26 =	sadd.s32 $0x1C00, s5;
	s0 =	sadd.s32 $0x2600, s5;
	s7 =	simm.s32 $0x1  }
0x18: {  	v0 =	vimm.f32 $0.0e+00;
	s2 =	simm.s32 $0x80;
	[dreg:$0x8] =	wrdreg s9;
	s9 =	simm.s32 $0x5000  }
.LBB2_7:
0x19: {  	s8 =	sshra.s32 s8, $0x2;
	[sflag:s7] =	ssyncadd.s32 $0xFFFFF800  }
0x1a: {  	[tilespmem:s9], [sflag:$0x1] =	stream.indirect.gather [hbm4b:s4+s2], $0x10, s8, s2, $0xb8;
	[tilespmem:$0x8200] =	vst v63  }
0x1b: {  	_ =	swait.ge [sflag:s7], $0x800  }
0x1c: {  	[sflag:s7] =	ssyncset.done $0x0  }
0x1d: {  	s8 =	sadd.s32 $0x2800, s8;
	[sflag:s7] =	ssyncadd.s32 $0xFFFFF800  }
0x1e: {  	[spmem:s1] =	stream.indirect.scatter.add.f32 [tilespmem:s9], [sflag:$0x1], $0x10, s8, s2, $0xb8;
	[tilespmem:$0x8200] =	vst v63  }
0x1f: {  	_ =	swait.ge [sflag:s7], $0x800  }
0x20: {  	[sflag:s7] =	ssyncset.done $0x0  }
0x21: {  	[sflag:s7] =	ssyncadd.s32 $0xFFFFF800  }
.LBB2_8:
0x22: {  	s8 =	stileid.u32  }
0x23: {  	[bflag:$0x0] =	sbarrier.arrive $0xFFFF;
	s8 =	sshll.u32 s8, $0x6  }
0x24: {  	s10 =	rddreg [dreg:$0x8];
	s8 =	sor.u32 $0x1C01, s8  }
0x25: {  	[hbm:s10], [sflag:s8] =	dma.local [spmem:s25], $0x500  }
0x26: {  	_ =	swait.ge [sflag:s7], $0x500  }
0x27: {  	s3 =	sadd.s32 $0x1, s3;
	s12 =	rddreg [dreg:$0x9]  }
0x28: {  	p1 =	sne.s32 s3, s12  }
.Ltmp1:
0x29: {  	_ = 	snop;
	(pc) =	sbr.rel @!p1 .LBB2_9-.Ltmp1, $3  }
0x2a: {  	_ =	sdelay $0x1  }
0x2b: {  	[sflag:s7] =	ssyncset.done $0x0  }
0x2c: {  	[sflag:s7] =	ssyncadd.s32 $0xFFFFFB00  }
.LBB2_1:
0x2d: {  	[tilespmem:$0x5800] =	vst v0  }
0x2e: {  	[tilespmem:$0x5810] =	vst v0  }
0x2f: {  	[tilespmem:$0x5820] =	vst v0  }
0x30: {  	[tilespmem:$0x5830] =	vst v0  }
0x31: {  	[tilespmem:$0x5840] =	vst v0  }
0x32: {  	[tilespmem:$0x5850] =	vst v0  }
0x33: {  	[tilespmem:$0x5860] =	vst v0  }
0x34: {  	[tilespmem:$0x5870] =	vst v0  }
0x35: {  	[tilespmem:$0x5880] =	vst v0  }
0x36: {  	[tilespmem:$0x5890] =	vst v0  }
0x37: {  	[tilespmem:$0x58A0] =	vst v0  }
0x38: {  	[tilespmem:$0x58B0] =	vst v0  }
0x39: {  	[tilespmem:$0x58C0] =	vst v0  }
0x3a: {  	[tilespmem:$0x58D0] =	vst v0  }
0x3b: {  	[tilespmem:$0x58E0] =	vst v0  }
0x3c: {  	[tilespmem:$0x58F0] =	vst v0  }
0x3d: {  	[tilespmem:$0x5900] =	vst v0  }
0x3e: {  	[tilespmem:$0x5910] =	vst v0  }
0x3f: {  	[tilespmem:$0x5920] =	vst v0  }
0x40: {  	[tilespmem:$0x5930] =	vst v0  }
0x41: {  	[tilespmem:$0x5940] =	vst v0  }
0x42: {  	[tilespmem:$0x5950] =	vst v0  }
0x43: {  	[tilespmem:$0x5960] =	vst v0  }
0x44: {  	[tilespmem:$0x5970] =	vst v0  }
0x45: {  	[tilespmem:$0x5980] =	vst v0  }
0x46: {  	[tilespmem:$0x5990] =	vst v0  }
0x47: {  	[tilespmem:$0x59A0] =	vst v0  }
0x48: {  	[tilespmem:$0x59B0] =	vst v0  }
0x49: {  	[tilespmem:$0x59C0] =	vst v0  }
0x4a: {  	[tilespmem:$0x59D0] =	vst v0  }
0x4b: {  	[tilespmem:$0x59E0] =	vst v0  }
0x4c: {  	[tilespmem:$0x59F0] =	vst v0  }
0x4d: {  	[spmem:s5] =	stream.linear.scatter [tilespmem:s6], [sflag:$0x1], $0x200, $0x38;
	[tilespmem:$0x8200] =	vst v63  }
0x4e: {  	_ =	swait.ge [sflag:s7], $0x200  }
0x4f: {  	[sflag:s7] =	ssyncset.done $0x0  }
0x50: {  	s8 =	rddreg [dreg:$0xa];
	[sflag:s7] =	ssyncadd.s32 $0xFFFFFE00  }
0x51: {  	[spmem:s8] =	stream.linear.scatter [tilespmem:s6], [sflag:$0x1], $0x200, $0x38;
	[tilespmem:$0x8200] =	vst v63  }
0x52: {  	_ =	swait.ge [sflag:s7], $0x200  }
0x53: {  	[sflag:s7] =	ssyncset.done $0x0  }
0x54: {  	[sflag:s7] =	ssyncadd.s32 $0xFFFFFE00  }
0x55: {  	[spmem:s13] =	stream.linear.scatter [tilespmem:s6], [sflag:$0x1], $0x200, $0x38;
	[tilespmem:$0x8200] =	vst v63  }
0x56: {  	_ =	swait.ge [sflag:s7], $0x200  }
0x57: {  	[sflag:s7] =	ssyncset.done $0x0  }
0x58: {  	[sflag:s7] =	ssyncadd.s32 $0xFFFFFE00  }
0x59: {  	[spmem:s14] =	stream.linear.scatter [tilespmem:s6], [sflag:$0x1], $0x200, $0x38;
	[tilespmem:$0x8200] =	vst v63  }
0x5a: {  	_ =	swait.ge [sflag:s7], $0x200  }
0x5b: {  	[sflag:s7] =	ssyncset.done $0x0  }
0x5c: {  	[sflag:s7] =	ssyncadd.s32 $0xFFFFFE00  }
0x5d: {  	[spmem:s15] =	stream.linear.scatter [tilespmem:s6], [sflag:$0x1], $0x200, $0x38;
	[tilespmem:$0x8200] =	vst v63  }
0x5e: {  	_ =	swait.ge [sflag:s7], $0x200  }
0x5f: {  	[sflag:s7] =	ssyncset.done $0x0  }
0x60: {  	[sflag:s7] =	ssyncadd.s32 $0xFFFFFE00  }
0x61: {  	[spmem:s16] =	stream.linear.scatter [tilespmem:s6], [sflag:$0x1], $0x200, $0x38;
	[tilespmem:$0x8200] =	vst v63  }
0x62: {  	_ =	swait.ge [sflag:s7], $0x200  }
0x63: {  	[sflag:s7] =	ssyncset.done $0x0  }
0x64: {  	[sflag:s7] =	ssyncadd.s32 $0xFFFFFE00  }
0x65: {  	[spmem:s17] =	stream.linear.scatter [tilespmem:s6], [sflag:$0x1], $0x200, $0x38;
	[tilespmem:$0x8200] =	vst v63  }
0x66: {  	_ =	swait.ge [sflag:s7], $0x200  }
0x67: {  	[sflag:s7] =	ssyncset.done $0x0  }
0x68: {  	[sflag:s7] =	ssyncadd.s32 $0xFFFFFE00  }
0x69: {  	[spmem:s18] =	stream.linear.scatter [tilespmem:s6], [sflag:$0x1], $0x200, $0x38;
	[tilespmem:$0x8200] =	vst v63  }
0x6a: {  	_ =	swait.ge [sflag:s7], $0x200  }
0x6b: {  	[sflag:s7] =	ssyncset.done $0x0  }
0x6c: {  	[sflag:s7] =	ssyncadd.s32 $0xFFFFFE00  }
0x6d: {  	[spmem:s19] =	stream.linear.scatter [tilespmem:s6], [sflag:$0x1], $0x200, $0x38;
	[tilespmem:$0x8200] =	vst v63  }
0x6e: {  	_ =	swait.ge [sflag:s7], $0x200  }
0x6f: {  	[sflag:s7] =	ssyncset.done $0x0  }
0x70: {  	[sflag:s7] =	ssyncadd.s32 $0xFFFFFE00  }
0x71: {  	[spmem:s20] =	stream.linear.scatter [tilespmem:s6], [sflag:$0x1], $0x200, $0x38;
	[tilespmem:$0x8200] =	vst v63  }
0x72: {  	_ =	swait.ge [sflag:s7], $0x200  }
0x73: {  	[sflag:s7] =	ssyncset.done $0x0  }
0x74: {  	[sflag:s7] =	ssyncadd.s32 $0xFFFFFE00  }
0x75: {  	[spmem:s21] =	stream.linear.scatter [tilespmem:s6], [sflag:$0x1], $0x200, $0x38;
	[tilespmem:$0x8200] =	vst v63  }
0x76: {  	_ =	swait.ge [sflag:s7], $0x200  }
0x77: {  	[sflag:s7] =	ssyncset.done $0x0  }
0x78: {  	[sflag:s7] =	ssyncadd.s32 $0xFFFFFE00  }
0x79: {  	[spmem:s22] =	stream.linear.scatter [tilespmem:s6], [sflag:$0x1], $0x200, $0x38;
	[tilespmem:$0x8200] =	vst v63  }
0x7a: {  	_ =	swait.ge [sflag:s7], $0x200  }
0x7b: {  	[sflag:s7] =	ssyncset.done $0x0  }
0x7c: {  	[sflag:s7] =	ssyncadd.s32 $0xFFFFFE00  }
0x7d: {  	[spmem:s23] =	stream.linear.scatter [tilespmem:s6], [sflag:$0x1], $0x200, $0x38;
	[tilespmem:$0x8200] =	vst v63  }
0x7e: {  	_ =	swait.ge [sflag:s7], $0x200  }
0x7f: {  	[sflag:s7] =	ssyncset.done $0x0  }
0x80: {  	[sflag:s7] =	ssyncadd.s32 $0xFFFFFE00  }
0x81: {  	[spmem:s24] =	stream.linear.scatter [tilespmem:s6], [sflag:$0x1], $0x200, $0x38;
	[tilespmem:$0x8200] =	vst v63  }
0x82: {  	_ =	swait.ge [sflag:s7], $0x200  }
0x83: {  	[sflag:s7] =	ssyncset.done $0x0  }
0x84: {  	[sflag:s7] =	ssyncadd.s32 $0xFFFFFE00  }
0x85: {  	[spmem:s26] =	stream.linear.scatter [tilespmem:s6], [sflag:$0x1], $0x200, $0x38;
	[tilespmem:$0x8200] =	vst v63  }
0x86: {  	_ =	swait.ge [sflag:s7], $0x200  }
0x87: {  	[sflag:s7] =	ssyncset.done $0x0  }
0x88: {  	[sflag:s7] =	ssyncadd.s32 $0xFFFFFE00  }
0x89: {  	[spmem:s28] =	stream.linear.scatter [tilespmem:s6], [sflag:$0x1], $0x200, $0x38;
	[tilespmem:$0x8200] =	vst v63  }
0x8a: {  	_ =	swait.ge [sflag:s7], $0x200  }
0x8b: {  	[sflag:s7] =	ssyncset.done $0x0  }
0x8c: {  	[sflag:s7] =	ssyncadd.s32 $0xFFFFFE00  }
0x8d: {  	[spmem:s29] =	stream.linear.scatter [tilespmem:s6], [sflag:$0x1], $0x200, $0x38;
	[tilespmem:$0x8200] =	vst v63  }
0x8e: {  	_ =	swait.ge [sflag:s7], $0x200  }
0x8f: {  	[sflag:s7] =	ssyncset.done $0x0  }
0x90: {  	[sflag:s7] =	ssyncadd.s32 $0xFFFFFE00  }
0x91: {  	[spmem:s30] =	stream.linear.scatter [tilespmem:s6], [sflag:$0x1], $0x200, $0x38;
	[tilespmem:$0x8200] =	vst v63  }
0x92: {  	_ =	swait.ge [sflag:s7], $0x200  }
0x93: {  	[sflag:s7] =	ssyncset.done $0x0  }
0x94: {  	[sflag:s7] =	ssyncadd.s32 $0xFFFFFE00  }
0x95: {  	[spmem:s31] =	stream.linear.scatter [tilespmem:s6], [sflag:$0x1], $0x200, $0x38;
	[tilespmem:$0x8200] =	vst v63  }
0x96: {  	_ =	swait.ge [sflag:s7], $0x200  }
0x97: {  	[sflag:s7] =	ssyncset.done $0x0  }
0x98: {  	[sflag:s7] =	ssyncadd.s32 $0xFFFFFE00  }
0x99: {  	[spmem:s0] =	stream.linear.scatter [tilespmem:s6], [sflag:$0x1], $0x200, $0x38;
	[tilespmem:$0x8200] =	vst v63  }
.Ltmp2:
0x9a: {  	_ =	swait.ge [sflag:s7], $0x200;
	(pc) =	sbr.rel @!p0 .LBB2_2-.Ltmp2, $4  }
0x9b: {  	[sflag:s7] =	ssyncset.done $0x0  }
0x9c: {  	[sflag:s7] =	ssyncadd.s32 $0xFFFFFE00  }
0x9d: {  	[bflag:$0x0] =	sbarrier.arrive $0xFFFF  }
0x9e: {  	s8 =	simm.s32 $0x0  }
0x9f: {  	s10 =	rddreg [dreg:$0x6]  }
0xa0: {  	[tilespmem:s8], [sflag:$0x1] =	stream.linear.gather [hbm4b:s10+s8], $0x2800, $0x38;
	[tilespmem:$0x8200] =	vst v63  }
0xa1: {  	_ =	swait.ge [sflag:s7], $0x2800  }
0xa2: {  	[sflag:s7] =	ssyncset.done $0x0  }
0xa3: {  	s11 =	simm.s32 $0x2800;
	s12 =	rddreg [dreg:$0x7];
	[sflag:s7] =	ssyncadd.s32 $0xFFFFD800  }
0xa4: {  	[tilespmem:s11], [sflag:$0x1] =	stream.linear.gather [hbm4b:s12+s8], $0x2800, $0x38;
	[tilespmem:$0x8200] =	vst v63  }
0xa5: {  	_ =	swait.ge [sflag:s7], $0x2800  }
0xa6: {  	[sflag:s7] =	ssyncset.done $0x0  }
0xa7: {  	s11 =	simm.s32 $0x0;
	[sflag:s7] =	ssyncadd.s32 $0xFFFFD800  }
0xa8: {  	[tilespmem:s9], [sflag:$0x1] =	stream.indirect.gather [hbm4b:s4+s2], $0x10, s11, s2, $0xb8;
	[tilespmem:$0x8200] =	vst v63  }
0xa9: {  	_ =	swait.ge [sflag:s7], $0x800  }
0xaa: {  	[sflag:s7] =	ssyncset.done $0x0  }
0xab: {  	s12 =	simm.s32 $0x2800;
	[sflag:s7] =	ssyncadd.s32 $0xFFFFF800  }
0xac: {  	[spmem:s1] =	stream.indirect.scatter.add.f32 [tilespmem:s9], [sflag:$0x1], $0x10, s12, s2, $0xb8;
	[tilespmem:$0x8200] =	vst v63  }
0xad: {  	_ =	swait.ge [sflag:s7], $0x800  }
0xae: {  	s10 =	simm.s32 $0x400;
	s8 =	simm.s32 $0x200;
	[sflag:s7] =	ssyncset.done $0x0  }
.LBB2_6:
0xaf: {  	s11 =	sshra.s32 s8, $0x2  }
0xb0: {  	[sflag:s7] =	ssyncadd.s32 $0xFFFFF800;
	s8 =	smov.u32 s10;
	s12 =	sadd.s32 $0x200, s10  }
0xb1: {  	[tilespmem:s9], [sflag:$0x1] =	stream.indirect.gather [hbm4b:s4+s2], $0x10, s11, s2, $0xb8;
	[tilespmem:$0x8200] =	vst v63  }
0xb2: {  	p1 =	sne.s32 s10, $0x9E00;
	_ =	swait.ge [sflag:s7], $0x800  }
.Ltmp3:
0xb3: {  	[sflag:s7] =	ssyncset.done $0x0;
	(pc) =	sbr.rel @p1 .LBB2_6-.Ltmp3, $4  }
0xb4: {  	s10 =	sadd.s32 $0x2800, s11;
	[sflag:s7] =	ssyncadd.s32 $0xFFFFF800  }
0xb5: {  	[spmem:s1] =	stream.indirect.scatter.add.f32 [tilespmem:s9], [sflag:$0x1], $0x10, s10, s2, $0xb8;
	[tilespmem:$0x8200] =	vst v63  }
0xb6: {  	_ =	swait.ge [sflag:s7], $0x800  }
0xb7: {  	s10 =	smov.u32 s12;
	[sflag:s7] =	ssyncset.done $0x0  }
.Ltmp4:
0xb8: {  	_ = 	snop;
	(pc) =	sbr.rel .LBB2_7-.Ltmp4, $1  }
0xb9: {  	_ =	sdelay $0x3  }
.LBB2_2:
0xba: {  	s10 =	rddreg [dreg:$0x4]  }
0xbb: {  	[tilespmem:s8], [sflag:$0x1] =	stream.linear.gather [hbm4b:s10+s8], $0x2800, $0x38;
	[tilespmem:$0x8200] =	vst v63  }
0xbc: {  	_ =	swait.ge [sflag:s7], $0x2800  }
0xbd: {  	[sflag:s7] =	ssyncset.done $0x0  }
0xbe: {  	s11 =	simm.s32 $0x2800;
	s12 =	rddreg [dreg:$0x5];
	[sflag:s7] =	ssyncadd.s32 $0xFFFFD800  }
0xbf: {  	[tilespmem:s11], [sflag:$0x1] =	stream.linear.gather [hbm4b:s12+s8], $0x2800, $0x38;
	[tilespmem:$0x8200] =	vst v63  }
0xc0: {  	_ =	swait.ge [sflag:s7], $0x2800  }
0xc1: {  	[sflag:s7] =	ssyncset.done $0x0  }
0xc2: {  	s11 =	simm.s32 $0x0;
	[sflag:s7] =	ssyncadd.s32 $0xFFFFD800  }
0xc3: {  	[tilespmem:s9], [sflag:$0x1] =	stream.indirect.gather [hbm4b:s4+s2], $0x10, s11, s2, $0xb8;
	[tilespmem:$0x8200] =	vst v63  }
0xc4: {  	_ =	swait.ge [sflag:s7], $0x800  }
0xc5: {  	[sflag:s7] =	ssyncset.done $0x0  }
0xc6: {  	s12 =	simm.s32 $0x2800;
	[sflag:s7] =	ssyncadd.s32 $0xFFFFF800  }
0xc7: {  	[spmem:s1] =	stream.indirect.scatter.add.f32 [tilespmem:s9], [sflag:$0x1], $0x10, s12, s2, $0xb8;
	[tilespmem:$0x8200] =	vst v63  }
0xc8: {  	_ =	swait.ge [sflag:s7], $0x800  }
0xc9: {  	s10 =	simm.s32 $0x400;
	s8 =	simm.s32 $0x200;
	[sflag:s7] =	ssyncset.done $0x0  }
.LBB2_3:
0xca: {  	s11 =	sshra.s32 s8, $0x2  }
0xcb: {  	[sflag:s7] =	ssyncadd.s32 $0xFFFFF800;
	s8 =	smov.u32 s10;
	s12 =	sadd.s32 $0x200, s10  }
0xcc: {  	[tilespmem:s9], [sflag:$0x1] =	stream.indirect.gather [hbm4b:s4+s2], $0x10, s11, s2, $0xb8;
	[tilespmem:$0x8200] =	vst v63  }
0xcd: {  	p1 =	seq.s32 s10, $0x9E00;
	_ =	swait.ge [sflag:s7], $0x800  }
.Ltmp5:
0xce: {  	[sflag:s7] =	ssyncset.done $0x0;
	(pc) =	sbr.rel @!p1 .LBB2_3-.Ltmp5, $4  }
0xcf: {  	s10 =	sadd.s32 $0x2800, s11;
	[sflag:s7] =	ssyncadd.s32 $0xFFFFF800  }
0xd0: {  	[spmem:s1] =	stream.indirect.scatter.add.f32 [tilespmem:s9], [sflag:$0x1], $0x10, s10, s2, $0xb8;
	[tilespmem:$0x8200] =	vst v63  }
0xd1: {  	_ =	swait.ge [sflag:s7], $0x800  }
0xd2: {  	s10 =	smov.u32 s12;
	[sflag:s7] =	ssyncset.done $0x0  }
0xd3: {  	s8 =	sshra.s32 s8, $0x2;
	[sflag:s7] =	ssyncadd.s32 $0xFFFFF800  }
0xd4: {  	[tilespmem:s9], [sflag:$0x1] =	stream.indirect.gather [hbm4b:s4+s2], $0x10, s8, s2, $0xb8;
	[tilespmem:$0x8200] =	vst v63  }
0xd5: {  	_ =	swait.ge [sflag:s7], $0x800  }
0xd6: {  	[sflag:s7] =	ssyncset.done $0x0  }
.Ltmp6:
0xd7: {  	s8 =	sadd.s32 $0x2800, s8;
	[sflag:s7] =	ssyncadd.s32 $0xFFFFF800;
	(pc) =	sbr.rel .LBB2_8-.Ltmp6, $4  }
0xd8: {  	[spmem:s1] =	stream.indirect.scatter.add.f32 [tilespmem:s9], [sflag:$0x1], $0x10, s8, s2, $0xb8;
	[tilespmem:$0x8200] =	vst v63  }
0xd9: {  	_ =	swait.ge [sflag:s7], $0x800  }
0xda: {  	[sflag:s7] =	ssyncset.done $0x0  }
0xdb: {  	[sflag:s7] =	ssyncadd.s32 $0xFFFFF800  }
.LBB2_9:
0xdc: {  	_ =	sfence.sel $0x180000  }
0xdd: {  	[bflag:$0x0] =	sbarrier.arrive $0xFFFF  }
0xde: {  	_ =	strace $0x90000050  }
0xdf: {  	s0 =	stileid.u32;
	[bflag:$0x2] =	sbarrier.arrive $0xFFFF  }
0xe0: {  	p0 =	sne.s32 s0, $0x0;
	s0 =	rddreg [dreg:$0x3]  }
0xe1: {  	s0 =	sadd.s32 @!p0 $0x100000, s0  }
0xe2: {  	[sflag:s0] =	ssyncadd.tile.s32 @!p0 $0x1;
	_ =	shalt  }
.Lfunc_end2:
_tile_overlayer_lowered:
.L_overlay_start_2:
0xe3: {  	(tag) =	ssettag $0x2  }
0xe4: {  	s0 =	rddreg [dreg:$0x0];
	s2 =	stileid.u32  }
0xe5: {  	s1 =	rddreg [dreg:$0x1];
	p0 =	sne.s32 s2, $0x0  }
0xe6: {  	s3 =	rddreg [dreg:$0x2];
	[bflag:$0x3] =	sbarrier.arrive $0xFFFF;
	s2 =	simm.s32 @!p0 $0x1C01  }
0xe7: {  	[timem:s3], [sflag:s2] =	dma.local @!p0 [hbm:s0], s1  }
0xe8: {  	s0 =	simm.s32 @!p0 $0x1  }
0xe9: {  	_ =	swait.ge @!p0 [sflag:s0], s1  }
0xea: {  	s1 =	ssub.s32 @!p0 $0x0, s1;
	[sflag:s0] =	ssyncset.done @!p0 $0x0  }
0xeb: {  	[sflag:s0] =	ssyncadd.s32 @!p0 s1  }
0xec: {  	[bflag:$0x3] =	sbarrier.arrive $0xFFFF  }
0xed: {  	_ =	shalt  }

// kernel: kernel.24.cloned.1.call-start
scs
__scs_entry_jumppad:
0x0: {  	(pc) =	sbr.rel $0x88, $3  }
0x1: {  	(tag) =	ssettag $0x0;
	lr =	simm.s32 $0x1  }
0x2: {  	[smem:$0x3F97] =	sst lr;
	_ =	strace $0xD0000000  }
0x3: {  	_ = 	snop  }
0x4: {  	_ = 	snop  }
0x5: {  	_ = 	snop  }
0x6: {  	_ = 	snop  }
0x7: {  	_ = 	snop  }
__scs_overlays_trampoline_lowered:
0x8: {  	[smem:$0x3FA6] =	sst s0  }
0x9: {  	[smem:$0x3FA7] =	sst s1  }
0xa: {  	[smem:$0x3FA8] =	sst s2  }
0xb: {  	[smem:$0x3FA9] =	sst s3  }
0xc: {  	[smem:$0x3FAA] =	sst s4  }
0xd: {  	[smem:$0x3FAB] =	sst s5  }
0xe: {  	[smem:$0x3FAC] =	sst s6  }
0xf: {  	[smem:$0x3FAD] =	sst s7  }
0x10: {  	[smem:$0x3FAE] =	sst s8  }
0x11: {  	[smem:$0x3FAF] =	sst s9;
	s0 =	simm.s32 @!p0 $0x0  }
0x12: {  	s1 =	sld [smem:$0x3F95];
	s0 =	simm.s32 @p0 $0x1  }
0x13: {  	[smem:$0x3FB0] =	sst s0;
	s0 =	simm.s32 @!p1 $0x0  }
0x14: {  	s2 =	sld [smem:$0x3F94];
	s0 =	simm.s32 @p1 $0x1  }
0x15: {  	[smem:$0x3FB1] =	sst s0;
	s0 =	simm.s32 @!p2 $0x0  }
0x16: {  	s3 =	sld [smem:$0x3FDB];
	s0 =	simm.s32 @p2 $0x1  }
0x17: {  	s4 =	simm.s32 $0x1BF5;
	[smem:$0x3FB3] =	sst s0  }
0x18: {  	s0 =	sld [smem:$0x3F96];
	_ =	swait.ge [sflag:s4], $0x0  }
0x19: {  	s7 =	sld [smem:$0x3F97]  }
0x1a: {  	s8 =	sadd.s32 $0xFFFFE003, lr  }
0x1b: {  	s9 =	sadd.s32 $0xFFFFFEF7, lr;
	s5 =	simm.s32 $0xFFFFFFFF;
	p2 =	slt.u32 s8, $0xFFFFF086  }
0x1c: {  	p1 =	slt.u32 s9, $0xF7A;
	s5 =	simm.s32 @!p2 $0x0  }
0x1d: {  	s5 =	simm.s32 @p1 $0x1;
	p0 =	seq.s32 s7, s2  }
0x1e: {  	s7 =	smul.u32 @!p0 $0xF7A, s2;
	p2 =	seq.s32 @!p0 s5, $0x0  }
0x1f: {  	s9 =	smul.u32 $0xF7A, s1;
	s8 =	simm.s32 @!p0 $0x1BF5;
	p2 =	por !p2, p0  }
0x20: {  	[sflag:s8] =	ssyncset.s32 @!p0 $0xFFFFF086;
	s6 =	sadd.s32 @!p0 s3, s7;
	s7 =	simm.s32 @!p0 $0x108  }
0x21: {  	s3 =	sadd.s32 s3, s9;
	s6 =	sadd.s32 @!p0 $0x88, s6;
	s7 =	simm.s32 @p2 $0x1082  }
0x22: {  	[simem:s7], [sflag:s8] =	dma.local @!p0 [hbm:s6], $0xF7A  }
0x23: {  	s9 =	sor.u32 $0xD0000000, s2;
	s6 =	simm.s32 $0x108;
	_ =	swait.ge @!p0 [sflag:s8], $0x0  }
0x24: {  	s3 =	sadd.s32 $0x88, s3;
	s6 =	simm.s32 @!p1 $0x1082;
	[sflag:s4] =	ssyncset.s32 $0xFFFFF086  }
0x25: {  	[simem:s6], [sflag:s4] =	dma.local [hbm:s3], $0xF7A  }
0x26: {  	[smem:$0x3F97] =	sst s1;
	(tag) =	ssettag s2;
	_ =	strace s9  }
0x27: {  	s1 =	sld [smem:$0x3FA7]  }
0x28: {  	s2 =	sld [smem:$0x3FA8]  }
0x29: {  	s4 =	sld [smem:$0x3FAA]  }
0x2a: {  	p0 =	seq.s32 s5, $0x0;
	s5 =	sld [smem:$0x3FAB]  }
0x2b: {  	s6 =	sld [smem:$0x3FAC]  }
0x2c: {  	s7 =	sld [smem:$0x3FAD]  }
0x2d: {  	s3 =	simm.s32 $0x108;
	s8 =	sld [smem:$0x3FAE]  }
0x2e: {  	s3 =	simm.s32 @!p0 $0x1082;
	s9 =	sld [smem:$0x3FAF]  }
0x2f: {  	lr =	sadd.s32 s0, s3;
	s0 =	sld [smem:$0x3FA6]  }
0x30: {  	s3 =	sld [smem:$0x3FA9]  }
0x31: {  	[smem:$0x3FB2] =	sst s10  }
0x32: {  	s10 =	sld [smem:$0x3FB0];
	_ =	sdelay $0x3  }
0x33: {  	p0 =	seq.s32 s10, $0x1;
	s10 =	sld [smem:$0x3FB2];
	_ =	sdelay $0x3  }
0x34: {  	[smem:$0x3FB2] =	sst s10  }
0x35: {  	s10 =	sld [smem:$0x3FB1];
	_ =	sdelay $0x3  }
0x36: {  	p1 =	seq.s32 s10, $0x1;
	s10 =	sld [smem:$0x3FB2];
	_ =	sdelay $0x3  }
0x37: {  	[smem:$0x3FB2] =	sst s10  }
0x38: {  	s10 =	sld [smem:$0x3FB3]  }
0x39: {  	_ = 	snop;
	(pc) =	sbr.ind lr, $3  }
0x3a: {  	_ = 	snop  }
0x3b: {  	_ = 	snop  }
0x3c: {  	p2 =	seq.s32 s10, $0x1;
	s10 =	sld [smem:$0x3FB2]  }
0x3d: {  	_ =	shalt  }
0x3e: {  	_ =	shalt  }
0x3f: {  	_ =	shalt  }
0x40: {  	_ =	shalt  }
0x41: {  	_ =	shalt  }
0x42: {  	_ =	shalt  }
0x43: {  	_ =	shalt  }
0x44: {  	_ =	shalt  }
0x45: {  	_ =	shalt  }
0x46: {  	_ =	shalt  }
0x47: {  	_ =	shalt  }
0x48: {  	_ =	shalt  }
0x49: {  	_ =	shalt  }
0x4a: {  	_ =	shalt  }
0x4b: {  	_ =	shalt  }
0x4c: {  	_ =	shalt  }
0x4d: {  	_ =	shalt  }
0x4e: {  	_ =	shalt  }
0x4f: {  	_ =	shalt  }
0x50: {  	_ =	shalt  }
0x51: {  	_ =	shalt  }
0x52: {  	_ =	shalt  }
0x53: {  	_ =	shalt  }
0x54: {  	_ =	shalt  }
0x55: {  	_ =	shalt  }
0x56: {  	_ =	shalt  }
0x57: {  	_ =	shalt  }
0x58: {  	_ =	shalt  }
0x59: {  	_ =	shalt  }
0x5a: {  	_ =	shalt  }
0x5b: {  	_ =	shalt  }
0x5c: {  	_ =	shalt  }
0x5d: {  	_ =	shalt  }
0x5e: {  	_ =	shalt  }
0x5f: {  	_ =	shalt  }
0x60: {  	_ =	shalt  }
0x61: {  	_ =	shalt  }
0x62: {  	_ =	shalt  }
0x63: {  	_ =	shalt  }
0x64: {  	_ =	shalt  }
0x65: {  	_ =	shalt  }
0x66: {  	_ =	shalt  }
0x67: {  	_ =	shalt  }
0x68: {  	_ =	shalt  }
0x69: {  	_ =	shalt  }
0x6a: {  	_ =	shalt  }
0x6b: {  	_ =	shalt  }
0x6c: {  	_ =	shalt  }
0x6d: {  	_ =	shalt  }
0x6e: {  	_ =	shalt  }
0x6f: {  	_ =	shalt  }
0x70: {  	_ =	shalt  }
0x71: {  	_ =	shalt  }
0x72: {  	_ =	shalt  }
0x73: {  	_ =	shalt  }
0x74: {  	_ =	shalt  }
0x75: {  	_ =	shalt  }
0x76: {  	_ =	shalt  }
0x77: {  	_ =	shalt  }
0x78: {  	_ =	shalt  }
0x79: {  	_ =	shalt  }
0x7a: {  	_ =	shalt  }
0x7b: {  	_ =	shalt  }
0x7c: {  	_ =	shalt  }
0x7d: {  	_ =	shalt  }
0x7e: {  	_ =	shalt  }
0x7f: {  	_ =	shalt  }
0x80: {  	_ =	shalt  }
0x81: {  	_ =	shalt  }
0x82: {  	_ =	shalt  }
0x83: {  	_ =	shalt  }
0x84: {  	_ =	shalt  }
0x85: {  	_ =	shalt  }
0x86: {  	_ =	shalt  }
0x87: {  	_ =	shalt  }
.Lfunc_end0:
.L_simem_size_0:
called_computation.4_lowered:
.L_overlay_start_0:
0x88: {  	s2 =	sld [smem:$0x3FD9]  }
0x89: {  	s3 =	sld [smem:$0x3FFE];
	_ =	sdelay $0x1  }
0x8a: {  	s1 =	srdreg.scid  }
0x8b: {  	s0 =	sand.u32 $0x1, s1  }
0x8c: {  	s17 =	sshll.u32 s0, $0xA;
	s2 =	sadd.s32 s3, s2  }
0x8d: {  	s2 =	sadd.s32 s2, s17  }
0x8e: {  	[smem:$0x3FBE] =	sst s2  }
0x8f: {  	_ = 	snop  }
0x90: {  	s2 =	sld [smem:$0x3FD0];
	(tm) =	ssettm $0x1  }
0x91: {  	s18 =	sld [smem:$0x3FFB];
	_ =	sdelay $0x3  }
0x92: {  	_ =	strace s18  }
0x93: {  	s3 =	sld [smem:$0x3FFC];
	_ =	sdelay $0x3  }
0x94: {  	_ =	strace s3  }
0x95: {  	s3 =	sld [smem:$0x3FFD];
	_ =	sdelay $0x3  }
0x96: {  	_ =	strace s3  }
0x97: {  	_ =	strace $0x8FFFFFFF  }
0x98: {  	s19 =	sld [smem:$0x3FDB];
	_ =	sdelay $0x1  }
0x99: {  	s4 =	simm.s32 $_scs_section_size  }
0x9a: {  	s5 =	simm.s32 $_size__tile_overlayer_lowered;
	s6 =	simm.s32 $_tile_overlayer_lowered  }
0x9b: {  	s22 =	simm.s32 $0x1BFF;
	s21 =	sshll.u32 s6, $0x1;
	s3 =	sadd.s32 s4, s19  }
0x9c: {  	s7 =	simm.s32 $0x0;
	s20 =	sshll.u32 s5, $0x1;
	s5 =	sadd.s32 s21, s3  }
0x9d: {  	[timem:s7], [sflag:s22] =	dma.local [hbm:s5], s20  }
0x9e: {  	_ =	swait.ge [sflag:s22], s20  }
0x9f: {  	s4 =	ssub.s32 $0x0, s20;
	[sflag:s22] =	ssyncset.done $0x0  }
0xa0: {  	[sflag:s22] =	ssyncadd.s32 s4;
	_ =	sdelay $0x1  }
0xa1: {  	s23 =	simm.s32 $0x1B8B  }
0xa2: {  	_ =	swait.ge [sflag:s23], $0x1  }
0xa3: {  	[sflag:s23] =	ssyncset.done $0x0  }
0xa4: {  	s25 =	simm.s32 $0x1B8E;
	s24 =	sld [smem:$0x3FFE];
	[sflag:s23] =	ssyncadd.s32 $0xFFFFFFFF  }
0xa5: {  	s26 =	simm.s32 $execute0_lowered;
	[smem:$0x3FD2] =	sst s25  }
0xa6: {  	s5 =	sshll.u32 s26, $0x1;
	_ =	strace $0x80000052;
	[dreg:$0x1] =	wrdreg $0xFFFFFFFF  }
0xa7: {  	s28 =	simm.s32 $_size_execute0_lowered;
	s3 =	sadd.s32 s3, s5;
	[dreg:$0x0] =	wrdreg $0x0  }
0xa8: {  	s5 =	sshll.u32 s28, $0x1;
	[dreg:$0x2] =	wrdreg s3  }
0xa9: {  	[dreg:$0x3] =	wrdreg s5  }
0xaa: {  	[dreg:$0x4] =	wrdreg $0xC0  }
0xab: {  	_ =	task [dreg:s7], $0x5FFFF  }
0xac: {  	[dreg:$0x1] =	wrdreg $0xFFFFFFFF  }
0xad: {  	[dreg:$0x0] =	wrdreg $0x60  }
0xae: {  	[dreg:$0x2] =	wrdreg s24  }
0xaf: {  	[dreg:$0x3] =	wrdreg s2  }
0xb0: {  	[dreg:$0x4] =	wrdreg $0x5A000  }
0xb1: {  	[dreg:$0x5] =	wrdreg $0x9  }
0xb2: {  	_ =	task.clear_ibuf [dreg:s7], $0x6FFFF;
	_ =	strace $0x90000052  }
0xb3: {  	s29 =	simm.s32 $0x9;
	_ =	strace $0x80000054  }
0xb4: {  	_ =	swait.ge [sflag:s29], $0x1  }
0xb5: {  	[sflag:s29] =	ssyncadd.s32 $0xFFFFFFFF  }
0xb6: {  	_ =	strace $0x90000054  }
0xb7: {  	_ =	sfence  }
0xb8: {  	s30 =	sld [smem:$0x0];
	_ =	sdelay $0x2  }
0xb9: {  	s31 =	sshll.u32 s1, $0xD;
	s1 =	sshrl.u32 s1, $0x2  }
0xba: {  	s3 =	sand.u32 $0x4000, s31;
	s1 =	sadd.s32 s1, s30  }
0xbb: {  	s0 =	sor.u32 s3, s0;
	s1 =	sshll.u32 s1, $0x11  }
0xbc: {  	s0 =	sor.u32 s1, s0  }
0xbd: {  	s0 =	sadd.s32 $0x8F2B, s0  }
0xbe: {  	[sflag:s0] =	ssyncadd.remote.s32 $0x1  }
0xbf: {  	_ =	sfence.sel $0xFFFF  }
0xc0: {  	[dreg:$0x0] =	wrdreg $0xFFFFFFFF;
	(pc) =	sbr.abs _section_cstart, $3  }
0xc1: {  	[dreg:$0x1] =	wrdreg $0xFFFFFFFF  }
0xc2: {  	_ =	task.clear_ibuf [dreg:s7], $0x2FFFF;
	_ =	strace $0x9FFFFFFF  }
0xc3: {  	(tm) =	ssettm $0x7FFFFFFF  }
tec
execute0_lowered:
.L_overlay_start_1:
0x0: {  	(tag) =	ssettag $0x1  }
0x1: {  	s0 =	rddreg [dreg:$0x0]  }
0x2: {  	s2 =	rddreg [dreg:$0x1]  }
0x3: {  	s1 =	rddreg [dreg:$0x2]  }
0x4: {  	s3 =	simm.s32 $0x0;
	s10 =	stileid.u32;
	s5 =	srdreg.scid  }
0x5: {  	[smem:$0x7FF] =	sst s3;
	s6 =	smul.u32 $0xA000, s10  }
0x6: {  	s4 =	sadd.s32 $0x17000, s0;
	s7 =	sadd.s32 $0x3000, s0;
	s9 =	smul.u32 $0x500, s10  }
0x7: {  	s8 =	sand.u32 $0x1, s5;
	s0 =	sadd.s32 $0xD000, s0;
	s10 =	smul.u32 $0x2800, s10  }
0x8: {  	_ =	strace $0x80000053;
	s5 =	ssub.s32 $0x2, s8;
	s12 =	smul.u32 $0x28000, s8  }
0x9: {  	p0 =	seq.s32 s8, $0x1;
	s11 =	sshrl.u32 s5, $0x1;
	s6 =	sshrl.u32 s6, $0x2  }
0xa: {  	s24 =	sadd.s32 s7, s9;
	s25 =	sshrl.u32 s10, $0x3;
	s9 =	sadd.s32 s0, s9  }
0xb: {  	s11 =	ssub.s32 s5, s11;
	s5 =	sadd.s32 s6, s1;
	[dreg:$0x4] =	wrdreg s24  }
0xc: {  	s26 =	sadd.s32 s10, s12;
	[dreg:$0x5] =	wrdreg s9;
	s6 =	sadd.s32 $0x5000, s25  }
0xd: {  	s12 =	sadd.s32 s10, s1;
	s8 =	sshrl.u32 s26, $0x3;
	s7 =	sadd.s32 s7, s6  }
0xe: {  	s0 =	sadd.s32 s0, s6;
	s25 =	smax.u32 s11, $0x1;
	s26 =	sadd.s32 $0x200, s5  }
0xf: {  	s13 =	sadd.s32 $0x400, s5;
	s14 =	sadd.s32 $0x600, s5;
	s15 =	sadd.s32 $0x800, s5  }
0x10: {  	s16 =	sadd.s32 $0xA00, s5;
	s17 =	sadd.s32 $0xC00, s5;
	s18 =	sadd.s32 $0xE00, s5  }
0x11: {  	s19 =	sadd.s32 $0x1000, s5;
	s20 =	sadd.s32 $0x1200, s5;
	s21 =	sadd.s32 $0x1400, s5  }
0x12: {  	s22 =	sadd.s32 $0x1600, s5;
	s23 =	sadd.s32 $0x1800, s5;
	s24 =	sadd.s32 $0x1A00, s5  }
0x13: {  	s28 =	sadd.s32 $0x1E00, s5;
	s29 =	sadd.s32 $0x2000, s5;
	[dreg:$0x6] =	wrdreg s7  }
.Ltmp0:
0x14: {  	s30 =	sadd.s32 $0x2200, s5;
	[dreg:$0x7] =	wrdreg s0;
	(pc) =	sbr.rel .LBB2_1-.Ltmp0, $4  }
0x15: {  	s31 =	sadd.s32 $0x2400, s5;
	s6 =	simm.s32 $0x5800;
	[dreg:$0x9] =	wrdreg s25  }
0x16: {  	s9 =	sadd.s32 s2, s8;
	[dreg:$0xa] =	wrdreg s26;
	s25 =	sshrl.u32 s12, $0x3  }
0x17: {  	s26 =	sadd.s32 $0x1C00, s5;
	s0 =	sadd.s32 $0x2600, s5;
	s7 =	simm.s32 $0x1  }
0x18: {  	v0 =	vimm.f32 $0.0e+00;
	s2 =	simm.s32 $0x80;
	[dreg:$0x8] =	wrdreg s9;
	s9 =	simm.s32 $0x5000  }
.LBB2_7:
0x19: {  	s8 =	sshra.s32 s8, $0x2;
	[sflag:s7] =	ssyncadd.s32 $0xFFFFF800  }
0x1a: {  	[tilespmem:s9], [sflag:$0x1] =	stream.indirect.gather [hbm4b:s4+s2], $0x10, s8, s2, $0xb8;
	[tilespmem:$0x8200] =	vst v63  }
0x1b: {  	_ =	swait.ge [sflag:s7], $0x800  }
0x1c: {  	[sflag:s7] =	ssyncset.done $0x0  }
0x1d: {  	s8 =	sadd.s32 $0x2800, s8;
	[sflag:s7] =	ssyncadd.s32 $0xFFFFF800  }
0x1e: {  	[spmem:s1] =	stream.indirect.scatter.add.f32 [tilespmem:s9], [sflag:$0x1], $0x10, s8, s2, $0xb8;
	[tilespmem:$0x8200] =	vst v63  }
0x1f: {  	_ =	swait.ge [sflag:s7], $0x800  }
0x20: {  	[sflag:s7] =	ssyncset.done $0x0  }
0x21: {  	[sflag:s7] =	ssyncadd.s32 $0xFFFFF800  }
.LBB2_8:
0x22: {  	s8 =	stileid.u32  }
0x23: {  	[bflag:$0x0] =	sbarrier.arrive $0xFFFF;
	s8 =	sshll.u32 s8, $0x6  }
0x24: {  	s10 =	rddreg [dreg:$0x8];
	s8 =	sor.u32 $0x1C01, s8  }
0x25: {  	[hbm:s10], [sflag:s8] =	dma.local [spmem:s25], $0x500  }
0x26: {  	_ =	swait.ge [sflag:s7], $0x500  }
0x27: {  	s3 =	sadd.s32 $0x1, s3;
	s12 =	rddreg [dreg:$0x9]  }
0x28: {  	p1 =	sne.s32 s3, s12  }
.Ltmp1:
0x29: {  	_ = 	snop;
	(pc) =	sbr.rel @!p1 .LBB2_9-.Ltmp1, $3  }
0x2a: {  	_ =	sdelay $0x1  }
0x2b: {  	[sflag:s7] =	ssyncset.done $0x0  }
0x2c: {  	[sflag:s7] =	ssyncadd.s32 $0xFFFFFB00  }
.LBB2_1:
0x2d: {  	[tilespmem:$0x5800] =	vst v0  }
0x2e: {  	[tilespmem:$0x5810] =	vst v0  }
0x2f: {  	[tilespmem:$0x5820] =	vst v0  }
0x30: {  	[tilespmem:$0x5830] =	vst v0  }
0x31: {  	[tilespmem:$0x5840] =	vst v0  }
0x32: {  	[tilespmem:$0x5850] =	vst v0  }
0x33: {  	[tilespmem:$0x5860] =	vst v0  }
0x34: {  	[tilespmem:$0x5870] =	vst v0  }
0x35: {  	[tilespmem:$0x5880] =	vst v0  }
0x36: {  	[tilespmem:$0x5890] =	vst v0  }
0x37: {  	[tilespmem:$0x58A0] =	vst v0  }
0x38: {  	[tilespmem:$0x58B0] =	vst v0  }
0x39: {  	[tilespmem:$0x58C0] =	vst v0  }
0x3a: {  	[tilespmem:$0x58D0] =	vst v0  }
0x3b: {  	[tilespmem:$0x58E0] =	vst v0  }
0x3c: {  	[tilespmem:$0x58F0] =	vst v0  }
0x3d: {  	[tilespmem:$0x5900] =	vst v0  }
0x3e: {  	[tilespmem:$0x5910] =	vst v0  }
0x3f: {  	[tilespmem:$0x5920] =	vst v0  }
0x40: {  	[tilespmem:$0x5930] =	vst v0  }
0x41: {  	[tilespmem:$0x5940] =	vst v0  }
0x42: {  	[tilespmem:$0x5950] =	vst v0  }
0x43: {  	[tilespmem:$0x5960] =	vst v0  }
0x44: {  	[tilespmem:$0x5970] =	vst v0  }
0x45: {  	[tilespmem:$0x5980] =	vst v0  }
0x46: {  	[tilespmem:$0x5990] =	vst v0  }
0x47: {  	[tilespmem:$0x59A0] =	vst v0  }
0x48: {  	[tilespmem:$0x59B0] =	vst v0  }
0x49: {  	[tilespmem:$0x59C0] =	vst v0  }
0x4a: {  	[tilespmem:$0x59D0] =	vst v0  }
0x4b: {  	[tilespmem:$0x59E0] =	vst v0  }
0x4c: {  	[tilespmem:$0x59F0] =	vst v0  }
0x4d: {  	[spmem:s5] =	stream.linear.scatter [tilespmem:s6], [sflag:$0x1], $0x200, $0x38;
	[tilespmem:$0x8200] =	vst v63  }
0x4e: {  	_ =	swait.ge [sflag:s7], $0x200  }
0x4f: {  	[sflag:s7] =	ssyncset.done $0x0  }
0x50: {  	s8 =	rddreg [dreg:$0xa];
	[sflag:s7] =	ssyncadd.s32 $0xFFFFFE00  }
0x51: {  	[spmem:s8] =	stream.linear.scatter [tilespmem:s6], [sflag:$0x1], $0x200, $0x38;
	[tilespmem:$0x8200] =	vst v63  }
0x52: {  	_ =	swait.ge [sflag:s7], $0x200  }
0x53: {  	[sflag:s7] =	ssyncset.done $0x0  }
0x54: {  	[sflag:s7] =	ssyncadd.s32 $0xFFFFFE00  }
0x55: {  	[spmem:s13] =	stream.linear.scatter [tilespmem:s6], [sflag:$0x1], $0x200, $0x38;
	[tilespmem:$0x8200] =	vst v63  }
0x56: {  	_ =	swait.ge [sflag:s7], $0x200  }
0x57: {  	[sflag:s7] =	ssyncset.done $0x0  }
0x58: {  	[sflag:s7] =	ssyncadd.s32 $0xFFFFFE00  }
0x59: {  	[spmem:s14] =	stream.linear.scatter [tilespmem:s6], [sflag:$0x1], $0x200, $0x38;
	[tilespmem:$0x8200] =	vst v63  }
0x5a: {  	_ =	swait.ge [sflag:s7], $0x200  }
0x5b: {  	[sflag:s7] =	ssyncset.done $0x0  }
0x5c: {  	[sflag:s7] =	ssyncadd.s32 $0xFFFFFE00  }
0x5d: {  	[spmem:s15] =	stream.linear.scatter [tilespmem:s6], [sflag:$0x1], $0x200, $0x38;
	[tilespmem:$0x8200] =	vst v63  }
0x5e: {  	_ =	swait.ge [sflag:s7], $0x200  }
0x5f: {  	[sflag:s7] =	ssyncset.done $0x0  }
0x60: {  	[sflag:s7] =	ssyncadd.s32 $0xFFFFFE00  }
0x61: {  	[spmem:s16] =	stream.linear.scatter [tilespmem:s6], [sflag:$0x1], $0x200, $0x38;
	[tilespmem:$0x8200] =	vst v63  }
0x62: {  	_ =	swait.ge [sflag:s7], $0x200  }
0x63: {  	[sflag:s7] =	ssyncset.done $0x0  }
0x64: {  	[sflag:s7] =	ssyncadd.s32 $0xFFFFFE00  }
0x65: {  	[spmem:s17] =	stream.linear.scatter [tilespmem:s6], [sflag:$0x1], $0x200, $0x38;
	[tilespmem:$0x8200] =	vst v63  }
0x66: {  	_ =	swait.ge [sflag:s7], $0x200  }
0x67: {  	[sflag:s7] =	ssyncset.done $0x0  }
0x68: {  	[sflag:s7] =	ssyncadd.s32 $0xFFFFFE00  }
0x69: {  	[spmem:s18] =	stream.linear.scatter [tilespmem:s6], [sflag:$0x1], $0x200, $0x38;
	[tilespmem:$0x8200] =	vst v63  }
0x6a: {  	_ =	swait.ge [sflag:s7], $0x200  }
0x6b: {  	[sflag:s7] =	ssyncset.done $0x0  }
0x6c: {  	[sflag:s7] =	ssyncadd.s32 $0xFFFFFE00  }
0x6d: {  	[spmem:s19] =	stream.linear.scatter [tilespmem:s6], [sflag:$0x1], $0x200, $0x38;
	[tilespmem:$0x8200] =	vst v63  }
0x6e: {  	_ =	swait.ge [sflag:s7], $0x200  }
0x6f: {  	[sflag:s7] =	ssyncset.done $0x0  }
0x70: {  	[sflag:s7] =	ssyncadd.s32 $0xFFFFFE00  }
0x71: {  	[spmem:s20] =	stream.linear.scatter [tilespmem:s6], [sflag:$0x1], $0x200, $0x38;
	[tilespmem:$0x8200] =	vst v63  }
0x72: {  	_ =	swait.ge [sflag:s7], $0x200  }
0x73: {  	[sflag:s7] =	ssyncset.done $0x0  }
0x74: {  	[sflag:s7] =	ssyncadd.s32 $0xFFFFFE00  }
0x75: {  	[spmem:s21] =	stream.linear.scatter [tilespmem:s6], [sflag:$0x1], $0x200, $0x38;
	[tilespmem:$0x8200] =	vst v63  }
0x76: {  	_ =	swait.ge [sflag:s7], $0x200  }
0x77: {  	[sflag:s7] =	ssyncset.done $0x0  }
0x78: {  	[sflag:s7] =	ssyncadd.s32 $0xFFFFFE00  }
0x79: {  	[spmem:s22] =	stream.linear.scatter [tilespmem:s6], [sflag:$0x1], $0x200, $0x38;
	[tilespmem:$0x8200] =	vst v63  }
0x7a: {  	_ =	swait.ge [sflag:s7], $0x200  }
0x7b: {  	[sflag:s7] =	ssyncset.done $0x0  }
0x7c: {  	[sflag:s7] =	ssyncadd.s32 $0xFFFFFE00  }
0x7d: {  	[spmem:s23] =	stream.linear.scatter [tilespmem:s6], [sflag:$0x1], $0x200, $0x38;
	[tilespmem:$0x8200] =	vst v63  }
0x7e: {  	_ =	swait.ge [sflag:s7], $0x200  }
0x7f: {  	[sflag:s7] =	ssyncset.done $0x0  }
0x80: {  	[sflag:s7] =	ssyncadd.s32 $0xFFFFFE00  }
0x81: {  	[spmem:s24] =	stream.linear.scatter [tilespmem:s6], [sflag:$0x1], $0x200, $0x38;
	[tilespmem:$0x8200] =	vst v63  }
0x82: {  	_ =	swait.ge [sflag:s7], $0x200  }
0x83: {  	[sflag:s7] =	ssyncset.done $0x0  }
0x84: {  	[sflag:s7] =	ssyncadd.s32 $0xFFFFFE00  }
0x85: {  	[spmem:s26] =	stream.linear.scatter [tilespmem:s6], [sflag:$0x1], $0x200, $0x38;
	[tilespmem:$0x8200] =	vst v63  }
0x86: {  	_ =	swait.ge [sflag:s7], $0x200  }
0x87: {  	[sflag:s7] =	ssyncset.done $0x0  }
0x88: {  	[sflag:s7] =	ssyncadd.s32 $0xFFFFFE00  }
0x89: {  	[spmem:s28] =	stream.linear.scatter [tilespmem:s6], [sflag:$0x1], $0x200, $0x38;
	[tilespmem:$0x8200] =	vst v63  }
0x8a: {  	_ =	swait.ge [sflag:s7], $0x200  }
0x8b: {  	[sflag:s7] =	ssyncset.done $0x0  }
0x8c: {  	[sflag:s7] =	ssyncadd.s32 $0xFFFFFE00  }
0x8d: {  	[spmem:s29] =	stream.linear.scatter [tilespmem:s6], [sflag:$0x1], $0x200, $0x38;
	[tilespmem:$0x8200] =	vst v63  }
0x8e: {  	_ =	swait.ge [sflag:s7], $0x200  }
0x8f: {  	[sflag:s7] =	ssyncset.done $0x0  }
0x90: {  	[sflag:s7] =	ssyncadd.s32 $0xFFFFFE00  }
0x91: {  	[spmem:s30] =	stream.linear.scatter [tilespmem:s6], [sflag:$0x1], $0x200, $0x38;
	[tilespmem:$0x8200] =	vst v63  }
0x92: {  	_ =	swait.ge [sflag:s7], $0x200  }
0x93: {  	[sflag:s7] =	ssyncset.done $0x0  }
0x94: {  	[sflag:s7] =	ssyncadd.s32 $0xFFFFFE00  }
0x95: {  	[spmem:s31] =	stream.linear.scatter [tilespmem:s6], [sflag:$0x1], $0x200, $0x38;
	[tilespmem:$0x8200] =	vst v63  }
0x96: {  	_ =	swait.ge [sflag:s7], $0x200  }
0x97: {  	[sflag:s7] =	ssyncset.done $0x0  }
0x98: {  	[sflag:s7] =	ssyncadd.s32 $0xFFFFFE00  }
0x99: {  	[spmem:s0] =	stream.linear.scatter [tilespmem:s6], [sflag:$0x1], $0x200, $0x38;
	[tilespmem:$0x8200] =	vst v63  }
.Ltmp2:
0x9a: {  	_ =	swait.ge [sflag:s7], $0x200;
	(pc) =	sbr.rel @!p0 .LBB2_2-.Ltmp2, $4  }
0x9b: {  	[sflag:s7] =	ssyncset.done $0x0  }
0x9c: {  	[sflag:s7] =	ssyncadd.s32 $0xFFFFFE00  }
0x9d: {  	[bflag:$0x0] =	sbarrier.arrive $0xFFFF  }
0x9e: {  	s8 =	simm.s32 $0x0  }
0x9f: {  	s10 =	rddreg [dreg:$0x6]  }
0xa0: {  	[tilespmem:s8], [sflag:$0x1] =	stream.linear.gather [hbm4b:s10+s8], $0x2800, $0x38;
	[tilespmem:$0x8200] =	vst v63  }
0xa1: {  	_ =	swait.ge [sflag:s7], $0x2800  }
0xa2: {  	[sflag:s7] =	ssyncset.done $0x0  }
0xa3: {  	s11 =	simm.s32 $0x2800;
	s12 =	rddreg [dreg:$0x7];
	[sflag:s7] =	ssyncadd.s32 $0xFFFFD800  }
0xa4: {  	[tilespmem:s11], [sflag:$0x1] =	stream.linear.gather [hbm4b:s12+s8], $0x2800, $0x38;
	[tilespmem:$0x8200] =	vst v63  }
0xa5: {  	_ =	swait.ge [sflag:s7], $0x2800  }
0xa6: {  	[sflag:s7] =	ssyncset.done $0x0  }
0xa7: {  	s11 =	simm.s32 $0x0;
	[sflag:s7] =	ssyncadd.s32 $0xFFFFD800  }
0xa8: {  	[tilespmem:s9], [sflag:$0x1] =	stream.indirect.gather [hbm4b:s4+s2], $0x10, s11, s2, $0xb8;
	[tilespmem:$0x8200] =	vst v63  }
0xa9: {  	_ =	swait.ge [sflag:s7], $0x800  }
0xaa: {  	[sflag:s7] =	ssyncset.done $0x0  }
0xab: {  	s12 =	simm.s32 $0x2800;
	[sflag:s7] =	ssyncadd.s32 $0xFFFFF800  }
0xac: {  	[spmem:s1] =	stream.indirect.scatter.add.f32 [tilespmem:s9], [sflag:$0x1], $0x10, s12, s2, $0xb8;
	[tilespmem:$0x8200] =	vst v63  }
0xad: {  	_ =	swait.ge [sflag:s7], $0x800  }
0xae: {  	s10 =	simm.s32 $0x400;
	s8 =	simm.s32 $0x200;
	[sflag:s7] =	ssyncset.done $0x0  }
.LBB2_6:
0xaf: {  	s11 =	sshra.s32 s8, $0x2  }
0xb0: {  	[sflag:s7] =	ssyncadd.s32 $0xFFFFF800;
	s8 =	smov.u32 s10;
	s12 =	sadd.s32 $0x200, s10  }
0xb1: {  	[tilespmem:s9], [sflag:$0x1] =	stream.indirect.gather [hbm4b:s4+s2], $0x10, s11, s2, $0xb8;
	[tilespmem:$0x8200] =	vst v63  }
0xb2: {  	p1 =	sne.s32 s10, $0x9E00;
	_ =	swait.ge [sflag:s7], $0x800  }
.Ltmp3:
0xb3: {  	[sflag:s7] =	ssyncset.done $0x0;
	(pc) =	sbr.rel @p1 .LBB2_6-.Ltmp3, $4  }
0xb4: {  	s10 =	sadd.s32 $0x2800, s11;
	[sflag:s7] =	ssyncadd.s32 $0xFFFFF800  }
0xb5: {  	[spmem:s1] =	stream.indirect.scatter.add.f32 [tilespmem:s9], [sflag:$0x1], $0x10, s10, s2, $0xb8;
	[tilespmem:$0x8200] =	vst v63  }
0xb6: {  	_ =	swait.ge [sflag:s7], $0x800  }
0xb7: {  	s10 =	smov.u32 s12;
	[sflag:s7] =	ssyncset.done $0x0  }
.Ltmp4:
0xb8: {  	_ = 	snop;
	(pc) =	sbr.rel .LBB2_7-.Ltmp4, $1  }
0xb9: {  	_ =	sdelay $0x3  }
.LBB2_2:
0xba: {  	s10 =	rddreg [dreg:$0x4]  }
0xbb: {  	[tilespmem:s8], [sflag:$0x1] =	stream.linear.gather [hbm4b:s10+s8], $0x2800, $0x38;
	[tilespmem:$0x8200] =	vst v63  }
0xbc: {  	_ =	swait.ge [sflag:s7], $0x2800  }
0xbd: {  	[sflag:s7] =	ssyncset.done $0x0  }
0xbe: {  	s11 =	simm.s32 $0x2800;
	s12 =	rddreg [dreg:$0x5];
	[sflag:s7] =	ssyncadd.s32 $0xFFFFD800  }
0xbf: {  	[tilespmem:s11], [sflag:$0x1] =	stream.linear.gather [hbm4b:s12+s8], $0x2800, $0x38;
	[tilespmem:$0x8200] =	vst v63  }
0xc0: {  	_ =	swait.ge [sflag:s7], $0x2800  }
0xc1: {  	[sflag:s7] =	ssyncset.done $0x0  }
0xc2: {  	s11 =	simm.s32 $0x0;
	[sflag:s7] =	ssyncadd.s32 $0xFFFFD800  }
0xc3: {  	[tilespmem:s9], [sflag:$0x1] =	stream.indirect.gather [hbm4b:s4+s2], $0x10, s11, s2, $0xb8;
	[tilespmem:$0x8200] =	vst v63  }
0xc4: {  	_ =	swait.ge [sflag:s7], $0x800  }
0xc5: {  	[sflag:s7] =	ssyncset.done $0x0  }
0xc6: {  	s12 =	simm.s32 $0x2800;
	[sflag:s7] =	ssyncadd.s32 $0xFFFFF800  }
0xc7: {  	[spmem:s1] =	stream.indirect.scatter.add.f32 [tilespmem:s9], [sflag:$0x1], $0x10, s12, s2, $0xb8;
	[tilespmem:$0x8200] =	vst v63  }
0xc8: {  	_ =	swait.ge [sflag:s7], $0x800  }
0xc9: {  	s10 =	simm.s32 $0x400;
	s8 =	simm.s32 $0x200;
	[sflag:s7] =	ssyncset.done $0x0  }
.LBB2_3:
0xca: {  	s11 =	sshra.s32 s8, $0x2  }
0xcb: {  	[sflag:s7] =	ssyncadd.s32 $0xFFFFF800;
	s8 =	smov.u32 s10;
	s12 =	sadd.s32 $0x200, s10  }
0xcc: {  	[tilespmem:s9], [sflag:$0x1] =	stream.indirect.gather [hbm4b:s4+s2], $0x10, s11, s2, $0xb8;
	[tilespmem:$0x8200] =	vst v63  }
0xcd: {  	p1 =	seq.s32 s10, $0x9E00;
	_ =	swait.ge [sflag:s7], $0x800  }
.Ltmp5:
0xce: {  	[sflag:s7] =	ssyncset.done $0x0;
	(pc) =	sbr.rel @!p1 .LBB2_3-.Ltmp5, $4  }
0xcf: {  	s10 =	sadd.s32 $0x2800, s11;
	[sflag:s7] =	ssyncadd.s32 $0xFFFFF800  }
0xd0: {  	[spmem:s1] =	stream.indirect.scatter.add.f32 [tilespmem:s9], [sflag:$0x1], $0x10, s10, s2, $0xb8;
	[tilespmem:$0x8200] =	vst v63  }
0xd1: {  	_ =	swait.ge [sflag:s7], $0x800  }
0xd2: {  	s10 =	smov.u32 s12;
	[sflag:s7] =	ssyncset.done $0x0  }
0xd3: {  	s8 =	sshra.s32 s8, $0x2;
	[sflag:s7] =	ssyncadd.s32 $0xFFFFF800  }
0xd4: {  	[tilespmem:s9], [sflag:$0x1] =	stream.indirect.gather [hbm4b:s4+s2], $0x10, s8, s2, $0xb8;
	[tilespmem:$0x8200] =	vst v63  }
0xd5: {  	_ =	swait.ge [sflag:s7], $0x800  }
0xd6: {  	[sflag:s7] =	ssyncset.done $0x0  }
.Ltmp6:
0xd7: {  	s8 =	sadd.s32 $0x2800, s8;
	[sflag:s7] =	ssyncadd.s32 $0xFFFFF800;
	(pc) =	sbr.rel .LBB2_8-.Ltmp6, $4  }
0xd8: {  	[spmem:s1] =	stream.indirect.scatter.add.f32 [tilespmem:s9], [sflag:$0x1], $0x10, s8, s2, $0xb8;
	[tilespmem:$0x8200] =	vst v63  }
0xd9: {  	_ =	swait.ge [sflag:s7], $0x800  }
0xda: {  	[sflag:s7] =	ssyncset.done $0x0  }
0xdb: {  	[sflag:s7] =	ssyncadd.s32 $0xFFFFF800  }
.LBB2_9:
0xdc: {  	_ =	sfence.sel $0x180000  }
0xdd: {  	[bflag:$0x0] =	sbarrier.arrive $0xFFFF  }
0xde: {  	_ =	strace $0x90000053  }
0xdf: {  	s0 =	stileid.u32;
	[bflag:$0x2] =	sbarrier.arrive $0xFFFF  }
0xe0: {  	p0 =	sne.s32 s0, $0x0;
	s0 =	rddreg [dreg:$0x3]  }
0xe1: {  	s0 =	sadd.s32 @!p0 $0x100000, s0  }
0xe2: {  	[sflag:s0] =	ssyncadd.tile.s32 @!p0 $0x1;
	_ =	shalt  }
.Lfunc_end2:
_tile_overlayer_lowered:
.L_overlay_start_2:
0xe3: {  	(tag) =	ssettag $0x2  }
0xe4: {  	s0 =	rddreg [dreg:$0x0];
	s2 =	stileid.u32  }
0xe5: {  	s1 =	rddreg [dreg:$0x1];
	p0 =	sne.s32 s2, $0x0  }
0xe6: {  	s3 =	rddreg [dreg:$0x2];
	[bflag:$0x3] =	sbarrier.arrive $0xFFFF;
	s2 =	simm.s32 @!p0 $0x1C01  }
0xe7: {  	[timem:s3], [sflag:s2] =	dma.local @!p0 [hbm:s0], s1  }
0xe8: {  	s0 =	simm.s32 @!p0 $0x1  }
0xe9: {  	_ =	swait.ge @!p0 [sflag:s0], s1  }
0xea: {  	s1 =	ssub.s32 @!p0 $0x0, s1;
	[sflag:s0] =	ssyncset.done @!p0 $0x0  }
0xeb: {  	[sflag:s0] =	ssyncadd.s32 @!p0 s1  }
0xec: {  	[bflag:$0x3] =	sbarrier.arrive $0xFFFF  }
0xed: {  	_ =	shalt  }

</sc_bundles>
